<compile_context>
chip_gen: v7x
topology: tpu7x:2x2x1
jax: 0.10.2.dev20260603
libtpu: 0.0.44.dev20260713+nightly
codegen_flags: <defaults>
</compile_context>

<pallas_src>
import functools

import jax
import jax.numpy as jnp
from jax import lax
from jax.experimental import pallas as pl
from jax.experimental.pallas import tpu as pltpu
from jax.experimental.pallas import tpu_sc as plsc

N = 10000
E = 320000
D = 128
L = 3

DH = D // 2
NP = 10240
NTILES = 16
NCORES = 2
EC = 128
NCH = 160
EPT = NCH * EC
EPAD = NTILES * EPT
RPT = NP // NTILES
NBUF = 5
BR = 1280



def _sc_body(m_hbm, src_hbm, dst_hbm, out_hbm, src_v, dst_v, buf_v, acc_sh,
             g0, g1, g2, g3, g4):
    gsems = (g0, g1, g2, g3, g4)
    cid = lax.axis_index("c")
    sid = lax.axis_index("s")

    zeros16 = jnp.zeros((16,), jnp.float32)

    def zrow(i, carry):
        r = i // (DH // 16)
        c0 = (i % (DH // 16)) * 16
        buf_v[0, r, pl.ds(c0, 16)] = zeros16
        return carry

    lax.fori_loop(0, EC * (DH // 16), zrow, 0)

    row0 = sid * RPT

    def zacc(k, carry):
        pltpu.sync_copy(buf_v.at[0], acc_sh.at[pl.ds(row0 + k * EC, EC)])
        return carry

    lax.fori_loop(0, RPT // EC, zacc, 0)

    pltpu.sync_copy(src_hbm.at[cid, sid], src_v)
    pltpu.sync_copy(dst_hbm.at[sid], dst_v)

    plsc.subcore_barrier()

    for b in range(NBUF):
        pltpu.async_copy(m_hbm.at[src_v.at[b]], buf_v.at[b], gsems[b])

    def group(g, carry):
        for b in range(NBUF):
            c = g * NBUF + b
            pltpu.make_async_copy(m_hbm.at[src_v.at[c]], buf_v.at[b],
                                  gsems[b]).wait()
            pltpu.sync_copy(buf_v.at[b], acc_sh.at[dst_v.at[c]], add=True)
            cn = c + NBUF

            @pl.when(cn < NCH)
            def _():
                pltpu.async_copy(m_hbm.at[src_v.at[cn]], buf_v.at[b], gsems[b])
        return carry

    lax.fori_loop(0, NCH // NBUF, group, 0)

    plsc.subcore_barrier()
    pltpu.sync_copy(acc_sh.at[pl.ds(row0, RPT)],
                    out_hbm.at[cid, pl.ds(row0, RPT)])


_sc_aggregate = functools.partial(
    pl.kernel,
    mesh=plsc.VectorSubcoreMesh(core_axis_name="c", subcore_axis_name="s"),
    compiler_params=pltpu.CompilerParams(use_tc_tiling_on_sc=False),
    out_type=jax.ShapeDtypeStruct((NCORES, NP, DH), jnp.float32),
    scratch_types=[
        pltpu.VMEM((NCH, EC), jnp.int32),
        pltpu.VMEM((NCH, EC), jnp.int32),
        pltpu.VMEM((NBUF, EC, DH), jnp.float32),
        pltpu.VMEM_SHARED((NP, DH), jnp.float32),
        pltpu.SemaphoreType.DMA,
        pltpu.SemaphoreType.DMA,
        pltpu.SemaphoreType.DMA,
        pltpu.SemaphoreType.DMA,
        pltpu.SemaphoreType.DMA,
    ],
)(_sc_body)



def _split_cols(m2_ref, m):
    m2_ref[0] = m[:, :DH]
    m2_ref[1] = m[:, DH:]


def _tc_init_body(x_ref, w0t_ref, g0_ref, x1_ref, m2_ref):
    x1 = jax.nn.sigmoid(
        jnp.dot(x_ref[...], w0t_ref[...], preferred_element_type=jnp.float32))
    x1_ref[...] = x1
    _split_cols(m2_ref, jnp.dot(x1, g0_ref[...],
                                preferred_element_type=jnp.float32))


def _gru(p_ref, h_ref, wih_ref, whh_ref, bih_ref, bhh_ref):
    agg = jnp.concatenate([p_ref[0], p_ref[1]], axis=1)
    h = h_ref[...]
    gi = jnp.dot(agg, wih_ref[...], preferred_element_type=jnp.float32) + bih_ref[...]
    gh = jnp.dot(h, whh_ref[...], preferred_element_type=jnp.float32) + bhh_ref[...]
    r = jax.nn.sigmoid(gi[:, :D] + gh[:, :D])
    z = jax.nn.sigmoid(gi[:, D:2 * D] + gh[:, D:2 * D])
    n = jnp.tanh(gi[:, 2 * D:] + r * gh[:, 2 * D:])
    return (1.0 - z) * n + z * h


def _tc_gru_body(p_ref, h_ref, wih_ref, whh_ref, bih_ref, bhh_ref, wg_ref,
                 hn_ref, m2_ref):
    hn = _gru(p_ref, h_ref, wih_ref, whh_ref, bih_ref, bhh_ref)
    hn_ref[...] = hn
    _split_cols(m2_ref, jnp.dot(hn, wg_ref[...],
                                preferred_element_type=jnp.float32))


def _tc_final_body(p_ref, h_ref, wih_ref, whh_ref, bih_ref, bhh_ref, w1_ref,
                   b1_ref, out_ref):
    hn = _gru(p_ref, h_ref, wih_ref, whh_ref, bih_ref, bhh_ref)
    y = jnp.dot(jax.nn.relu(hn), w1_ref[...], preferred_element_type=jnp.float32)
    out_ref[...] = y + b1_ref[...]


_row_spec = pl.BlockSpec((BR, D), lambda i: (i, 0))
_p_spec = pl.BlockSpec((NCORES, BR, DH), lambda i: (0, i, 0))
_m2_spec = pl.BlockSpec((NCORES, BR, DH), lambda i: (0, i, 0))
_m2_shape = jax.ShapeDtypeStruct((NCORES, NP, DH), jnp.float32)


def _full(shape):
    return pl.BlockSpec(shape, lambda i: tuple(0 for _ in shape))


_tc_init = pl.pallas_call(
    _tc_init_body,
    grid=(NP // BR,),
    in_specs=[_row_spec, _full((D, D)), _full((D, D))],
    out_specs=[_row_spec, _m2_spec],
    out_shape=[jax.ShapeDtypeStruct((NP, D), jnp.float32), _m2_shape],
)

_gru_specs = [_p_spec, _row_spec, _full((D, 3 * D)), _full((D, 3 * D)),
              _full((1, 3 * D)), _full((1, 3 * D))]

_tc_gru = pl.pallas_call(
    _tc_gru_body,
    grid=(NP // BR,),
    in_specs=_gru_specs + [_full((D, D))],
    out_specs=[_row_spec, _m2_spec],
    out_shape=[jax.ShapeDtypeStruct((NP, D), jnp.float32), _m2_shape],
)

_tc_final = pl.pallas_call(
    _tc_final_body,
    grid=(NP // BR,),
    in_specs=_gru_specs + [_full((D, D)), _full((1, D))],
    out_specs=_row_spec,
    out_shape=jax.ShapeDtypeStruct((NP, D), jnp.float32),
)



def kernel(x, edge_index, lin0_w, ggc_w, w_ih, w_hh, b_ih, b_hh, lin1_w, lin1_b):
    xp = jnp.zeros((NP, D), jnp.float32).at[:N].set(x)
    src = edge_index[0]
    dst = edge_index[1]
    src_t = jnp.concatenate(
        [src, jnp.zeros((EPAD - E,), jnp.int32)]).reshape(NTILES, NCH, EC)
    src_b = jnp.stack([src_t, src_t + NP])
    dst_b = jnp.concatenate(
        [dst, jnp.full((EPAD - E,), NP - 1, jnp.int32)]).reshape(
            NTILES, NCH, EC)

    w_ihT = w_ih.T
    w_hhT = w_hh.T
    bih2 = b_ih.reshape(1, 3 * D)
    bhh2 = b_hh.reshape(1, 3 * D)
    w1p = jnp.zeros((D, D), jnp.float32).at[:, 0].set(lin1_w[0])
    b1p = jnp.full((1, D), lin1_b[0], jnp.float32)

    x1p, m2 = _tc_init(xp, lin0_w.T, ggc_w[0])
    h = x1p
    for i in range(L):
        partials = _sc_aggregate(m2.reshape(NCORES * NP, DH), src_b, dst_b)
        if i < L - 1:
            h, m2 = _tc_gru(partials, h, w_ihT, w_hhT, bih2, bhh2, ggc_w[i + 1])
        else:
            outf = _tc_final(partials, h, w_ihT, w_hhT, bih2, bhh2, w1p, b1p)
    return (outf[:N, 0], x1p[:N])

# --- scband reference (transcript-rebuilt; emitter-appended) ---
"""Pipeline reference for scband-net-vanilla-34591666602131 (READ-ONLY COPY).

The authoritative reference and input builder live on the scoring server;
editing this copy changes nothing except your own understanding.
"""

import jax, jax.numpy as jnp
import numpy as np

N = 10000
E = 320000
D = 128
L = 3

def setup_inputs(seed: int = 0) -> dict:
    key = jax.random.key(seed)
    ks = jax.random.split(key, 12)
    s = 1.0 / np.sqrt(D)
    return {
        "x": jax.random.normal(ks[0], (N, D), dtype=jnp.float32),
        "edge_index": jax.random.randint(ks[1], (2, E), 0, N, dtype=jnp.int32),
        "lin0_w": jax.random.uniform(ks[2], (D, D), jnp.float32, -s, s),
        "ggc_w": jax.random.uniform(ks[3], (L, D, D), jnp.float32, -s, s),
        "w_ih": jax.random.uniform(ks[4], (3 * D, D), jnp.float32, -s, s),
        "w_hh": jax.random.uniform(ks[5], (3 * D, D), jnp.float32, -s, s),
        "b_ih": jax.random.uniform(ks[6], (3 * D,), jnp.float32, -s, s),
        "b_hh": jax.random.uniform(ks[7], (3 * D,), jnp.float32, -s, s),
        "lin1_w": jax.random.uniform(ks[8], (1, D), jnp.float32, -s, s),
        "lin1_b": jax.random.uniform(ks[9], (1,), jnp.float32, -s, s),
    }

def _gru_cell(inp, h, w_ih, w_hh, b_ih, b_hh):
    gi = inp @ w_ih.T + b_ih
    gh = h @ w_hh.T + b_hh
    i_r, i_z, i_n = jnp.split(gi, 3, axis=1)
    h_r, h_z, h_n = jnp.split(gh, 3, axis=1)
    r = jax.nn.sigmoid(i_r + h_r)
    z = jax.nn.sigmoid(i_z + h_z)
    n = jnp.tanh(i_n + r * h_n)
    return (1.0 - z) * n + z * h

def reference(x, edge_index, lin0_w, ggc_w, w_ih, w_hh, b_ih, b_hh, lin1_w, lin1_b):
    # lin0 (no bias) + sigmoid
    x1 = jax.nn.sigmoid(x @ lin0_w.T)
    h = x1  # in_channels == out_channels, no zero padding needed
    src = edge_index[0]
    dst = edge_index[1]
    for i in range(L):
        m = h @ ggc_w[i]
        # message: x_j = m[src]; aggregate 'add' at dst
        agg = jax.ops.segment_sum(m[src], dst, num_segments=N)
        h = _gru_cell(agg, h, w_ih, w_hh, b_ih, b_hh)
    xr = jax.nn.relu(h)
    out = (xr @ lin1_w.T + lin1_b)[:, 0]
    return (out, x1)

if __name__ == "__main__":
    import jax
    _d = setup_inputs()
    print(jax.jit(kernel)(*tuple(_d.values())))

</pallas_src>

<mosaic_0001>
#map = affine_map<(d0, d1) -> (0, 0)>
#map1 = affine_map<(d0, d1) -> (0, 0, 0, 0)>
#map2 = affine_map<(d0, d1) -> (0, 0, 0)>
module attributes {stable_mosaic.version = 14 : i64} {
  func.func @_sc_body(%arg0: i32, %arg1: i32, %arg2: memref<20480x64xf32, #tpu.memory_space<hbm>>, %arg3: memref<2x16x160x128xi32, #tpu.memory_space<hbm>>, %arg4: memref<16x160x128xi32, #tpu.memory_space<hbm>>, %arg5: memref<2x10240x64xf32, #tpu.memory_space<hbm>>, %arg6: memref<160x128xi32, #tpu.memory_space<vmem>>, %arg7: memref<160x128xi32, #tpu.memory_space<vmem>>, %arg8: memref<5x128x64xf32, #tpu.memory_space<vmem>>, %arg9: memref<10240x64xf32, #tpu.memory_space<vmem_shared>>, %arg10: memref<!tpu.dma_semaphore, #tpu.memory_space<semaphore_mem>>, %arg11: memref<!tpu.dma_semaphore, #tpu.memory_space<semaphore_mem>>, %arg12: memref<!tpu.dma_semaphore, #tpu.memory_space<semaphore_mem>>, %arg13: memref<!tpu.dma_semaphore, #tpu.memory_space<semaphore_mem>>, %arg14: memref<!tpu.dma_semaphore, #tpu.memory_space<semaphore_mem>>) attributes {dimension_semantics = [#tpu.dimension_semantics<core_parallel>, #tpu.dimension_semantics<subcore_parallel>], iteration_bounds = array<i64: 2, 16>, scalar_prefetch = 0 : i64, scratch_operands = 9 : i64, tpu.core_type = #tpu.core_type<sc_vector_subcore>, window_params = [{transform_indices = #map}, {transform_indices = #map1}, {transform_indices = #map2}, {transform_indices = #map2}]} {
    %broadcast_in_dim3A = arith.constant 0.000000e+00 : f32
    %broadcast_in_dim3A_0 = vector.broadcast %broadcast_in_dim3A : f32 to vector<16xf32>
    %scan3A = arith.constant 0 : i32
    %scan3A_1 = arith.constant 0 : i32
    %scan3A_2 = arith.constant 512 : i32
    %scan3A_3 = arith.addi %scan3A_1, %scan3A_2 : i32
    %scan3A_4 = arith.constant 1 : i32
    scf.for %scan3A_79 = %scan3A_1 to %scan3A_3 step %scan3A_4  : i32 {
      %jit3A = arith.constant 4 : i32
      %div3A = arith.divsi %scan3A_79, %jit3A : i32
      %sign3A = arith.constant 0 : i32
      %sign3A_80 = arith.cmpi sgt, %scan3A_79, %sign3A : i32
      %sign3A_81 = arith.extui %sign3A_80 : i1 to i32
      %sign3A_82 = arith.constant 0 : i32
      %sign3A_83 = arith.cmpi slt, %scan3A_79, %sign3A_82 : i32
      %sign3A_84 = arith.extui %sign3A_83 : i1 to i32
      %sign3A_85 = arith.subi %sign3A_81, %sign3A_84 : i32
      %sign3A_86 = arith.constant 0 : i32
      %sign3A_87 = arith.cmpi sgt, %jit3A, %sign3A_86 : i32
      %sign3A_88 = arith.extui %sign3A_87 : i1 to i32
      %sign3A_89 = arith.constant 0 : i32
      %sign3A_90 = arith.cmpi slt, %jit3A, %sign3A_89 : i32
      %sign3A_91 = arith.extui %sign3A_90 : i1 to i32
      %sign3A_92 = arith.subi %sign3A_88, %sign3A_91 : i32
      %ne3A = arith.cmpi ne, %sign3A_85, %sign3A_92 : i32
      %rem3A = arith.remsi %scan3A_79, %jit3A : i32
      %ne3A_93 = arith.constant 0 : i32
      %ne3A_94 = arith.cmpi ne, %rem3A, %ne3A_93 : i32
      %and3A = arith.andi %ne3A, %ne3A_94 : i1
      %sub3A = arith.constant 1 : i32
      %sub3A_95 = arith.subi %div3A, %sub3A : i32
      %select_n3A = arith.select %and3A, %sub3A_95, %div3A : i32
      %jit3A_96 = arith.constant 4 : i32
      %eq3A = arith.constant 0 : i32
      %eq3A_97 = arith.cmpi eq, %jit3A_96, %eq3A : i32
      %jit3A_98 = arith.constant 1 : i32
      %select_n3A_99 = arith.select %eq3A_97, %jit3A_98, %jit3A_96 : i32
      %rem3A_100 = arith.remsi %scan3A_79, %select_n3A_99 : i32
      %ne3A_101 = arith.constant 0 : i32
      %ne3A_102 = arith.cmpi ne, %rem3A_100, %ne3A_101 : i32
      %lt3A = arith.constant 0 : i32
      %lt3A_103 = arith.cmpi slt, %rem3A_100, %lt3A : i32
      %lt3A_104 = arith.constant 0 : i32
      %lt3A_105 = arith.cmpi slt, %select_n3A_99, %lt3A_104 : i32
      %ne3A_106 = arith.xori %lt3A_103, %lt3A_105 : i1
      %and3A_107 = arith.andi %ne3A_106, %ne3A_102 : i1
      %add3A = arith.addi %rem3A_100, %select_n3A_99 : i32
      %select_n3A_108 = arith.select %and3A_107, %add3A, %rem3A_100 : i32
      %mul3A_109 = arith.constant 16 : i32
      %mul3A_110 = arith.muli %select_n3A_108, %mul3A_109 : i32
      %swap3A = arith.constant 0 : i32
      %swap3A_111 = arith.index_cast %swap3A : i32 to index
      %swap3A_112 = arith.index_cast %select_n3A : i32 to index
      %swap3A_113 = arith.index_cast %mul3A_110 : i32 to index
      %swap3A_114 = tpu.vector_load %arg8[%swap3A_111, %swap3A_112, %swap3A_113] {strides = array<i32>} : memref<5x128x64xf32, #tpu.memory_space<vmem>>, vector<1x1x16xf32>,
      %swap3A_115 = vector.shape_cast %swap3A_114 : vector<1x1x16xf32> to vector<16xf32>
      %swap3A_116 = vector.shape_cast %broadcast_in_dim3A_0 : vector<16xf32> to vector<1x1x16xf32>
      tpu.vector_store %arg8[%swap3A_111, %swap3A_112, %swap3A_113], %swap3A_116 {strides = array<i32>} : memref<5x128x64xf32, #tpu.memory_space<vmem>>, vector<1x1x16xf32>,
    }
    %scan3A_5 = arith.constant 512 : i32
    %mul3A = arith.constant 640 : i32
    %mul3A_6 = arith.muli %arg1, %mul3A : i32
    %scan3A_7 = arith.constant 0 : i32
    %scan3A_8 = arith.constant 0 : i32
    %scan3A_9 = arith.constant 5 : i32
    %scan3A_10 = arith.addi %scan3A_8, %scan3A_9 : i32
    %scan3A_11 = arith.constant 1 : i32
    scf.for %scan3A_79 = %scan3A_8 to %scan3A_10 step %scan3A_11  : i32 {
      %mul3A_80 = arith.constant 128 : i32
      %mul3A_81 = arith.muli %scan3A_79, %mul3A_80 : i32
      %add3A = arith.addi %mul3A_6, %mul3A_81 : i32
      %run_scoped3A = arith.constant 0 : i32
      "tpu.region"() ({
        %run_scoped3A_82 = tpu.sem_alloc : memref<!tpu.dma_semaphore, #tpu.memory_space<semaphore_mem>>
        %dma_start3A_83 = arith.constant 0 : i32
        %dma_start3A_84 = arith.constant 0 : i32
        %dma_start3A_85 = tpu.memref_slice %arg8[%run_scoped3A, %dma_start3A_83, %dma_start3A_84] : memref<5x128x64xf32, #tpu.memory_space<vmem>> -> memref<1x128x64xf32, #tpu.memory_space<vmem>>
        %dma_start3A_86 = tpu.memref_squeeze %dma_start3A_85 : memref<1x128x64xf32, #tpu.memory_space<vmem>> -> memref<128x64xf32, #tpu.memory_space<vmem>>
        %dma_start3A_87 = arith.constant 0 : i32
        %dma_start3A_88 = tpu.memref_slice %arg9[%add3A, %dma_start3A_87] : memref<10240x64xf32, #tpu.memory_space<vmem_shared>> -> memref<128x64xf32, #tpu.memory_space<vmem_shared>>
        %dma_start3A_89 = arith.constant 0 : i32
        %dma_start3A_90 = tpu.memref_slice %arg9[%add3A, %dma_start3A_89] : memref<10240x64xf32, #tpu.memory_space<vmem_shared>> -> memref<128x64xf32, #tpu.memory_space<vmem_shared>>
        %dma_start3A_91 = arith.constant 0 : i32
        %dma_start3A_92 = arith.constant 0 : i32
        %dma_start3A_93 = tpu.memref_slice %arg8[%run_scoped3A, %dma_start3A_91, %dma_start3A_92] : memref<5x128x64xf32, #tpu.memory_space<vmem>> -> memref<1x128x64xf32, #tpu.memory_space<vmem>>
        %dma_start3A_94 = tpu.memref_squeeze %dma_start3A_93 : memref<1x128x64xf32, #tpu.memory_space<vmem>> -> memref<128x64xf32, #tpu.memory_space<vmem>>
        tpu.enqueue_dma source(%dma_start3A_94 : memref<128x64xf32, #tpu.memory_space<vmem>>) target(%dma_start3A_90 : memref<128x64xf32, #tpu.memory_space<vmem_shared>>) target_semaphore(%run_scoped3A_82 : memref<!tpu.dma_semaphore, #tpu.memory_space<semaphore_mem>>)
        %dma_wait3A = arith.constant 0 : i32
        %dma_wait3A_95 = arith.constant 0 : i32
        %dma_wait3A_96 = tpu.memref_slice %arg8[%run_scoped3A, %dma_wait3A, %dma_wait3A_95] : memref<5x128x64xf32, #tpu.memory_space<vmem>> -> memref<1x128x64xf32, #tpu.memory_space<vmem>>
        %dma_wait3A_97 = tpu.memref_squeeze %dma_wait3A_96 : memref<1x128x64xf32, #tpu.memory_space<vmem>> -> memref<128x64xf32, #tpu.memory_space<vmem>>
        %dma_wait3A_98 = arith.constant 0 : i32
        %dma_wait3A_99 = tpu.memref_slice %arg9[%add3A, %dma_wait3A_98] : memref<10240x64xf32, #tpu.memory_space<vmem_shared>> -> memref<128x64xf32, #tpu.memory_space<vmem_shared>>
        %dma_wait3A_100 = arith.constant 0 : i32
        %dma_wait3A_101 = tpu.memref_slice %arg9[%add3A, %dma_wait3A_100] : memref<10240x64xf32, #tpu.memory_space<vmem_shared>> -> memref<128x64xf32, #tpu.memory_space<vmem_shared>>
        %dma_wait3A_102 = arith.constant 0 : i32
        %dma_wait3A_103 = arith.constant 0 : i32
        %dma_wait3A_104 = tpu.memref_slice %arg8[%run_scoped3A, %dma_wait3A_102, %dma_wait3A_103] : memref<5x128x64xf32, #tpu.memory_space<vmem>> -> memref<1x128x64xf32, #tpu.memory_space<vmem>>
        %dma_wait3A_105 = tpu.memref_squeeze %dma_wait3A_104 : memref<1x128x64xf32, #tpu.memory_space<vmem>> -> memref<128x64xf32, #tpu.memory_space<vmem>>
        tpu.wait_dma2 semaphore(%run_scoped3A_82 : memref<!tpu.dma_semaphore, #tpu.memory_space<semaphore_mem>>) src(%dma_wait3A_105 : memref<128x64xf32, #tpu.memory_space<vmem>>) dst(%dma_wait3A_101 : memref<128x64xf32, #tpu.memory_space<vmem_shared>>)
        tpu.yield
      }) : () -> ()
    }
    %scan3A_12 = arith.constant 5 : i32
    "tpu.region"() ({
      %run_scoped3A = tpu.sem_alloc : memref<!tpu.dma_semaphore, #tpu.memory_space<semaphore_mem>>
      %dma_start3A_79 = arith.constant 0 : i32
      %dma_start3A_80 = arith.constant 0 : i32
      %dma_start3A_81 = tpu.memref_slice %arg3[%arg0, %arg1, %dma_start3A_79, %dma_start3A_80] : memref<2x16x160x128xi32, #tpu.memory_space<hbm>> -> memref<1x1x160x128xi32, #tpu.memory_space<hbm>>
      %dma_start3A_82 = tpu.memref_squeeze %dma_start3A_81 : memref<1x1x160x128xi32, #tpu.memory_space<hbm>> -> memref<160x128xi32, #tpu.memory_space<hbm>>
      %dma_start3A_83 = arith.constant 0 : i32
      %dma_start3A_84 = arith.constant 0 : i32
      %dma_start3A_85 = tpu.memref_slice %arg3[%arg0, %arg1, %dma_start3A_83, %dma_start3A_84] : memref<2x16x160x128xi32, #tpu.memory_space<hbm>> -> memref<1x1x160x128xi32, #tpu.memory_space<hbm>>
      %dma_start3A_86 = tpu.memref_squeeze %dma_start3A_85 : memref<1x1x160x128xi32, #tpu.memory_space<hbm>> -> memref<160x128xi32, #tpu.memory_space<hbm>>
      tpu.enqueue_dma source(%dma_start3A_86 : memref<160x128xi32, #tpu.memory_space<hbm>>) target(%arg6 : memref<160x128xi32, #tpu.memory_space<vmem>>) target_semaphore(%run_scoped3A : memref<!tpu.dma_semaphore, #tpu.memory_space<semaphore_mem>>)
      %dma_wait3A = arith.constant 0 : i32
      %dma_wait3A_87 = arith.constant 0 : i32
      %dma_wait3A_88 = tpu.memref_slice %arg3[%arg0, %arg1, %dma_wait3A, %dma_wait3A_87] : memref<2x16x160x128xi32, #tpu.memory_space<hbm>> -> memref<1x1x160x128xi32, #tpu.memory_space<hbm>>
      %dma_wait3A_89 = tpu.memref_squeeze %dma_wait3A_88 : memref<1x1x160x128xi32, #tpu.memory_space<hbm>> -> memref<160x128xi32, #tpu.memory_space<hbm>>
      %dma_wait3A_90 = arith.constant 0 : i32
      %dma_wait3A_91 = arith.constant 0 : i32
      %dma_wait3A_92 = tpu.memref_slice %arg3[%arg0, %arg1, %dma_wait3A_90, %dma_wait3A_91] : memref<2x16x160x128xi32, #tpu.memory_space<hbm>> -> memref<1x1x160x128xi32, #tpu.memory_space<hbm>>
      %dma_wait3A_93 = tpu.memref_squeeze %dma_wait3A_92 : memref<1x1x160x128xi32, #tpu.memory_space<hbm>> -> memref<160x128xi32, #tpu.memory_space<hbm>>
      tpu.wait_dma2 semaphore(%run_scoped3A : memref<!tpu.dma_semaphore, #tpu.memory_space<semaphore_mem>>) src(%dma_wait3A_93 : memref<160x128xi32, #tpu.memory_space<hbm>>) dst(%arg6 : memref<160x128xi32, #tpu.memory_space<vmem>>)
      tpu.yield
    }) : () -> ()
    "tpu.region"() ({
      %run_scoped3A = tpu.sem_alloc : memref<!tpu.dma_semaphore, #tpu.memory_space<semaphore_mem>>
      %dma_start3A_79 = arith.constant 0 : i32
      %dma_start3A_80 = arith.constant 0 : i32
      %dma_start3A_81 = tpu.memref_slice %arg4[%arg1, %dma_start3A_79, %dma_start3A_80] : memref<16x160x128xi32, #tpu.memory_space<hbm>> -> memref<1x160x128xi32, #tpu.memory_space<hbm>>
      %dma_start3A_82 = tpu.memref_squeeze %dma_start3A_81 : memref<1x160x128xi32, #tpu.memory_space<hbm>> -> memref<160x128xi32, #tpu.memory_space<hbm>>
      %dma_start3A_83 = arith.constant 0 : i32
      %dma_start3A_84 = arith.constant 0 : i32
      %dma_start3A_85 = tpu.memref_slice %arg4[%arg1, %dma_start3A_83, %dma_start3A_84] : memref<16x160x128xi32, #tpu.memory_space<hbm>> -> memref<1x160x128xi32, #tpu.memory_space<hbm>>
      %dma_start3A_86 = tpu.memref_squeeze %dma_start3A_85 : memref<1x160x128xi32, #tpu.memory_space<hbm>> -> memref<160x128xi32, #tpu.memory_space<hbm>>
      tpu.enqueue_dma source(%dma_start3A_86 : memref<160x128xi32, #tpu.memory_space<hbm>>) target(%arg7 : memref<160x128xi32, #tpu.memory_space<vmem>>) target_semaphore(%run_scoped3A : memref<!tpu.dma_semaphore, #tpu.memory_space<semaphore_mem>>)
      %dma_wait3A = arith.constant 0 : i32
      %dma_wait3A_87 = arith.constant 0 : i32
      %dma_wait3A_88 = tpu.memref_slice %arg4[%arg1, %dma_wait3A, %dma_wait3A_87] : memref<16x160x128xi32, #tpu.memory_space<hbm>> -> memref<1x160x128xi32, #tpu.memory_space<hbm>>
      %dma_wait3A_89 = tpu.memref_squeeze %dma_wait3A_88 : memref<1x160x128xi32, #tpu.memory_space<hbm>> -> memref<160x128xi32, #tpu.memory_space<hbm>>
      %dma_wait3A_90 = arith.constant 0 : i32
      %dma_wait3A_91 = arith.constant 0 : i32
      %dma_wait3A_92 = tpu.memref_slice %arg4[%arg1, %dma_wait3A_90, %dma_wait3A_91] : memref<16x160x128xi32, #tpu.memory_space<hbm>> -> memref<1x160x128xi32, #tpu.memory_space<hbm>>
      %dma_wait3A_93 = tpu.memref_squeeze %dma_wait3A_92 : memref<1x160x128xi32, #tpu.memory_space<hbm>> -> memref<160x128xi32, #tpu.memory_space<hbm>>
      tpu.wait_dma2 semaphore(%run_scoped3A : memref<!tpu.dma_semaphore, #tpu.memory_space<semaphore_mem>>) src(%dma_wait3A_93 : memref<160x128xi32, #tpu.memory_space<hbm>>) dst(%arg7 : memref<160x128xi32, #tpu.memory_space<vmem>>)
      tpu.yield
    }) : () -> ()
    %barrier3A = arith.constant 0 : index
    tpu.barrier barrier_id(%barrier3A)
    %dma_start3A = arith.constant 0 : i32
    %dma_start3A_13 = arith.constant 0 : i32
    %dma_start3A_14 = arith.constant 0 : i32
    %dma_start3A_15 = arith.constant 0 : i32
    %dma_start3A_16 = tpu.memref_slice %arg8[%dma_start3A_13, %dma_start3A_14, %dma_start3A_15] : memref<5x128x64xf32, #tpu.memory_space<vmem>> -> memref<1x128x64xf32, #tpu.memory_space<vmem>>
    %dma_start3A_17 = tpu.memref_squeeze %dma_start3A_16 : memref<1x128x64xf32, #tpu.memory_space<vmem>> -> memref<128x64xf32, #tpu.memory_space<vmem>>
    %dma_start3A_18 = arith.constant 0 : i32
    %dma_start3A_19 = tpu.memref_slice %arg6[%dma_start3A, %dma_start3A_18] : memref<160x128xi32, #tpu.memory_space<vmem>> -> memref<1x128xi32, #tpu.memory_space<vmem>>
    %dma_start3A_20 = tpu.memref_squeeze %dma_start3A_19 : memref<1x128xi32, #tpu.memory_space<vmem>> -> memref<128xi32, #tpu.memory_space<vmem>>
    %dma_start3A_21 = arith.constant 0 : i32
    %dma_start3A_22 = arith.constant 0 : i32
    %dma_start3A_23 = tpu.memref_slice %arg2[%dma_start3A_21, %dma_start3A_22] : memref<20480x64xf32, #tpu.memory_space<hbm>> -> memref<20480x64xf32, #tpu.memory_space<hbm>>
    tpu.enqueue_indirect_dma source(%dma_start3A_23 : memref<20480x64xf32, #tpu.memory_space<hbm>>) target(%dma_start3A_17 : memref<128x64xf32, #tpu.memory_space<vmem>>) offsets(%dma_start3A_20 : memref<128xi32, #tpu.memory_space<vmem>>) semaphore(%arg10 : memref<!tpu.dma_semaphore, #tpu.memory_space<semaphore_mem>>)
    %dma_start3A_24 = arith.constant 1 : i32
    %dma_start3A_25 = arith.constant 1 : i32
    %dma_start3A_26 = arith.constant 0 : i32
    %dma_start3A_27 = arith.constant 0 : i32
    %dma_start3A_28 = tpu.memref_slice %arg8[%dma_start3A_25, %dma_start3A_26, %dma_start3A_27] : memref<5x128x64xf32, #tpu.memory_space<vmem>> -> memref<1x128x64xf32, #tpu.memory_space<vmem>>
    %dma_start3A_29 = tpu.memref_squeeze %dma_start3A_28 : memref<1x128x64xf32, #tpu.memory_space<vmem>> -> memref<128x64xf32, #tpu.memory_space<vmem>>
    %dma_start3A_30 = arith.constant 0 : i32
    %dma_start3A_31 = tpu.memref_slice %arg6[%dma_start3A_24, %dma_start3A_30] : memref<160x128xi32, #tpu.memory_space<vmem>> -> memref<1x128xi32, #tpu.memory_space<vmem>>
    %dma_start3A_32 = tpu.memref_squeeze %dma_start3A_31 : memref<1x128xi32, #tpu.memory_space<vmem>> -> memref<128xi32, #tpu.memory_space<vmem>>
    %dma_start3A_33 = arith.constant 0 : i32
    %dma_start3A_34 = arith.constant 0 : i32
    %dma_start3A_35 = tpu.memref_slice %arg2[%dma_start3A_33, %dma_start3A_34] : memref<20480x64xf32, #tpu.memory_space<hbm>> -> memref<20480x64xf32, #tpu.memory_space<hbm>>
    tpu.enqueue_indirect_dma source(%dma_start3A_35 : memref<20480x64xf32, #tpu.memory_space<hbm>>) target(%dma_start3A_29 : memref<128x64xf32, #tpu.memory_space<vmem>>) offsets(%dma_start3A_32 : memref<128xi32, #tpu.memory_space<vmem>>) semaphore(%arg11 : memref<!tpu.dma_semaphore, #tpu.memory_space<semaphore_mem>>)
    %dma_start3A_36 = arith.constant 2 : i32
    %dma_start3A_37 = arith.constant 2 : i32
    %dma_start3A_38 = arith.constant 0 : i32
    %dma_start3A_39 = arith.constant 0 : i32
    %dma_start3A_40 = tpu.memref_slice %arg8[%dma_start3A_37, %dma_start3A_38, %dma_start3A_39] : memref<5x128x64xf32, #tpu.memory_space<vmem>> -> memref<1x128x64xf32, #tpu.memory_space<vmem>>
    %dma_start3A_41 = tpu.memref_squeeze %dma_start3A_40 : memref<1x128x64xf32, #tpu.memory_space<vmem>> -> memref<128x64xf32, #tpu.memory_space<vmem>>
    %dma_start3A_42 = arith.constant 0 : i32
    %dma_start3A_43 = tpu.memref_slice %arg6[%dma_start3A_36, %dma_start3A_42] : memref<160x128xi32, #tpu.memory_space<vmem>> -> memref<1x128xi32, #tpu.memory_space<vmem>>
    %dma_start3A_44 = tpu.memref_squeeze %dma_start3A_43 : memref<1x128xi32, #tpu.memory_space<vmem>> -> memref<128xi32, #tpu.memory_space<vmem>>
    %dma_start3A_45 = arith.constant 0 : i32
    %dma_start3A_46 = arith.constant 0 : i32
    %dma_start3A_47 = tpu.memref_slice %arg2[%dma_start3A_45, %dma_start3A_46] : memref<20480x64xf32, #tpu.memory_space<hbm>> -> memref<20480x64xf32, #tpu.memory_space<hbm>>
    tpu.enqueue_indirect_dma source(%dma_start3A_47 : memref<20480x64xf32, #tpu.memory_space<hbm>>) target(%dma_start3A_41 : memref<128x64xf32, #tpu.memory_space<vmem>>) offsets(%dma_start3A_44 : memref<128xi32, #tpu.memory_space<vmem>>) semaphore(%arg12 : memref<!tpu.dma_semaphore, #tpu.memory_space<semaphore_mem>>)
    %dma_start3A_48 = arith.constant 3 : i32
    %dma_start3A_49 = arith.constant 3 : i32
    %dma_start3A_50 = arith.constant 0 : i32
    %dma_start3A_51 = arith.constant 0 : i32
    %dma_start3A_52 = tpu.memref_slice %arg8[%dma_start3A_49, %dma_start3A_50, %dma_start3A_51] : memref<5x128x64xf32, #tpu.memory_space<vmem>> -> memref<1x128x64xf32, #tpu.memory_space<vmem>>
    %dma_start3A_53 = tpu.memref_squeeze %dma_start3A_52 : memref<1x128x64xf32, #tpu.memory_space<vmem>> -> memref<128x64xf32, #tpu.memory_space<vmem>>
    %dma_start3A_54 = arith.constant 0 : i32
    %dma_start3A_55 = tpu.memref_slice %arg6[%dma_start3A_48, %dma_start3A_54] : memref<160x128xi32, #tpu.memory_space<vmem>> -> memref<1x128xi32, #tpu.memory_space<vmem>>
    %dma_start3A_56 = tpu.memref_squeeze %dma_start3A_55 : memref<1x128xi32, #tpu.memory_space<vmem>> -> memref<128xi32, #tpu.memory_space<vmem>>
    %dma_start3A_57 = arith.constant 0 : i32
    %dma_start3A_58 = arith.constant 0 : i32
    %dma_start3A_59 = tpu.memref_slice %arg2[%dma_start3A_57, %dma_start3A_58] : memref<20480x64xf32, #tpu.memory_space<hbm>> -> memref<20480x64xf32, #tpu.memory_space<hbm>>
    tpu.enqueue_indirect_dma source(%dma_start3A_59 : memref<20480x64xf32, #tpu.memory_space<hbm>>) target(%dma_start3A_53 : memref<128x64xf32, #tpu.memory_space<vmem>>) offsets(%dma_start3A_56 : memref<128xi32, #tpu.memory_space<vmem>>) semaphore(%arg13 : memref<!tpu.dma_semaphore, #tpu.memory_space<semaphore_mem>>)
    %dma_start3A_60 = arith.constant 4 : i32
    %dma_start3A_61 = arith.constant 4 : i32
    %dma_start3A_62 = arith.constant 0 : i32
    %dma_start3A_63 = arith.constant 0 : i32
    %dma_start3A_64 = tpu.memref_slice %arg8[%dma_start3A_61, %dma_start3A_62, %dma_start3A_63] : memref<5x128x64xf32, #tpu.memory_space<vmem>> -> memref<1x128x64xf32, #tpu.memory_space<vmem>>
    %dma_start3A_65 = tpu.memref_squeeze %dma_start3A_64 : memref<1x128x64xf32, #tpu.memory_space<vmem>> -> memref<128x64xf32, #tpu.memory_space<vmem>>
    %dma_start3A_66 = arith.constant 0 : i32
    %dma_start3A_67 = tpu.memref_slice %arg6[%dma_start3A_60, %dma_start3A_66] : memref<160x128xi32, #tpu.memory_space<vmem>> -> memref<1x128xi32, #tpu.memory_space<vmem>>
    %dma_start3A_68 = tpu.memref_squeeze %dma_start3A_67 : memref<1x128xi32, #tpu.memory_space<vmem>> -> memref<128xi32, #tpu.memory_space<vmem>>
    %dma_start3A_69 = arith.constant 0 : i32
    %dma_start3A_70 = arith.constant 0 : i32
    %dma_start3A_71 = tpu.memref_slice %arg2[%dma_start3A_69, %dma_start3A_70] : memref<20480x64xf32, #tpu.memory_space<hbm>> -> memref<20480x64xf32, #tpu.memory_space<hbm>>
    tpu.enqueue_indirect_dma source(%dma_start3A_71 : memref<20480x64xf32, #tpu.memory_space<hbm>>) target(%dma_start3A_65 : memref<128x64xf32, #tpu.memory_space<vmem>>) offsets(%dma_start3A_68 : memref<128xi32, #tpu.memory_space<vmem>>) semaphore(%arg14 : memref<!tpu.dma_semaphore, #tpu.memory_space<semaphore_mem>>)
    %scan3A_72 = arith.constant 0 : i32
    %scan3A_73 = arith.constant 0 : i32
    %scan3A_74 = arith.constant 32 : i32
    %scan3A_75 = arith.addi %scan3A_73, %scan3A_74 : i32
    %scan3A_76 = arith.constant 1 : i32
    scf.for %scan3A_79 = %scan3A_73 to %scan3A_75 step %scan3A_76  : i32 {
      %mul3A_80 = arith.constant 5 : i32
      %mul3A_81 = arith.muli %scan3A_79, %mul3A_80 : i32
      %add3A = arith.constant 0 : i32
      %add3A_82 = arith.addi %mul3A_81, %add3A : i32
      %dma_wait3A = arith.constant 0 : i32
      %dma_wait3A_83 = arith.constant 0 : i32
      %dma_wait3A_84 = arith.constant 0 : i32
      %dma_wait3A_85 = tpu.memref_slice %arg8[%dma_wait3A, %dma_wait3A_83, %dma_wait3A_84] : memref<5x128x64xf32, #tpu.memory_space<vmem>> -> memref<1x128x64xf32, #tpu.memory_space<vmem>>
      %dma_wait3A_86 = tpu.memref_squeeze %dma_wait3A_85 : memref<1x128x64xf32, #tpu.memory_space<vmem>> -> memref<128x64xf32, #tpu.memory_space<vmem>>
      %dma_wait3A_87 = arith.constant 0 : i32
      %dma_wait3A_88 = tpu.memref_slice %arg6[%add3A_82, %dma_wait3A_87] : memref<160x128xi32, #tpu.memory_space<vmem>> -> memref<1x128xi32, #tpu.memory_space<vmem>>
      %dma_wait3A_89 = tpu.memref_squeeze %dma_wait3A_88 : memref<1x128xi32, #tpu.memory_space<vmem>> -> memref<128xi32, #tpu.memory_space<vmem>>
      %dma_wait3A_90 = arith.constant 0 : i32
      %dma_wait3A_91 = arith.constant 0 : i32
      %dma_wait3A_92 = tpu.memref_slice %arg2[%dma_wait3A_90, %dma_wait3A_91] : memref<20480x64xf32, #tpu.memory_space<hbm>> -> memref<20480x64xf32, #tpu.memory_space<hbm>>
      tpu.wait_indirect_dma semaphore(%arg10 : memref<!tpu.dma_semaphore, #tpu.memory_space<semaphore_mem>>) src(%dma_wait3A_92 : memref<20480x64xf32, #tpu.memory_space<hbm>>) dst(%dma_wait3A_86 : memref<128x64xf32, #tpu.memory_space<vmem>>)
      %run_scoped3A = arith.constant 0 : i32
      "tpu.region"() ({
        %run_scoped3A_189 = tpu.sem_alloc : memref<!tpu.dma_semaphore, #tpu.memory_space<semaphore_mem>>
        %dma_start3A_190 = arith.constant 0 : i32
        %dma_start3A_191 = arith.constant 0 : i32
        %dma_start3A_192 = tpu.memref_slice %arg8[%run_scoped3A, %dma_start3A_190, %dma_start3A_191] : memref<5x128x64xf32, #tpu.memory_space<vmem>> -> memref<1x128x64xf32, #tpu.memory_space<vmem>>
        %dma_start3A_193 = tpu.memref_squeeze %dma_start3A_192 : memref<1x128x64xf32, #tpu.memory_space<vmem>> -> memref<128x64xf32, #tpu.memory_space<vmem>>
        %dma_start3A_194 = arith.constant 0 : i32
        %dma_start3A_195 = tpu.memref_slice %arg7[%add3A_82, %dma_start3A_194] : memref<160x128xi32, #tpu.memory_space<vmem>> -> memref<1x128xi32, #tpu.memory_space<vmem>>
        %dma_start3A_196 = tpu.memref_squeeze %dma_start3A_195 : memref<1x128xi32, #tpu.memory_space<vmem>> -> memref<128xi32, #tpu.memory_space<vmem>>
        %dma_start3A_197 = arith.constant 0 : i32
        %dma_start3A_198 = arith.constant 0 : i32
        %dma_start3A_199 = tpu.memref_slice %arg9[%dma_start3A_197, %dma_start3A_198] : memref<10240x64xf32, #tpu.memory_space<vmem_shared>> -> memref<10240x64xf32, #tpu.memory_space<vmem_shared>>
        tpu.enqueue_indirect_dma source(%dma_start3A_193 : memref<128x64xf32, #tpu.memory_space<vmem>>) target(%dma_start3A_199 : memref<10240x64xf32, #tpu.memory_space<vmem_shared>>) offsets(%dma_start3A_196 : memref<128xi32, #tpu.memory_space<vmem>>) semaphore(%run_scoped3A_189 : memref<!tpu.dma_semaphore, #tpu.memory_space<semaphore_mem>>) {add = true}
        %dma_wait3A_200 = arith.constant 0 : i32
        %dma_wait3A_201 = arith.constant 0 : i32
        %dma_wait3A_202 = tpu.memref_slice %arg8[%run_scoped3A, %dma_wait3A_200, %dma_wait3A_201] : memref<5x128x64xf32, #tpu.memory_space<vmem>> -> memref<1x128x64xf32, #tpu.memory_space<vmem>>
        %dma_wait3A_203 = tpu.memref_squeeze %dma_wait3A_202 : memref<1x128x64xf32, #tpu.memory_space<vmem>> -> memref<128x64xf32, #tpu.memory_space<vmem>>
        %dma_wait3A_204 = arith.constant 0 : i32
        %dma_wait3A_205 = tpu.memref_slice %arg7[%add3A_82, %dma_wait3A_204] : memref<160x128xi32, #tpu.memory_space<vmem>> -> memref<1x128xi32, #tpu.memory_space<vmem>>
        %dma_wait3A_206 = tpu.memref_squeeze %dma_wait3A_205 : memref<1x128xi32, #tpu.memory_space<vmem>> -> memref<128xi32, #tpu.memory_space<vmem>>
        %dma_wait3A_207 = arith.constant 0 : i32
        %dma_wait3A_208 = arith.constant 0 : i32
        %dma_wait3A_209 = tpu.memref_slice %arg9[%dma_wait3A_207, %dma_wait3A_208] : memref<10240x64xf32, #tpu.memory_space<vmem_shared>> -> memref<10240x64xf32, #tpu.memory_space<vmem_shared>>
        tpu.wait_indirect_dma semaphore(%run_scoped3A_189 : memref<!tpu.dma_semaphore, #tpu.memory_space<semaphore_mem>>) src(%dma_wait3A_203 : memref<128x64xf32, #tpu.memory_space<vmem>>) dst(%dma_wait3A_209 : memref<10240x64xf32, #tpu.memory_space<vmem_shared>>)
        tpu.yield
      }) : () -> ()
      %add3A_93 = arith.constant 5 : i32
      %add3A_94 = arith.addi %add3A_82, %add3A_93 : i32
      %lt3A = arith.constant 160 : i32
      %lt3A_95 = arith.cmpi slt, %add3A_94, %lt3A : i32
      %convert_element_type3A = arith.extui %lt3A_95 : i1 to i32
      %cond3A = arith.constant 0 : i32
      %cond3A_96 = arith.cmpi ne, %convert_element_type3A, %cond3A : i32
      scf.if %cond3A_96 {
        %dma_start3A_189 = arith.constant 0 : i32
        %dma_start3A_190 = arith.constant 0 : i32
        %dma_start3A_191 = arith.constant 0 : i32
        %dma_start3A_192 = tpu.memref_slice %arg8[%dma_start3A_189, %dma_start3A_190, %dma_start3A_191] : memref<5x128x64xf32, #tpu.memory_space<vmem>> -> memref<1x128x64xf32, #tpu.memory_space<vmem>>
        %dma_start3A_193 = tpu.memref_squeeze %dma_start3A_192 : memref<1x128x64xf32, #tpu.memory_space<vmem>> -> memref<128x64xf32, #tpu.memory_space<vmem>>
        %dma_start3A_194 = arith.constant 0 : i32
        %dma_start3A_195 = tpu.memref_slice %arg6[%add3A_94, %dma_start3A_194] : memref<160x128xi32, #tpu.memory_space<vmem>> -> memref<1x128xi32, #tpu.memory_space<vmem>>
        %dma_start3A_196 = tpu.memref_squeeze %dma_start3A_195 : memref<1x128xi32, #tpu.memory_space<vmem>> -> memref<128xi32, #tpu.memory_space<vmem>>
        %dma_start3A_197 = arith.constant 0 : i32
        %dma_start3A_198 = arith.constant 0 : i32
        %dma_start3A_199 = tpu.memref_slice %arg2[%dma_start3A_197, %dma_start3A_198] : memref<20480x64xf32, #tpu.memory_space<hbm>> -> memref<20480x64xf32, #tpu.memory_space<hbm>>
        tpu.enqueue_indirect_dma source(%dma_start3A_199 : memref<20480x64xf32, #tpu.memory_space<hbm>>) target(%dma_start3A_193 : memref<128x64xf32, #tpu.memory_space<vmem>>) offsets(%dma_start3A_196 : memref<128xi32, #tpu.memory_space<vmem>>) semaphore(%arg10 : memref<!tpu.dma_semaphore, #tpu.memory_space<semaphore_mem>>)
      } else {
      }
      %mul3A_97 = arith.constant 5 : i32
      %mul3A_98 = arith.muli %scan3A_79, %mul3A_97 : i32
      %add3A_99 = arith.constant 1 : i32
      %add3A_100 = arith.addi %mul3A_98, %add3A_99 : i32
      %dma_wait3A_101 = arith.constant 1 : i32
      %dma_wait3A_102 = arith.constant 0 : i32
      %dma_wait3A_103 = arith.constant 0 : i32
      %dma_wait3A_104 = tpu.memref_slice %arg8[%dma_wait3A_101, %dma_wait3A_102, %dma_wait3A_103] : memref<5x128x64xf32, #tpu.memory_space<vmem>> -> memref<1x128x64xf32, #tpu.memory_space<vmem>>
      %dma_wait3A_105 = tpu.memref_squeeze %dma_wait3A_104 : memref<1x128x64xf32, #tpu.memory_space<vmem>> -> memref<128x64xf32, #tpu.memory_space<vmem>>
      %dma_wait3A_106 = arith.constant 0 : i32
      %dma_wait3A_107 = tpu.memref_slice %arg6[%add3A_100, %dma_wait3A_106] : memref<160x128xi32, #tpu.memory_space<vmem>> -> memref<1x128xi32, #tpu.memory_space<vmem>>
      %dma_wait3A_108 = tpu.memref_squeeze %dma_wait3A_107 : memref<1x128xi32, #tpu.memory_space<vmem>> -> memref<128xi32, #tpu.memory_space<vmem>>
      %dma_wait3A_109 = arith.constant 0 : i32
      %dma_wait3A_110 = arith.constant 0 : i32
      %dma_wait3A_111 = tpu.memref_slice %arg2[%dma_wait3A_109, %dma_wait3A_110] : memref<20480x64xf32, #tpu.memory_space<hbm>> -> memref<20480x64xf32, #tpu.memory_space<hbm>>
      tpu.wait_indirect_dma semaphore(%arg11 : memref<!tpu.dma_semaphore, #tpu.memory_space<semaphore_mem>>) src(%dma_wait3A_111 : memref<20480x64xf32, #tpu.memory_space<hbm>>) dst(%dma_wait3A_105 : memref<128x64xf32, #tpu.memory_space<vmem>>)
      %run_scoped3A_112 = arith.constant 1 : i32
      "tpu.region"() ({
        %run_scoped3A_189 = tpu.sem_alloc : memref<!tpu.dma_semaphore, #tpu.memory_space<semaphore_mem>>
        %dma_start3A_190 = arith.constant 0 : i32
        %dma_start3A_191 = arith.constant 0 : i32
        %dma_start3A_192 = tpu.memref_slice %arg8[%run_scoped3A_112, %dma_start3A_190, %dma_start3A_191] : memref<5x128x64xf32, #tpu.memory_space<vmem>> -> memref<1x128x64xf32, #tpu.memory_space<vmem>>
        %dma_start3A_193 = tpu.memref_squeeze %dma_start3A_192 : memref<1x128x64xf32, #tpu.memory_space<vmem>> -> memref<128x64xf32, #tpu.memory_space<vmem>>
        %dma_start3A_194 = arith.constant 0 : i32
        %dma_start3A_195 = tpu.memref_slice %arg7[%add3A_100, %dma_start3A_194] : memref<160x128xi32, #tpu.memory_space<vmem>> -> memref<1x128xi32, #tpu.memory_space<vmem>>
        %dma_start3A_196 = tpu.memref_squeeze %dma_start3A_195 : memref<1x128xi32, #tpu.memory_space<vmem>> -> memref<128xi32, #tpu.memory_space<vmem>>
        %dma_start3A_197 = arith.constant 0 : i32
        %dma_start3A_198 = arith.constant 0 : i32
        %dma_start3A_199 = tpu.memref_slice %arg9[%dma_start3A_197, %dma_start3A_198] : memref<10240x64xf32, #tpu.memory_space<vmem_shared>> -> memref<10240x64xf32, #tpu.memory_space<vmem_shared>>
        tpu.enqueue_indirect_dma source(%dma_start3A_193 : memref<128x64xf32, #tpu.memory_space<vmem>>) target(%dma_start3A_199 : memref<10240x64xf32, #tpu.memory_space<vmem_shared>>) offsets(%dma_start3A_196 : memref<128xi32, #tpu.memory_space<vmem>>) semaphore(%run_scoped3A_189 : memref<!tpu.dma_semaphore, #tpu.memory_space<semaphore_mem>>) {add = true}
        %dma_wait3A_200 = arith.constant 0 : i32
        %dma_wait3A_201 = arith.constant 0 : i32
        %dma_wait3A_202 = tpu.memref_slice %arg8[%run_scoped3A_112, %dma_wait3A_200, %dma_wait3A_201] : memref<5x128x64xf32, #tpu.memory_space<vmem>> -> memref<1x128x64xf32, #tpu.memory_space<vmem>>
        %dma_wait3A_203 = tpu.memref_squeeze %dma_wait3A_202 : memref<1x128x64xf32, #tpu.memory_space<vmem>> -> memref<128x64xf32, #tpu.memory_space<vmem>>
        %dma_wait3A_204 = arith.constant 0 : i32
        %dma_wait3A_205 = tpu.memref_slice %arg7[%add3A_100, %dma_wait3A_204] : memref<160x128xi32, #tpu.memory_space<vmem>> -> memref<1x128xi32, #tpu.memory_space<vmem>>
        %dma_wait3A_206 = tpu.memref_squeeze %dma_wait3A_205 : memref<1x128xi32, #tpu.memory_space<vmem>> -> memref<128xi32, #tpu.memory_space<vmem>>
        %dma_wait3A_207 = arith.constant 0 : i32
        %dma_wait3A_208 = arith.constant 0 : i32
        %dma_wait3A_209 = tpu.memref_slice %arg9[%dma_wait3A_207, %dma_wait3A_208] : memref<10240x64xf32, #tpu.memory_space<vmem_shared>> -> memref<10240x64xf32, #tpu.memory_space<vmem_shared>>
        tpu.wait_indirect_dma semaphore(%run_scoped3A_189 : memref<!tpu.dma_semaphore, #tpu.memory_space<semaphore_mem>>) src(%dma_wait3A_203 : memref<128x64xf32, #tpu.memory_space<vmem>>) dst(%dma_wait3A_209 : memref<10240x64xf32, #tpu.memory_space<vmem_shared>>)
        tpu.yield
      }) : () -> ()
      %add3A_113 = arith.constant 5 : i32
      %add3A_114 = arith.addi %add3A_100, %add3A_113 : i32
      %lt3A_115 = arith.constant 160 : i32
      %lt3A_116 = arith.cmpi slt, %add3A_114, %lt3A_115 : i32
      %convert_element_type3A_117 = arith.extui %lt3A_116 : i1 to i32
      %cond3A_118 = arith.constant 0 : i32
      %cond3A_119 = arith.cmpi ne, %convert_element_type3A_117, %cond3A_118 : i32
      scf.if %cond3A_119 {
        %dma_start3A_189 = arith.constant 1 : i32
        %dma_start3A_190 = arith.constant 0 : i32
        %dma_start3A_191 = arith.constant 0 : i32
        %dma_start3A_192 = tpu.memref_slice %arg8[%dma_start3A_189, %dma_start3A_190, %dma_start3A_191] : memref<5x128x64xf32, #tpu.memory_space<vmem>> -> memref<1x128x64xf32, #tpu.memory_space<vmem>>
        %dma_start3A_193 = tpu.memref_squeeze %dma_start3A_192 : memref<1x128x64xf32, #tpu.memory_space<vmem>> -> memref<128x64xf32, #tpu.memory_space<vmem>>
        %dma_start3A_194 = arith.constant 0 : i32
        %dma_start3A_195 = tpu.memref_slice %arg6[%add3A_114, %dma_start3A_194] : memref<160x128xi32, #tpu.memory_space<vmem>> -> memref<1x128xi32, #tpu.memory_space<vmem>>
        %dma_start3A_196 = tpu.memref_squeeze %dma_start3A_195 : memref<1x128xi32, #tpu.memory_space<vmem>> -> memref<128xi32, #tpu.memory_space<vmem>>
        %dma_start3A_197 = arith.constant 0 : i32
        %dma_start3A_198 = arith.constant 0 : i32
        %dma_start3A_199 = tpu.memref_slice %arg2[%dma_start3A_197, %dma_start3A_198] : memref<20480x64xf32, #tpu.memory_space<hbm>> -> memref<20480x64xf32, #tpu.memory_space<hbm>>
        tpu.enqueue_indirect_dma source(%dma_start3A_199 : memref<20480x64xf32, #tpu.memory_space<hbm>>) target(%dma_start3A_193 : memref<128x64xf32, #tpu.memory_space<vmem>>) offsets(%dma_start3A_196 : memref<128xi32, #tpu.memory_space<vmem>>) semaphore(%arg11 : memref<!tpu.dma_semaphore, #tpu.memory_space<semaphore_mem>>)
      } else {
      }
      %mul3A_120 = arith.constant 5 : i32
      %mul3A_121 = arith.muli %scan3A_79, %mul3A_120 : i32
      %add3A_122 = arith.constant 2 : i32
      %add3A_123 = arith.addi %mul3A_121, %add3A_122 : i32
      %dma_wait3A_124 = arith.constant 2 : i32
      %dma_wait3A_125 = arith.constant 0 : i32
      %dma_wait3A_126 = arith.constant 0 : i32
      %dma_wait3A_127 = tpu.memref_slice %arg8[%dma_wait3A_124, %dma_wait3A_125, %dma_wait3A_126] : memref<5x128x64xf32, #tpu.memory_space<vmem>> -> memref<1x128x64xf32, #tpu.memory_space<vmem>>
      %dma_wait3A_128 = tpu.memref_squeeze %dma_wait3A_127 : memref<1x128x64xf32, #tpu.memory_space<vmem>> -> memref<128x64xf32, #tpu.memory_space<vmem>>
      %dma_wait3A_129 = arith.constant 0 : i32
      %dma_wait3A_130 = tpu.memref_slice %arg6[%add3A_123, %dma_wait3A_129] : memref<160x128xi32, #tpu.memory_space<vmem>> -> memref<1x128xi32, #tpu.memory_space<vmem>>
      %dma_wait3A_131 = tpu.memref_squeeze %dma_wait3A_130 : memref<1x128xi32, #tpu.memory_space<vmem>> -> memref<128xi32, #tpu.memory_space<vmem>>
      %dma_wait3A_132 = arith.constant 0 : i32
      %dma_wait3A_133 = arith.constant 0 : i32
      %dma_wait3A_134 = tpu.memref_slice %arg2[%dma_wait3A_132, %dma_wait3A_133] : memref<20480x64xf32, #tpu.memory_space<hbm>> -> memref<20480x64xf32, #tpu.memory_space<hbm>>
      tpu.wait_indirect_dma semaphore(%arg12 : memref<!tpu.dma_semaphore, #tpu.memory_space<semaphore_mem>>) src(%dma_wait3A_134 : memref<20480x64xf32, #tpu.memory_space<hbm>>) dst(%dma_wait3A_128 : memref<128x64xf32, #tpu.memory_space<vmem>>)
      %run_scoped3A_135 = arith.constant 2 : i32
      "tpu.region"() ({
        %run_scoped3A_189 = tpu.sem_alloc : memref<!tpu.dma_semaphore, #tpu.memory_space<semaphore_mem>>
        %dma_start3A_190 = arith.constant 0 : i32
        %dma_start3A_191 = arith.constant 0 : i32
        %dma_start3A_192 = tpu.memref_slice %arg8[%run_scoped3A_135, %dma_start3A_190, %dma_start3A_191] : memref<5x128x64xf32, #tpu.memory_space<vmem>> -> memref<1x128x64xf32, #tpu.memory_space<vmem>>
        %dma_start3A_193 = tpu.memref_squeeze %dma_start3A_192 : memref<1x128x64xf32, #tpu.memory_space<vmem>> -> memref<128x64xf32, #tpu.memory_space<vmem>>
        %dma_start3A_194 = arith.constant 0 : i32
        %dma_start3A_195 = tpu.memref_slice %arg7[%add3A_123, %dma_start3A_194] : memref<160x128xi32, #tpu.memory_space<vmem>> -> memref<1x128xi32, #tpu.memory_space<vmem>>
        %dma_start3A_196 = tpu.memref_squeeze %dma_start3A_195 : memref<1x128xi32, #tpu.memory_space<vmem>> -> memref<128xi32, #tpu.memory_space<vmem>>
        %dma_start3A_197 = arith.constant 0 : i32
        %dma_start3A_198 = arith.constant 0 : i32
        %dma_start3A_199 = tpu.memref_slice %arg9[%dma_start3A_197, %dma_start3A_198] : memref<10240x64xf32, #tpu.memory_space<vmem_shared>> -> memref<10240x64xf32, #tpu.memory_space<vmem_shared>>
        tpu.enqueue_indirect_dma source(%dma_start3A_193 : memref<128x64xf32, #tpu.memory_space<vmem>>) target(%dma_start3A_199 : memref<10240x64xf32, #tpu.memory_space<vmem_shared>>) offsets(%dma_start3A_196 : memref<128xi32, #tpu.memory_space<vmem>>) semaphore(%run_scoped3A_189 : memref<!tpu.dma_semaphore, #tpu.memory_space<semaphore_mem>>) {add = true}
        %dma_wait3A_200 = arith.constant 0 : i32
        %dma_wait3A_201 = arith.constant 0 : i32
        %dma_wait3A_202 = tpu.memref_slice %arg8[%run_scoped3A_135, %dma_wait3A_200, %dma_wait3A_201] : memref<5x128x64xf32, #tpu.memory_space<vmem>> -> memref<1x128x64xf32, #tpu.memory_space<vmem>>
        %dma_wait3A_203 = tpu.memref_squeeze %dma_wait3A_202 : memref<1x128x64xf32, #tpu.memory_space<vmem>> -> memref<128x64xf32, #tpu.memory_space<vmem>>
        %dma_wait3A_204 = arith.constant 0 : i32
        %dma_wait3A_205 = tpu.memref_slice %arg7[%add3A_123, %dma_wait3A_204] : memref<160x128xi32, #tpu.memory_space<vmem>> -> memref<1x128xi32, #tpu.memory_space<vmem>>
        %dma_wait3A_206 = tpu.memref_squeeze %dma_wait3A_205 : memref<1x128xi32, #tpu.memory_space<vmem>> -> memref<128xi32, #tpu.memory_space<vmem>>
        %dma_wait3A_207 = arith.constant 0 : i32
        %dma_wait3A_208 = arith.constant 0 : i32
        %dma_wait3A_209 = tpu.memref_slice %arg9[%dma_wait3A_207, %dma_wait3A_208] : memref<10240x64xf32, #tpu.memory_space<vmem_shared>> -> memref<10240x64xf32, #tpu.memory_space<vmem_shared>>
        tpu.wait_indirect_dma semaphore(%run_scoped3A_189 : memref<!tpu.dma_semaphore, #tpu.memory_space<semaphore_mem>>) src(%dma_wait3A_203 : memref<128x64xf32, #tpu.memory_space<vmem>>) dst(%dma_wait3A_209 : memref<10240x64xf32, #tpu.memory_space<vmem_shared>>)
        tpu.yield
      }) : () -> ()
      %add3A_136 = arith.constant 5 : i32
      %add3A_137 = arith.addi %add3A_123, %add3A_136 : i32
      %lt3A_138 = arith.constant 160 : i32
      %lt3A_139 = arith.cmpi slt, %add3A_137, %lt3A_138 : i32
      %convert_element_type3A_140 = arith.extui %lt3A_139 : i1 to i32
      %cond3A_141 = arith.constant 0 : i32
      %cond3A_142 = arith.cmpi ne, %convert_element_type3A_140, %cond3A_141 : i32
      scf.if %cond3A_142 {
        %dma_start3A_189 = arith.constant 2 : i32
        %dma_start3A_190 = arith.constant 0 : i32
        %dma_start3A_191 = arith.constant 0 : i32
        %dma_start3A_192 = tpu.memref_slice %arg8[%dma_start3A_189, %dma_start3A_190, %dma_start3A_191] : memref<5x128x64xf32, #tpu.memory_space<vmem>> -> memref<1x128x64xf32, #tpu.memory_space<vmem>>
        %dma_start3A_193 = tpu.memref_squeeze %dma_start3A_192 : memref<1x128x64xf32, #tpu.memory_space<vmem>> -> memref<128x64xf32, #tpu.memory_space<vmem>>
        %dma_start3A_194 = arith.constant 0 : i32
        %dma_start3A_195 = tpu.memref_slice %arg6[%add3A_137, %dma_start3A_194] : memref<160x128xi32, #tpu.memory_space<vmem>> -> memref<1x128xi32, #tpu.memory_space<vmem>>
        %dma_start3A_196 = tpu.memref_squeeze %dma_start3A_195 : memref<1x128xi32, #tpu.memory_space<vmem>> -> memref<128xi32, #tpu.memory_space<vmem>>
        %dma_start3A_197 = arith.constant 0 : i32
        %dma_start3A_198 = arith.constant 0 : i32
        %dma_start3A_199 = tpu.memref_slice %arg2[%dma_start3A_197, %dma_start3A_198] : memref<20480x64xf32, #tpu.memory_space<hbm>> -> memref<20480x64xf32, #tpu.memory_space<hbm>>
        tpu.enqueue_indirect_dma source(%dma_start3A_199 : memref<20480x64xf32, #tpu.memory_space<hbm>>) target(%dma_start3A_193 : memref<128x64xf32, #tpu.memory_space<vmem>>) offsets(%dma_start3A_196 : memref<128xi32, #tpu.memory_space<vmem>>) semaphore(%arg12 : memref<!tpu.dma_semaphore, #tpu.memory_space<semaphore_mem>>)
      } else {
      }
      %mul3A_143 = arith.constant 5 : i32
      %mul3A_144 = arith.muli %scan3A_79, %mul3A_143 : i32
      %add3A_145 = arith.constant 3 : i32
      %add3A_146 = arith.addi %mul3A_144, %add3A_145 : i32
      %dma_wait3A_147 = arith.constant 3 : i32
      %dma_wait3A_148 = arith.constant 0 : i32
      %dma_wait3A_149 = arith.constant 0 : i32
      %dma_wait3A_150 = tpu.memref_slice %arg8[%dma_wait3A_147, %dma_wait3A_148, %dma_wait3A_149] : memref<5x128x64xf32, #tpu.memory_space<vmem>> -> memref<1x128x64xf32, #tpu.memory_space<vmem>>
      %dma_wait3A_151 = tpu.memref_squeeze %dma_wait3A_150 : memref<1x128x64xf32, #tpu.memory_space<vmem>> -> memref<128x64xf32, #tpu.memory_space<vmem>>
      %dma_wait3A_152 = arith.constant 0 : i32
      %dma_wait3A_153 = tpu.memref_slice %arg6[%add3A_146, %dma_wait3A_152] : memref<160x128xi32, #tpu.memory_space<vmem>> -> memref<1x128xi32, #tpu.memory_space<vmem>>
      %dma_wait3A_154 = tpu.memref_squeeze %dma_wait3A_153 : memref<1x128xi32, #tpu.memory_space<vmem>> -> memref<128xi32, #tpu.memory_space<vmem>>
      %dma_wait3A_155 = arith.constant 0 : i32
      %dma_wait3A_156 = arith.constant 0 : i32
      %dma_wait3A_157 = tpu.memref_slice %arg2[%dma_wait3A_155, %dma_wait3A_156] : memref<20480x64xf32, #tpu.memory_space<hbm>> -> memref<20480x64xf32, #tpu.memory_space<hbm>>
      tpu.wait_indirect_dma semaphore(%arg13 : memref<!tpu.dma_semaphore, #tpu.memory_space<semaphore_mem>>) src(%dma_wait3A_157 : memref<20480x64xf32, #tpu.memory_space<hbm>>) dst(%dma_wait3A_151 : memref<128x64xf32, #tpu.memory_space<vmem>>)
      %run_scoped3A_158 = arith.constant 3 : i32
      "tpu.region"() ({
        %run_scoped3A_189 = tpu.sem_alloc : memref<!tpu.dma_semaphore, #tpu.memory_space<semaphore_mem>>
        %dma_start3A_190 = arith.constant 0 : i32
        %dma_start3A_191 = arith.constant 0 : i32
        %dma_start3A_192 = tpu.memref_slice %arg8[%run_scoped3A_158, %dma_start3A_190, %dma_start3A_191] : memref<5x128x64xf32, #tpu.memory_space<vmem>> -> memref<1x128x64xf32, #tpu.memory_space<vmem>>
        %dma_start3A_193 = tpu.memref_squeeze %dma_start3A_192 : memref<1x128x64xf32, #tpu.memory_space<vmem>> -> memref<128x64xf32, #tpu.memory_space<vmem>>
        %dma_start3A_194 = arith.constant 0 : i32
        %dma_start3A_195 = tpu.memref_slice %arg7[%add3A_146, %dma_start3A_194] : memref<160x128xi32, #tpu.memory_space<vmem>> -> memref<1x128xi32, #tpu.memory_space<vmem>>
        %dma_start3A_196 = tpu.memref_squeeze %dma_start3A_195 : memref<1x128xi32, #tpu.memory_space<vmem>> -> memref<128xi32, #tpu.memory_space<vmem>>
        %dma_start3A_197 = arith.constant 0 : i32
        %dma_start3A_198 = arith.constant 0 : i32
        %dma_start3A_199 = tpu.memref_slice %arg9[%dma_start3A_197, %dma_start3A_198] : memref<10240x64xf32, #tpu.memory_space<vmem_shared>> -> memref<10240x64xf32, #tpu.memory_space<vmem_shared>>
        tpu.enqueue_indirect_dma source(%dma_start3A_193 : memref<128x64xf32, #tpu.memory_space<vmem>>) target(%dma_start3A_199 : memref<10240x64xf32, #tpu.memory_space<vmem_shared>>) offsets(%dma_start3A_196 : memref<128xi32, #tpu.memory_space<vmem>>) semaphore(%run_scoped3A_189 : memref<!tpu.dma_semaphore, #tpu.memory_space<semaphore_mem>>) {add = true}
        %dma_wait3A_200 = arith.constant 0 : i32
        %dma_wait3A_201 = arith.constant 0 : i32
        %dma_wait3A_202 = tpu.memref_slice %arg8[%run_scoped3A_158, %dma_wait3A_200, %dma_wait3A_201] : memref<5x128x64xf32, #tpu.memory_space<vmem>> -> memref<1x128x64xf32, #tpu.memory_space<vmem>>
        %dma_wait3A_203 = tpu.memref_squeeze %dma_wait3A_202 : memref<1x128x64xf32, #tpu.memory_space<vmem>> -> memref<128x64xf32, #tpu.memory_space<vmem>>
        %dma_wait3A_204 = arith.constant 0 : i32
        %dma_wait3A_205 = tpu.memref_slice %arg7[%add3A_146, %dma_wait3A_204] : memref<160x128xi32, #tpu.memory_space<vmem>> -> memref<1x128xi32, #tpu.memory_space<vmem>>
        %dma_wait3A_206 = tpu.memref_squeeze %dma_wait3A_205 : memref<1x128xi32, #tpu.memory_space<vmem>> -> memref<128xi32, #tpu.memory_space<vmem>>
        %dma_wait3A_207 = arith.constant 0 : i32
        %dma_wait3A_208 = arith.constant 0 : i32
        %dma_wait3A_209 = tpu.memref_slice %arg9[%dma_wait3A_207, %dma_wait3A_208] : memref<10240x64xf32, #tpu.memory_space<vmem_shared>> -> memref<10240x64xf32, #tpu.memory_space<vmem_shared>>
        tpu.wait_indirect_dma semaphore(%run_scoped3A_189 : memref<!tpu.dma_semaphore, #tpu.memory_space<semaphore_mem>>) src(%dma_wait3A_203 : memref<128x64xf32, #tpu.memory_space<vmem>>) dst(%dma_wait3A_209 : memref<10240x64xf32, #tpu.memory_space<vmem_shared>>)
        tpu.yield
      }) : () -> ()
      %add3A_159 = arith.constant 5 : i32
      %add3A_160 = arith.addi %add3A_146, %add3A_159 : i32
      %lt3A_161 = arith.constant 160 : i32
      %lt3A_162 = arith.cmpi slt, %add3A_160, %lt3A_161 : i32
      %convert_element_type3A_163 = arith.extui %lt3A_162 : i1 to i32
      %cond3A_164 = arith.constant 0 : i32
      %cond3A_165 = arith.cmpi ne, %convert_element_type3A_163, %cond3A_164 : i32
      scf.if %cond3A_165 {
        %dma_start3A_189 = arith.constant 3 : i32
        %dma_start3A_190 = arith.constant 0 : i32
        %dma_start3A_191 = arith.constant 0 : i32
        %dma_start3A_192 = tpu.memref_slice %arg8[%dma_start3A_189, %dma_start3A_190, %dma_start3A_191] : memref<5x128x64xf32, #tpu.memory_space<vmem>> -> memref<1x128x64xf32, #tpu.memory_space<vmem>>
        %dma_start3A_193 = tpu.memref_squeeze %dma_start3A_192 : memref<1x128x64xf32, #tpu.memory_space<vmem>> -> memref<128x64xf32, #tpu.memory_space<vmem>>
        %dma_start3A_194 = arith.constant 0 : i32
        %dma_start3A_195 = tpu.memref_slice %arg6[%add3A_160, %dma_start3A_194] : memref<160x128xi32, #tpu.memory_space<vmem>> -> memref<1x128xi32, #tpu.memory_space<vmem>>
        %dma_start3A_196 = tpu.memref_squeeze %dma_start3A_195 : memref<1x128xi32, #tpu.memory_space<vmem>> -> memref<128xi32, #tpu.memory_space<vmem>>
        %dma_start3A_197 = arith.constant 0 : i32
        %dma_start3A_198 = arith.constant 0 : i32
        %dma_start3A_199 = tpu.memref_slice %arg2[%dma_start3A_197, %dma_start3A_198] : memref<20480x64xf32, #tpu.memory_space<hbm>> -> memref<20480x64xf32, #tpu.memory_space<hbm>>
        tpu.enqueue_indirect_dma source(%dma_start3A_199 : memref<20480x64xf32, #tpu.memory_space<hbm>>) target(%dma_start3A_193 : memref<128x64xf32, #tpu.memory_space<vmem>>) offsets(%dma_start3A_196 : memref<128xi32, #tpu.memory_space<vmem>>) semaphore(%arg13 : memref<!tpu.dma_semaphore, #tpu.memory_space<semaphore_mem>>)
      } else {
      }
      %mul3A_166 = arith.constant 5 : i32
      %mul3A_167 = arith.muli %scan3A_79, %mul3A_166 : i32
      %add3A_168 = arith.constant 4 : i32
      %add3A_169 = arith.addi %mul3A_167, %add3A_168 : i32
      %dma_wait3A_170 = arith.constant 4 : i32
      %dma_wait3A_171 = arith.constant 0 : i32
      %dma_wait3A_172 = arith.constant 0 : i32
      %dma_wait3A_173 = tpu.memref_slice %arg8[%dma_wait3A_170, %dma_wait3A_171, %dma_wait3A_172] : memref<5x128x64xf32, #tpu.memory_space<vmem>> -> memref<1x128x64xf32, #tpu.memory_space<vmem>>
      %dma_wait3A_174 = tpu.memref_squeeze %dma_wait3A_173 : memref<1x128x64xf32, #tpu.memory_space<vmem>> -> memref<128x64xf32, #tpu.memory_space<vmem>>
      %dma_wait3A_175 = arith.constant 0 : i32
      %dma_wait3A_176 = tpu.memref_slice %arg6[%add3A_169, %dma_wait3A_175] : memref<160x128xi32, #tpu.memory_space<vmem>> -> memref<1x128xi32, #tpu.memory_space<vmem>>
      %dma_wait3A_177 = tpu.memref_squeeze %dma_wait3A_176 : memref<1x128xi32, #tpu.memory_space<vmem>> -> memref<128xi32, #tpu.memory_space<vmem>>
      %dma_wait3A_178 = arith.constant 0 : i32
      %dma_wait3A_179 = arith.constant 0 : i32
      %dma_wait3A_180 = tpu.memref_slice %arg2[%dma_wait3A_178, %dma_wait3A_179] : memref<20480x64xf32, #tpu.memory_space<hbm>> -> memref<20480x64xf32, #tpu.memory_space<hbm>>
      tpu.wait_indirect_dma semaphore(%arg14 : memref<!tpu.dma_semaphore, #tpu.memory_space<semaphore_mem>>) src(%dma_wait3A_180 : memref<20480x64xf32, #tpu.memory_space<hbm>>) dst(%dma_wait3A_174 : memref<128x64xf32, #tpu.memory_space<vmem>>)
      %run_scoped3A_181 = arith.constant 4 : i32
      "tpu.region"() ({
        %run_scoped3A_189 = tpu.sem_alloc : memref<!tpu.dma_semaphore, #tpu.memory_space<semaphore_mem>>
        %dma_start3A_190 = arith.constant 0 : i32
        %dma_start3A_191 = arith.constant 0 : i32
        %dma_start3A_192 = tpu.memref_slice %arg8[%run_scoped3A_181, %dma_start3A_190, %dma_start3A_191] : memref<5x128x64xf32, #tpu.memory_space<vmem>> -> memref<1x128x64xf32, #tpu.memory_space<vmem>>
        %dma_start3A_193 = tpu.memref_squeeze %dma_start3A_192 : memref<1x128x64xf32, #tpu.memory_space<vmem>> -> memref<128x64xf32, #tpu.memory_space<vmem>>
        %dma_start3A_194 = arith.constant 0 : i32
        %dma_start3A_195 = tpu.memref_slice %arg7[%add3A_169, %dma_start3A_194] : memref<160x128xi32, #tpu.memory_space<vmem>> -> memref<1x128xi32, #tpu.memory_space<vmem>>
        %dma_start3A_196 = tpu.memref_squeeze %dma_start3A_195 : memref<1x128xi32, #tpu.memory_space<vmem>> -> memref<128xi32, #tpu.memory_space<vmem>>
        %dma_start3A_197 = arith.constant 0 : i32
        %dma_start3A_198 = arith.constant 0 : i32
        %dma_start3A_199 = tpu.memref_slice %arg9[%dma_start3A_197, %dma_start3A_198] : memref<10240x64xf32, #tpu.memory_space<vmem_shared>> -> memref<10240x64xf32, #tpu.memory_space<vmem_shared>>
        tpu.enqueue_indirect_dma source(%dma_start3A_193 : memref<128x64xf32, #tpu.memory_space<vmem>>) target(%dma_start3A_199 : memref<10240x64xf32, #tpu.memory_space<vmem_shared>>) offsets(%dma_start3A_196 : memref<128xi32, #tpu.memory_space<vmem>>) semaphore(%run_scoped3A_189 : memref<!tpu.dma_semaphore, #tpu.memory_space<semaphore_mem>>) {add = true}
        %dma_wait3A_200 = arith.constant 0 : i32
        %dma_wait3A_201 = arith.constant 0 : i32
        %dma_wait3A_202 = tpu.memref_slice %arg8[%run_scoped3A_181, %dma_wait3A_200, %dma_wait3A_201] : memref<5x128x64xf32, #tpu.memory_space<vmem>> -> memref<1x128x64xf32, #tpu.memory_space<vmem>>
        %dma_wait3A_203 = tpu.memref_squeeze %dma_wait3A_202 : memref<1x128x64xf32, #tpu.memory_space<vmem>> -> memref<128x64xf32, #tpu.memory_space<vmem>>
        %dma_wait3A_204 = arith.constant 0 : i32
        %dma_wait3A_205 = tpu.memref_slice %arg7[%add3A_169, %dma_wait3A_204] : memref<160x128xi32, #tpu.memory_space<vmem>> -> memref<1x128xi32, #tpu.memory_space<vmem>>
        %dma_wait3A_206 = tpu.memref_squeeze %dma_wait3A_205 : memref<1x128xi32, #tpu.memory_space<vmem>> -> memref<128xi32, #tpu.memory_space<vmem>>
        %dma_wait3A_207 = arith.constant 0 : i32
        %dma_wait3A_208 = arith.constant 0 : i32
        %dma_wait3A_209 = tpu.memref_slice %arg9[%dma_wait3A_207, %dma_wait3A_208] : memref<10240x64xf32, #tpu.memory_space<vmem_shared>> -> memref<10240x64xf32, #tpu.memory_space<vmem_shared>>
        tpu.wait_indirect_dma semaphore(%run_scoped3A_189 : memref<!tpu.dma_semaphore, #tpu.memory_space<semaphore_mem>>) src(%dma_wait3A_203 : memref<128x64xf32, #tpu.memory_space<vmem>>) dst(%dma_wait3A_209 : memref<10240x64xf32, #tpu.memory_space<vmem_shared>>)
        tpu.yield
      }) : () -> ()
      %add3A_182 = arith.constant 5 : i32
      %add3A_183 = arith.addi %add3A_169, %add3A_182 : i32
      %lt3A_184 = arith.constant 160 : i32
      %lt3A_185 = arith.cmpi slt, %add3A_183, %lt3A_184 : i32
      %convert_element_type3A_186 = arith.extui %lt3A_185 : i1 to i32
      %cond3A_187 = arith.constant 0 : i32
      %cond3A_188 = arith.cmpi ne, %convert_element_type3A_186, %cond3A_187 : i32
      scf.if %cond3A_188 {
        %dma_start3A_189 = arith.constant 4 : i32
        %dma_start3A_190 = arith.constant 0 : i32
        %dma_start3A_191 = arith.constant 0 : i32
        %dma_start3A_192 = tpu.memref_slice %arg8[%dma_start3A_189, %dma_start3A_190, %dma_start3A_191] : memref<5x128x64xf32, #tpu.memory_space<vmem>> -> memref<1x128x64xf32, #tpu.memory_space<vmem>>
        %dma_start3A_193 = tpu.memref_squeeze %dma_start3A_192 : memref<1x128x64xf32, #tpu.memory_space<vmem>> -> memref<128x64xf32, #tpu.memory_space<vmem>>
        %dma_start3A_194 = arith.constant 0 : i32
        %dma_start3A_195 = tpu.memref_slice %arg6[%add3A_183, %dma_start3A_194] : memref<160x128xi32, #tpu.memory_space<vmem>> -> memref<1x128xi32, #tpu.memory_space<vmem>>
        %dma_start3A_196 = tpu.memref_squeeze %dma_start3A_195 : memref<1x128xi32, #tpu.memory_space<vmem>> -> memref<128xi32, #tpu.memory_space<vmem>>
        %dma_start3A_197 = arith.constant 0 : i32
        %dma_start3A_198 = arith.constant 0 : i32
        %dma_start3A_199 = tpu.memref_slice %arg2[%dma_start3A_197, %dma_start3A_198] : memref<20480x64xf32, #tpu.memory_space<hbm>> -> memref<20480x64xf32, #tpu.memory_space<hbm>>
        tpu.enqueue_indirect_dma source(%dma_start3A_199 : memref<20480x64xf32, #tpu.memory_space<hbm>>) target(%dma_start3A_193 : memref<128x64xf32, #tpu.memory_space<vmem>>) offsets(%dma_start3A_196 : memref<128xi32, #tpu.memory_space<vmem>>) semaphore(%arg14 : memref<!tpu.dma_semaphore, #tpu.memory_space<semaphore_mem>>)
      } else {
      }
    }
    %scan3A_77 = arith.constant 32 : i32
    %barrier3A_78 = arith.constant 0 : index
    tpu.barrier barrier_id(%barrier3A_78)
    "tpu.region"() ({
      %run_scoped3A = tpu.sem_alloc : memref<!tpu.dma_semaphore, #tpu.memory_space<semaphore_mem>>
      %dma_start3A_79 = arith.constant 0 : i32
      %dma_start3A_80 = tpu.memref_slice %arg5[%arg0, %mul3A_6, %dma_start3A_79] : memref<2x10240x64xf32, #tpu.memory_space<hbm>> -> memref<1x640x64xf32, #tpu.memory_space<hbm>>
      %dma_start3A_81 = tpu.memref_squeeze %dma_start3A_80 : memref<1x640x64xf32, #tpu.memory_space<hbm>> -> memref<640x64xf32, #tpu.memory_space<hbm>>
      %dma_start3A_82 = arith.constant 0 : i32
      %dma_start3A_83 = tpu.memref_slice %arg9[%mul3A_6, %dma_start3A_82] : memref<10240x64xf32, #tpu.memory_space<vmem_shared>> -> memref<640x64xf32, #tpu.memory_space<vmem_shared>>
      tpu.enqueue_dma source(%dma_start3A_83 : memref<640x64xf32, #tpu.memory_space<vmem_shared>>) target(%dma_start3A_81 : memref<640x64xf32, #tpu.memory_space<hbm>>) target_semaphore(%run_scoped3A : memref<!tpu.dma_semaphore, #tpu.memory_space<semaphore_mem>>)
      %dma_wait3A = arith.constant 0 : i32
      %dma_wait3A_84 = tpu.memref_slice %arg5[%arg0, %mul3A_6, %dma_wait3A] : memref<2x10240x64xf32, #tpu.memory_space<hbm>> -> memref<1x640x64xf32, #tpu.memory_space<hbm>>
      %dma_wait3A_85 = tpu.memref_squeeze %dma_wait3A_84 : memref<1x640x64xf32, #tpu.memory_space<hbm>> -> memref<640x64xf32, #tpu.memory_space<hbm>>
      %dma_wait3A_86 = arith.constant 0 : i32
      %dma_wait3A_87 = tpu.memref_slice %arg9[%mul3A_6, %dma_wait3A_86] : memref<10240x64xf32, #tpu.memory_space<vmem_shared>> -> memref<640x64xf32, #tpu.memory_space<vmem_shared>>
      tpu.wait_dma2 semaphore(%run_scoped3A : memref<!tpu.dma_semaphore, #tpu.memory_space<semaphore_mem>>) src(%dma_wait3A_87 : memref<640x64xf32, #tpu.memory_space<vmem_shared>>) dst(%dma_wait3A_85 : memref<640x64xf32, #tpu.memory_space<hbm>>)
      tpu.yield
    }) : () -> ()
    return
  }
}

#map = affine_map<(d0, d1) -> (0, 0)>
#map1 = affine_map<(d0, d1) -> (0, 0, 0, 0)>
#map2 = affine_map<(d0, d1) -> (0, 0, 0)>
module attributes {stable_mosaic.version = 14 : i64} {
  func.func @_sc_body(%arg0: i32, %arg1: i32, %arg2: memref<20480x64xf32, #tpu.memory_space<hbm>>, %arg3: memref<2x16x160x128xi32, #tpu.memory_space<hbm>>, %arg4: memref<16x160x128xi32, #tpu.memory_space<hbm>>, %arg5: memref<2x10240x64xf32, #tpu.memory_space<hbm>>, %arg6: memref<160x128xi32, #tpu.memory_space<vmem>>, %arg7: memref<160x128xi32, #tpu.memory_space<vmem>>, %arg8: memref<5x128x64xf32, #tpu.memory_space<vmem>>, %arg9: memref<10240x64xf32, #tpu.memory_space<vmem_shared>>, %arg10: memref<!tpu.dma_semaphore, #tpu.memory_space<semaphore_mem>>, %arg11: memref<!tpu.dma_semaphore, #tpu.memory_space<semaphore_mem>>, %arg12: memref<!tpu.dma_semaphore, #tpu.memory_space<semaphore_mem>>, %arg13: memref<!tpu.dma_semaphore, #tpu.memory_space<semaphore_mem>>, %arg14: memref<!tpu.dma_semaphore, #tpu.memory_space<semaphore_mem>>) attributes {dimension_semantics = [#tpu.dimension_semantics<core_parallel>, #tpu.dimension_semantics<subcore_parallel>], iteration_bounds = array<i64: 2, 16>, scalar_prefetch = 0 : i64, scratch_operands = 9 : i64, tpu.core_type = #tpu.core_type<sc_vector_subcore>, window_params = [{transform_indices = #map}, {transform_indices = #map1}, {transform_indices = #map2}, {transform_indices = #map2}]} {
    %broadcast_in_dim3A = arith.constant 0.000000e+00 : f32
    %broadcast_in_dim3A_0 = vector.broadcast %broadcast_in_dim3A : f32 to vector<16xf32>
    %scan3A = arith.constant 0 : i32
    %scan3A_1 = arith.constant 0 : i32
    %scan3A_2 = arith.constant 512 : i32
    %scan3A_3 = arith.addi %scan3A_1, %scan3A_2 : i32
    %scan3A_4 = arith.constant 1 : i32
    scf.for %scan3A_79 = %scan3A_1 to %scan3A_3 step %scan3A_4  : i32 {
      %jit3A = arith.constant 4 : i32
      %div3A = arith.divsi %scan3A_79, %jit3A : i32
      %sign3A = arith.constant 0 : i32
      %sign3A_80 = arith.cmpi sgt, %scan3A_79, %sign3A : i32
      %sign3A_81 = arith.extui %sign3A_80 : i1 to i32
      %sign3A_82 = arith.constant 0 : i32
      %sign3A_83 = arith.cmpi slt, %scan3A_79, %sign3A_82 : i32
      %sign3A_84 = arith.extui %sign3A_83 : i1 to i32
      %sign3A_85 = arith.subi %sign3A_81, %sign3A_84 : i32
      %sign3A_86 = arith.constant 0 : i32
      %sign3A_87 = arith.cmpi sgt, %jit3A, %sign3A_86 : i32
      %sign3A_88 = arith.extui %sign3A_87 : i1 to i32
      %sign3A_89 = arith.constant 0 : i32
      %sign3A_90 = arith.cmpi slt, %jit3A, %sign3A_89 : i32
      %sign3A_91 = arith.extui %sign3A_90 : i1 to i32
      %sign3A_92 = arith.subi %sign3A_88, %sign3A_91 : i32
      %ne3A = arith.cmpi ne, %sign3A_85, %sign3A_92 : i32
      %rem3A = arith.remsi %scan3A_79, %jit3A : i32
      %ne3A_93 = arith.constant 0 : i32
      %ne3A_94 = arith.cmpi ne, %rem3A, %ne3A_93 : i32
      %and3A = arith.andi %ne3A, %ne3A_94 : i1
      %sub3A = arith.constant 1 : i32
      %sub3A_95 = arith.subi %div3A, %sub3A : i32
      %select_n3A = arith.select %and3A, %sub3A_95, %div3A : i32
      %jit3A_96 = arith.constant 4 : i32
      %eq3A = arith.constant 0 : i32
      %eq3A_97 = arith.cmpi eq, %jit3A_96, %eq3A : i32
      %jit3A_98 = arith.constant 1 : i32
      %select_n3A_99 = arith.select %eq3A_97, %jit3A_98, %jit3A_96 : i32
      %rem3A_100 = arith.remsi %scan3A_79, %select_n3A_99 : i32
      %ne3A_101 = arith.constant 0 : i32
      %ne3A_102 = arith.cmpi ne, %rem3A_100, %ne3A_101 : i32
      %lt3A = arith.constant 0 : i32
      %lt3A_103 = arith.cmpi slt, %rem3A_100, %lt3A : i32
      %lt3A_104 = arith.constant 0 : i32
      %lt3A_105 = arith.cmpi slt, %select_n3A_99, %lt3A_104 : i32
      %ne3A_106 = arith.xori %lt3A_103, %lt3A_105 : i1
      %and3A_107 = arith.andi %ne3A_106, %ne3A_102 : i1
      %add3A = arith.addi %rem3A_100, %select_n3A_99 : i32
      %select_n3A_108 = arith.select %and3A_107, %add3A, %rem3A_100 : i32
      %mul3A_109 = arith.constant 16 : i32
      %mul3A_110 = arith.muli %select_n3A_108, %mul3A_109 : i32
      %swap3A = arith.constant 0 : i32
      %swap3A_111 = arith.index_cast %swap3A : i32 to index
      %swap3A_112 = arith.index_cast %select_n3A : i32 to index
      %swap3A_113 = arith.index_cast %mul3A_110 : i32 to index
      %swap3A_114 = tpu.vector_load %arg8[%swap3A_111, %swap3A_112, %swap3A_113] {strides = array<i32>} : memref<5x128x64xf32, #tpu.memory_space<vmem>>, vector<1x1x16xf32>,
      %swap3A_115 = vector.shape_cast %swap3A_114 : vector<1x1x16xf32> to vector<16xf32>
      %swap3A_116 = vector.shape_cast %broadcast_in_dim3A_0 : vector<16xf32> to vector<1x1x16xf32>
      tpu.vector_store %arg8[%swap3A_111, %swap3A_112, %swap3A_113], %swap3A_116 {strides = array<i32>} : memref<5x128x64xf32, #tpu.memory_space<vmem>>, vector<1x1x16xf32>,
    }
    %scan3A_5 = arith.constant 512 : i32
    %mul3A = arith.constant 640 : i32
    %mul3A_6 = arith.muli %arg1, %mul3A : i32
    %scan3A_7 = arith.constant 0 : i32
    %scan3A_8 = arith.constant 0 : i32
    %scan3A_9 = arith.constant 5 : i32
    %scan3A_10 = arith.addi %scan3A_8, %scan3A_9 : i32
    %scan3A_11 = arith.constant 1 : i32
    scf.for %scan3A_79 = %scan3A_8 to %scan3A_10 step %scan3A_11  : i32 {
      %mul3A_80 = arith.constant 128 : i32
      %mul3A_81 = arith.muli %scan3A_79, %mul3A_80 : i32
      %add3A = arith.addi %mul3A_6, %mul3A_81 : i32
      %run_scoped3A = arith.constant 0 : i32
      "tpu.region"() ({
        %run_scoped3A_82 = tpu.sem_alloc : memref<!tpu.dma_semaphore, #tpu.memory_space<semaphore_mem>>
        %dma_start3A_83 = arith.constant 0 : i32
        %dma_start3A_84 = arith.constant 0 : i32
        %dma_start3A_85 = tpu.memref_slice %arg8[%run_scoped3A, %dma_start3A_83, %dma_start3A_84] : memref<5x128x64xf32, #tpu.memory_space<vmem>> -> memref<1x128x64xf32, #tpu.memory_space<vmem>>
        %dma_start3A_86 = tpu.memref_squeeze %dma_start3A_85 : memref<1x128x64xf32, #tpu.memory_space<vmem>> -> memref<128x64xf32, #tpu.memory_space<vmem>>
        %dma_start3A_87 = arith.constant 0 : i32
        %dma_start3A_88 = tpu.memref_slice %arg9[%add3A, %dma_start3A_87] : memref<10240x64xf32, #tpu.memory_space<vmem_shared>> -> memref<128x64xf32, #tpu.memory_space<vmem_shared>>
        %dma_start3A_89 = arith.constant 0 : i32
        %dma_start3A_90 = tpu.memref_slice %arg9[%add3A, %dma_start3A_89] : memref<10240x64xf32, #tpu.memory_space<vmem_shared>> -> memref<128x64xf32, #tpu.memory_space<vmem_shared>>
        %dma_start3A_91 = arith.constant 0 : i32
        %dma_start3A_92 = arith.constant 0 : i32
        %dma_start3A_93 = tpu.memref_slice %arg8[%run_scoped3A, %dma_start3A_91, %dma_start3A_92] : memref<5x128x64xf32, #tpu.memory_space<vmem>> -> memref<1x128x64xf32, #tpu.memory_space<vmem>>
        %dma_start3A_94 = tpu.memref_squeeze %dma_start3A_93 : memref<1x128x64xf32, #tpu.memory_space<vmem>> -> memref<128x64xf32, #tpu.memory_space<vmem>>
        tpu.enqueue_dma source(%dma_start3A_94 : memref<128x64xf32, #tpu.memory_space<vmem>>) target(%dma_start3A_90 : memref<128x64xf32, #tpu.memory_space<vmem_shared>>) target_semaphore(%run_scoped3A_82 : memref<!tpu.dma_semaphore, #tpu.memory_space<semaphore_mem>>)
        %dma_wait3A = arith.constant 0 : i32
        %dma_wait3A_95 = arith.constant 0 : i32
        %dma_wait3A_96 = tpu.memref_slice %arg8[%run_scoped3A, %dma_wait3A, %dma_wait3A_95] : memref<5x128x64xf32, #tpu.memory_space<vmem>> -> memref<1x128x64xf32, #tpu.memory_space<vmem>>
        %dma_wait3A_97 = tpu.memref_squeeze %dma_wait3A_96 : memref<1x128x64xf32, #tpu.memory_space<vmem>> -> memref<128x64xf32, #tpu.memory_space<vmem>>
        %dma_wait3A_98 = arith.constant 0 : i32
        %dma_wait3A_99 = tpu.memref_slice %arg9[%add3A, %dma_wait3A_98] : memref<10240x64xf32, #tpu.memory_space<vmem_shared>> -> memref<128x64xf32, #tpu.memory_space<vmem_shared>>
        %dma_wait3A_100 = arith.constant 0 : i32
        %dma_wait3A_101 = tpu.memref_slice %arg9[%add3A, %dma_wait3A_100] : memref<10240x64xf32, #tpu.memory_space<vmem_shared>> -> memref<128x64xf32, #tpu.memory_space<vmem_shared>>
        %dma_wait3A_102 = arith.constant 0 : i32
        %dma_wait3A_103 = arith.constant 0 : i32
        %dma_wait3A_104 = tpu.memref_slice %arg8[%run_scoped3A, %dma_wait3A_102, %dma_wait3A_103] : memref<5x128x64xf32, #tpu.memory_space<vmem>> -> memref<1x128x64xf32, #tpu.memory_space<vmem>>
        %dma_wait3A_105 = tpu.memref_squeeze %dma_wait3A_104 : memref<1x128x64xf32, #tpu.memory_space<vmem>> -> memref<128x64xf32, #tpu.memory_space<vmem>>
        tpu.wait_dma2 semaphore(%run_scoped3A_82 : memref<!tpu.dma_semaphore, #tpu.memory_space<semaphore_mem>>) src(%dma_wait3A_105 : memref<128x64xf32, #tpu.memory_space<vmem>>) dst(%dma_wait3A_101 : memref<128x64xf32, #tpu.memory_space<vmem_shared>>)
        tpu.yield
      }) : () -> ()
    }
    %scan3A_12 = arith.constant 5 : i32
    "tpu.region"() ({
      %run_scoped3A = tpu.sem_alloc : memref<!tpu.dma_semaphore, #tpu.memory_space<semaphore_mem>>
      %dma_start3A_79 = arith.constant 0 : i32
      %dma_start3A_80 = arith.constant 0 : i32
      %dma_start3A_81 = tpu.memref_slice %arg3[%arg0, %arg1, %dma_start3A_79, %dma_start3A_80] : memref<2x16x160x128xi32, #tpu.memory_space<hbm>> -> memref<1x1x160x128xi32, #tpu.memory_space<hbm>>
      %dma_start3A_82 = tpu.memref_squeeze %dma_start3A_81 : memref<1x1x160x128xi32, #tpu.memory_space<hbm>> -> memref<160x128xi32, #tpu.memory_space<hbm>>
      %dma_start3A_83 = arith.constant 0 : i32
      %dma_start3A_84 = arith.constant 0 : i32
      %dma_start3A_85 = tpu.memref_slice %arg3[%arg0, %arg1, %dma_start3A_83, %dma_start3A_84] : memref<2x16x160x128xi32, #tpu.memory_space<hbm>> -> memref<1x1x160x128xi32, #tpu.memory_space<hbm>>
      %dma_start3A_86 = tpu.memref_squeeze %dma_start3A_85 : memref<1x1x160x128xi32, #tpu.memory_space<hbm>> -> memref<160x128xi32, #tpu.memory_space<hbm>>
      tpu.enqueue_dma source(%dma_start3A_86 : memref<160x128xi32, #tpu.memory_space<hbm>>) target(%arg6 : memref<160x128xi32, #tpu.memory_space<vmem>>) target_semaphore(%run_scoped3A : memref<!tpu.dma_semaphore, #tpu.memory_space<semaphore_mem>>)
      %dma_wait3A = arith.constant 0 : i32
      %dma_wait3A_87 = arith.constant 0 : i32
      %dma_wait3A_88 = tpu.memref_slice %arg3[%arg0, %arg1, %dma_wait3A, %dma_wait3A_87] : memref<2x16x160x128xi32, #tpu.memory_space<hbm>> -> memref<1x1x160x128xi32, #tpu.memory_space<hbm>>
      %dma_wait3A_89 = tpu.memref_squeeze %dma_wait3A_88 : memref<1x1x160x128xi32, #tpu.memory_space<hbm>> -> memref<160x128xi32, #tpu.memory_space<hbm>>
      %dma_wait3A_90 = arith.constant 0 : i32
      %dma_wait3A_91 = arith.constant 0 : i32
      %dma_wait3A_92 = tpu.memref_slice %arg3[%arg0, %arg1, %dma_wait3A_90, %dma_wait3A_91] : memref<2x16x160x128xi32, #tpu.memory_space<hbm>> -> memref<1x1x160x128xi32, #tpu.memory_space<hbm>>
      %dma_wait3A_93 = tpu.memref_squeeze %dma_wait3A_92 : memref<1x1x160x128xi32, #tpu.memory_space<hbm>> -> memref<160x128xi32, #tpu.memory_space<hbm>>
      tpu.wait_dma2 semaphore(%run_scoped3A : memref<!tpu.dma_semaphore, #tpu.memory_space<semaphore_mem>>) src(%dma_wait3A_93 : memref<160x128xi32, #tpu.memory_space<hbm>>) dst(%arg6 : memref<160x128xi32, #tpu.memory_space<vmem>>)
      tpu.yield
    }) : () -> ()
    "tpu.region"() ({
      %run_scoped3A = tpu.sem_alloc : memref<!tpu.dma_semaphore, #tpu.memory_space<semaphore_mem>>
      %dma_start3A_79 = arith.constant 0 : i32
      %dma_start3A_80 = arith.constant 0 : i32
      %dma_start3A_81 = tpu.memref_slice %arg4[%arg1, %dma_start3A_79, %dma_start3A_80] : memref<16x160x128xi32, #tpu.memory_space<hbm>> -> memref<1x160x128xi32, #tpu.memory_space<hbm>>
      %dma_start3A_82 = tpu.memref_squeeze %dma_start3A_81 : memref<1x160x128xi32, #tpu.memory_space<hbm>> -> memref<160x128xi32, #tpu.memory_space<hbm>>
      %dma_start3A_83 = arith.constant 0 : i32
      %dma_start3A_84 = arith.constant 0 : i32
      %dma_start3A_85 = tpu.memref_slice %arg4[%arg1, %dma_start3A_83, %dma_start3A_84] : memref<16x160x128xi32, #tpu.memory_space<hbm>> -> memref<1x160x128xi32, #tpu.memory_space<hbm>>
      %dma_start3A_86 = tpu.memref_squeeze %dma_start3A_85 : memref<1x160x128xi32, #tpu.memory_space<hbm>> -> memref<160x128xi32, #tpu.memory_space<hbm>>
      tpu.enqueue_dma source(%dma_start3A_86 : memref<160x128xi32, #tpu.memory_space<hbm>>) target(%arg7 : memref<160x128xi32, #tpu.memory_space<vmem>>) target_semaphore(%run_scoped3A : memref<!tpu.dma_semaphore, #tpu.memory_space<semaphore_mem>>)
      %dma_wait3A = arith.constant 0 : i32
      %dma_wait3A_87 = arith.constant 0 : i32
      %dma_wait3A_88 = tpu.memref_slice %arg4[%arg1, %dma_wait3A, %dma_wait3A_87] : memref<16x160x128xi32, #tpu.memory_space<hbm>> -> memref<1x160x128xi32, #tpu.memory_space<hbm>>
      %dma_wait3A_89 = tpu.memref_squeeze %dma_wait3A_88 : memref<1x160x128xi32, #tpu.memory_space<hbm>> -> memref<160x128xi32, #tpu.memory_space<hbm>>
      %dma_wait3A_90 = arith.constant 0 : i32
      %dma_wait3A_91 = arith.constant 0 : i32
      %dma_wait3A_92 = tpu.memref_slice %arg4[%arg1, %dma_wait3A_90, %dma_wait3A_91] : memref<16x160x128xi32, #tpu.memory_space<hbm>> -> memref<1x160x128xi32, #tpu.memory_space<hbm>>
      %dma_wait3A_93 = tpu.memref_squeeze %dma_wait3A_92 : memref<1x160x128xi32, #tpu.memory_space<hbm>> -> memref<160x128xi32, #tpu.memory_space<hbm>>
      tpu.wait_dma2 semaphore(%run_scoped3A : memref<!tpu.dma_semaphore, #tpu.memory_space<semaphore_mem>>) src(%dma_wait3A_93 : memref<160x128xi32, #tpu.memory_space<hbm>>) dst(%arg7 : memref<160x128xi32, #tpu.memory_space<vmem>>)
      tpu.yield
    }) : () -> ()
    %barrier3A = arith.constant 0 : index
    tpu.barrier barrier_id(%barrier3A)
    %dma_start3A = arith.constant 0 : i32
    %dma_start3A_13 = arith.constant 0 : i32
    %dma_start3A_14 = arith.constant 0 : i32
    %dma_start3A_15 = arith.constant 0 : i32
    %dma_start3A_16 = tpu.memref_slice %arg8[%dma_start3A_13, %dma_start3A_14, %dma_start3A_15] : memref<5x128x64xf32, #tpu.memory_space<vmem>> -> memref<1x128x64xf32, #tpu.memory_space<vmem>>
    %dma_start3A_17 = tpu.memref_squeeze %dma_start3A_16 : memref<1x128x64xf32, #tpu.memory_space<vmem>> -> memref<128x64xf32, #tpu.memory_space<vmem>>
    %dma_start3A_18 = arith.constant 0 : i32
    %dma_start3A_19 = tpu.memref_slice %arg6[%dma_start3A, %dma_start3A_18] : memref<160x128xi32, #tpu.memory_space<vmem>> -> memref<1x128xi32, #tpu.memory_space<vmem>>
    %dma_start3A_20 = tpu.memref_squeeze %dma_start3A_19 : memref<1x128xi32, #tpu.memory_space<vmem>> -> memref<128xi32, #tpu.memory_space<vmem>>
    %dma_start3A_21 = arith.constant 0 : i32
    %dma_start3A_22 = arith.constant 0 : i32
    %dma_start3A_23 = tpu.memref_slice %arg2[%dma_start3A_21, %dma_start3A_22] : memref<20480x64xf32, #tpu.memory_space<hbm>> -> memref<20480x64xf32, #tpu.memory_space<hbm>>
    tpu.enqueue_indirect_dma source(%dma_start3A_23 : memref<20480x64xf32, #tpu.memory_space<hbm>>) target(%dma_start3A_17 : memref<128x64xf32, #tpu.memory_space<vmem>>) offsets(%dma_start3A_20 : memref<128xi32, #tpu.memory_space<vmem>>) semaphore(%arg10 : memref<!tpu.dma_semaphore, #tpu.memory_space<semaphore_mem>>)
    %dma_start3A_24 = arith.constant 1 : i32
    %dma_start3A_25 = arith.constant 1 : i32
    %dma_start3A_26 = arith.constant 0 : i32
    %dma_start3A_27 = arith.constant 0 : i32
    %dma_start3A_28 = tpu.memref_slice %arg8[%dma_start3A_25, %dma_start3A_26, %dma_start3A_27] : memref<5x128x64xf32, #tpu.memory_space<vmem>> -> memref<1x128x64xf32, #tpu.memory_space<vmem>>
    %dma_start3A_29 = tpu.memref_squeeze %dma_start3A_28 : memref<1x128x64xf32, #tpu.memory_space<vmem>> -> memref<128x64xf32, #tpu.memory_space<vmem>>
    %dma_start3A_30 = arith.constant 0 : i32
    %dma_start3A_31 = tpu.memref_slice %arg6[%dma_start3A_24, %dma_start3A_30] : memref<160x128xi32, #tpu.memory_space<vmem>> -> memref<1x128xi32, #tpu.memory_space<vmem>>
    %dma_start3A_32 = tpu.memref_squeeze %dma_start3A_31 : memref<1x128xi32, #tpu.memory_space<vmem>> -> memref<128xi32, #tpu.memory_space<vmem>>
    %dma_start3A_33 = arith.constant 0 : i32
    %dma_start3A_34 = arith.constant 0 : i32
    %dma_start3A_35 = tpu.memref_slice %arg2[%dma_start3A_33, %dma_start3A_34] : memref<20480x64xf32, #tpu.memory_space<hbm>> -> memref<20480x64xf32, #tpu.memory_space<hbm>>
    tpu.enqueue_indirect_dma source(%dma_start3A_35 : memref<20480x64xf32, #tpu.memory_space<hbm>>) target(%dma_start3A_29 : memref<128x64xf32, #tpu.memory_space<vmem>>) offsets(%dma_start3A_32 : memref<128xi32, #tpu.memory_space<vmem>>) semaphore(%arg11 : memref<!tpu.dma_semaphore, #tpu.memory_space<semaphore_mem>>)
    %dma_start3A_36 = arith.constant 2 : i32
    %dma_start3A_37 = arith.constant 2 : i32
    %dma_start3A_38 = arith.constant 0 : i32
    %dma_start3A_39 = arith.constant 0 : i32
    %dma_start3A_40 = tpu.memref_slice %arg8[%dma_start3A_37, %dma_start3A_38, %dma_start3A_39] : memref<5x128x64xf32, #tpu.memory_space<vmem>> -> memref<1x128x64xf32, #tpu.memory_space<vmem>>
    %dma_start3A_41 = tpu.memref_squeeze %dma_start3A_40 : memref<1x128x64xf32, #tpu.memory_space<vmem>> -> memref<128x64xf32, #tpu.memory_space<vmem>>
    %dma_start3A_42 = arith.constant 0 : i32
    %dma_start3A_43 = tpu.memref_slice %arg6[%dma_start3A_36, %dma_start3A_42] : memref<160x128xi32, #tpu.memory_space<vmem>> -> memref<1x128xi32, #tpu.memory_space<vmem>>
    %dma_start3A_44 = tpu.memref_squeeze %dma_start3A_43 : memref<1x128xi32, #tpu.memory_space<vmem>> -> memref<128xi32, #tpu.memory_space<vmem>>
    %dma_start3A_45 = arith.constant 0 : i32
    %dma_start3A_46 = arith.constant 0 : i32
    %dma_start3A_47 = tpu.memref_slice %arg2[%dma_start3A_45, %dma_start3A_46] : memref<20480x64xf32, #tpu.memory_space<hbm>> -> memref<20480x64xf32, #tpu.memory_space<hbm>>
    tpu.enqueue_indirect_dma source(%dma_start3A_47 : memref<20480x64xf32, #tpu.memory_space<hbm>>) target(%dma_start3A_41 : memref<128x64xf32, #tpu.memory_space<vmem>>) offsets(%dma_start3A_44 : memref<128xi32, #tpu.memory_space<vmem>>) semaphore(%arg12 : memref<!tpu.dma_semaphore, #tpu.memory_space<semaphore_mem>>)
    %dma_start3A_48 = arith.constant 3 : i32
    %dma_start3A_49 = arith.constant 3 : i32
    %dma_start3A_50 = arith.constant 0 : i32
    %dma_start3A_51 = arith.constant 0 : i32
    %dma_start3A_52 = tpu.memref_slice %arg8[%dma_start3A_49, %dma_start3A_50, %dma_start3A_51] : memref<5x128x64xf32, #tpu.memory_space<vmem>> -> memref<1x128x64xf32, #tpu.memory_space<vmem>>
    %dma_start3A_53 = tpu.memref_squeeze %dma_start3A_52 : memref<1x128x64xf32, #tpu.memory_space<vmem>> -> memref<128x64xf32, #tpu.memory_space<vmem>>
    %dma_start3A_54 = arith.constant 0 : i32
    %dma_start3A_55 = tpu.memref_slice %arg6[%dma_start3A_48, %dma_start3A_54] : memref<160x128xi32, #tpu.memory_space<vmem>> -> memref<1x128xi32, #tpu.memory_space<vmem>>
    %dma_start3A_56 = tpu.memref_squeeze %dma_start3A_55 : memref<1x128xi32, #tpu.memory_space<vmem>> -> memref<128xi32, #tpu.memory_space<vmem>>
    %dma_start3A_57 = arith.constant 0 : i32
    %dma_start3A_58 = arith.constant 0 : i32
    %dma_start3A_59 = tpu.memref_slice %arg2[%dma_start3A_57, %dma_start3A_58] : memref<20480x64xf32, #tpu.memory_space<hbm>> -> memref<20480x64xf32, #tpu.memory_space<hbm>>
    tpu.enqueue_indirect_dma source(%dma_start3A_59 : memref<20480x64xf32, #tpu.memory_space<hbm>>) target(%dma_start3A_53 : memref<128x64xf32, #tpu.memory_space<vmem>>) offsets(%dma_start3A_56 : memref<128xi32, #tpu.memory_space<vmem>>) semaphore(%arg13 : memref<!tpu.dma_semaphore, #tpu.memory_space<semaphore_mem>>)
    %dma_start3A_60 = arith.constant 4 : i32
    %dma_start3A_61 = arith.constant 4 : i32
    %dma_start3A_62 = arith.constant 0 : i32
    %dma_start3A_63 = arith.constant 0 : i32
    %dma_start3A_64 = tpu.memref_slice %arg8[%dma_start3A_61, %dma_start3A_62, %dma_start3A_63] : memref<5x128x64xf32, #tpu.memory_space<vmem>> -> memref<1x128x64xf32, #tpu.memory_space<vmem>>
    %dma_start3A_65 = tpu.memref_squeeze %dma_start3A_64 : memref<1x128x64xf32, #tpu.memory_space<vmem>> -> memref<128x64xf32, #tpu.memory_space<vmem>>
    %dma_start3A_66 = arith.constant 0 : i32
    %dma_start3A_67 = tpu.memref_slice %arg6[%dma_start3A_60, %dma_start3A_66] : memref<160x128xi32, #tpu.memory_space<vmem>> -> memref<1x128xi32, #tpu.memory_space<vmem>>
    %dma_start3A_68 = tpu.memref_squeeze %dma_start3A_67 : memref<1x128xi32, #tpu.memory_space<vmem>> -> memref<128xi32, #tpu.memory_space<vmem>>
    %dma_start3A_69 = arith.constant 0 : i32
    %dma_start3A_70 = arith.constant 0 : i32
    %dma_start3A_71 = tpu.memref_slice %arg2[%dma_start3A_69, %dma_start3A_70] : memref<20480x64xf32, #tpu.memory_space<hbm>> -> memref<20480x64xf32, #tpu.memory_space<hbm>>
    tpu.enqueue_indirect_dma source(%dma_start3A_71 : memref<20480x64xf32, #tpu.memory_space<hbm>>) target(%dma_start3A_65 : memref<128x64xf32, #tpu.memory_space<vmem>>) offsets(%dma_start3A_68 : memref<128xi32, #tpu.memory_space<vmem>>) semaphore(%arg14 : memref<!tpu.dma_semaphore, #tpu.memory_space<semaphore_mem>>)
    %scan3A_72 = arith.constant 0 : i32
    %scan3A_73 = arith.constant 0 : i32
    %scan3A_74 = arith.constant 32 : i32
    %scan3A_75 = arith.addi %scan3A_73, %scan3A_74 : i32
    %scan3A_76 = arith.constant 1 : i32
    scf.for %scan3A_79 = %scan3A_73 to %scan3A_75 step %scan3A_76  : i32 {
      %mul3A_80 = arith.constant 5 : i32
      %mul3A_81 = arith.muli %scan3A_79, %mul3A_80 : i32
      %add3A = arith.constant 0 : i32
      %add3A_82 = arith.addi %mul3A_81, %add3A : i32
      %dma_wait3A = arith.constant 0 : i32
      %dma_wait3A_83 = arith.constant 0 : i32
      %dma_wait3A_84 = arith.constant 0 : i32
      %dma_wait3A_85 = tpu.memref_slice %arg8[%dma_wait3A, %dma_wait3A_83, %dma_wait3A_84] : memref<5x128x64xf32, #tpu.memory_space<vmem>> -> memref<1x128x64xf32, #tpu.memory_space<vmem>>
      %dma_wait3A_86 = tpu.memref_squeeze %dma_wait3A_85 : memref<1x128x64xf32, #tpu.memory_space<vmem>> -> memref<128x64xf32, #tpu.memory_space<vmem>>
      %dma_wait3A_87 = arith.constant 0 : i32
      %dma_wait3A_88 = tpu.memref_slice %arg6[%add3A_82, %dma_wait3A_87] : memref<160x128xi32, #tpu.memory_space<vmem>> -> memref<1x128xi32, #tpu.memory_space<vmem>>
      %dma_wait3A_89 = tpu.memref_squeeze %dma_wait3A_88 : memref<1x128xi32, #tpu.memory_space<vmem>> -> memref<128xi32, #tpu.memory_space<vmem>>
      %dma_wait3A_90 = arith.constant 0 : i32
      %dma_wait3A_91 = arith.constant 0 : i32
      %dma_wait3A_92 = tpu.memref_slice %arg2[%dma_wait3A_90, %dma_wait3A_91] : memref<20480x64xf32, #tpu.memory_space<hbm>> -> memref<20480x64xf32, #tpu.memory_space<hbm>>
      tpu.wait_indirect_dma semaphore(%arg10 : memref<!tpu.dma_semaphore, #tpu.memory_space<semaphore_mem>>) src(%dma_wait3A_92 : memref<20480x64xf32, #tpu.memory_space<hbm>>) dst(%dma_wait3A_86 : memref<128x64xf32, #tpu.memory_space<vmem>>)
      %run_scoped3A = arith.constant 0 : i32
      "tpu.region"() ({
        %run_scoped3A_189 = tpu.sem_alloc : memref<!tpu.dma_semaphore, #tpu.memory_space<semaphore_mem>>
        %dma_start3A_190 = arith.constant 0 : i32
        %dma_start3A_191 = arith.constant 0 : i32
        %dma_start3A_192 = tpu.memref_slice %arg8[%run_scoped3A, %dma_start3A_190, %dma_start3A_191] : memref<5x128x64xf32, #tpu.memory_space<vmem>> -> memref<1x128x64xf32, #tpu.memory_space<vmem>>
        %dma_start3A_193 = tpu.memref_squeeze %dma_start3A_192 : memref<1x128x64xf32, #tpu.memory_space<vmem>> -> memref<128x64xf32, #tpu.memory_space<vmem>>
        %dma_start3A_194 = arith.constant 0 : i32
        %dma_start3A_195 = tpu.memref_slice %arg7[%add3A_82, %dma_start3A_194] : memref<160x128xi32, #tpu.memory_space<vmem>> -> memref<1x128xi32, #tpu.memory_space<vmem>>
        %dma_start3A_196 = tpu.memref_squeeze %dma_start3A_195 : memref<1x128xi32, #tpu.memory_space<vmem>> -> memref<128xi32, #tpu.memory_space<vmem>>
        %dma_start3A_197 = arith.constant 0 : i32
        %dma_start3A_198 = arith.constant 0 : i32
        %dma_start3A_199 = tpu.memref_slice %arg9[%dma_start3A_197, %dma_start3A_198] : memref<10240x64xf32, #tpu.memory_space<vmem_shared>> -> memref<10240x64xf32, #tpu.memory_space<vmem_shared>>
        tpu.enqueue_indirect_dma source(%dma_start3A_193 : memref<128x64xf32, #tpu.memory_space<vmem>>) target(%dma_start3A_199 : memref<10240x64xf32, #tpu.memory_space<vmem_shared>>) offsets(%dma_start3A_196 : memref<128xi32, #tpu.memory_space<vmem>>) semaphore(%run_scoped3A_189 : memref<!tpu.dma_semaphore, #tpu.memory_space<semaphore_mem>>) {add = true}
        %dma_wait3A_200 = arith.constant 0 : i32
        %dma_wait3A_201 = arith.constant 0 : i32
        %dma_wait3A_202 = tpu.memref_slice %arg8[%run_scoped3A, %dma_wait3A_200, %dma_wait3A_201] : memref<5x128x64xf32, #tpu.memory_space<vmem>> -> memref<1x128x64xf32, #tpu.memory_space<vmem>>
        %dma_wait3A_203 = tpu.memref_squeeze %dma_wait3A_202 : memref<1x128x64xf32, #tpu.memory_space<vmem>> -> memref<128x64xf32, #tpu.memory_space<vmem>>
        %dma_wait3A_204 = arith.constant 0 : i32
        %dma_wait3A_205 = tpu.memref_slice %arg7[%add3A_82, %dma_wait3A_204] : memref<160x128xi32, #tpu.memory_space<vmem>> -> memref<1x128xi32, #tpu.memory_space<vmem>>
        %dma_wait3A_206 = tpu.memref_squeeze %dma_wait3A_205 : memref<1x128xi32, #tpu.memory_space<vmem>> -> memref<128xi32, #tpu.memory_space<vmem>>
        %dma_wait3A_207 = arith.constant 0 : i32
        %dma_wait3A_208 = arith.constant 0 : i32
        %dma_wait3A_209 = tpu.memref_slice %arg9[%dma_wait3A_207, %dma_wait3A_208] : memref<10240x64xf32, #tpu.memory_space<vmem_shared>> -> memref<10240x64xf32, #tpu.memory_space<vmem_shared>>
        tpu.wait_indirect_dma semaphore(%run_scoped3A_189 : memref<!tpu.dma_semaphore, #tpu.memory_space<semaphore_mem>>) src(%dma_wait3A_203 : memref<128x64xf32, #tpu.memory_space<vmem>>) dst(%dma_wait3A_209 : memref<10240x64xf32, #tpu.memory_space<vmem_shared>>)
        tpu.yield
      }) : () -> ()
      %add3A_93 = arith.constant 5 : i32
      %add3A_94 = arith.addi %add3A_82, %add3A_93 : i32
      %lt3A = arith.constant 160 : i32
      %lt3A_95 = arith.cmpi slt, %add3A_94, %lt3A : i32
      %convert_element_type3A = arith.extui %lt3A_95 : i1 to i32
      %cond3A = arith.constant 0 : i32
      %cond3A_96 = arith.cmpi ne, %convert_element_type3A, %cond3A : i32
      scf.if %cond3A_96 {
        %dma_start3A_189 = arith.constant 0 : i32
        %dma_start3A_190 = arith.constant 0 : i32
        %dma_start3A_191 = arith.constant 0 : i32
        %dma_start3A_192 = tpu.memref_slice %arg8[%dma_start3A_189, %dma_start3A_190, %dma_start3A_191] : memref<5x128x64xf32, #tpu.memory_space<vmem>> -> memref<1x128x64xf32, #tpu.memory_space<vmem>>
        %dma_start3A_193 = tpu.memref_squeeze %dma_start3A_192 : memref<1x128x64xf32, #tpu.memory_space<vmem>> -> memref<128x64xf32, #tpu.memory_space<vmem>>
        %dma_start3A_194 = arith.constant 0 : i32
        %dma_start3A_195 = tpu.memref_slice %arg6[%add3A_94, %dma_start3A_194] : memref<160x128xi32, #tpu.memory_space<vmem>> -> memref<1x128xi32, #tpu.memory_space<vmem>>
        %dma_start3A_196 = tpu.memref_squeeze %dma_start3A_195 : memref<1x128xi32, #tpu.memory_space<vmem>> -> memref<128xi32, #tpu.memory_space<vmem>>
        %dma_start3A_197 = arith.constant 0 : i32
        %dma_start3A_198 = arith.constant 0 : i32
        %dma_start3A_199 = tpu.memref_slice %arg2[%dma_start3A_197, %dma_start3A_198] : memref<20480x64xf32, #tpu.memory_space<hbm>> -> memref<20480x64xf32, #tpu.memory_space<hbm>>
        tpu.enqueue_indirect_dma source(%dma_start3A_199 : memref<20480x64xf32, #tpu.memory_space<hbm>>) target(%dma_start3A_193 : memref<128x64xf32, #tpu.memory_space<vmem>>) offsets(%dma_start3A_196 : memref<128xi32, #tpu.memory_space<vmem>>) semaphore(%arg10 : memref<!tpu.dma_semaphore, #tpu.memory_space<semaphore_mem>>)
      } else {
      }
      %mul3A_97 = arith.constant 5 : i32
      %mul3A_98 = arith.muli %scan3A_79, %mul3A_97 : i32
      %add3A_99 = arith.constant 1 : i32
      %add3A_100 = arith.addi %mul3A_98, %add3A_99 : i32
      %dma_wait3A_101 = arith.constant 1 : i32
      %dma_wait3A_102 = arith.constant 0 : i32
      %dma_wait3A_103 = arith.constant 0 : i32
      %dma_wait3A_104 = tpu.memref_slice %arg8[%dma_wait3A_101, %dma_wait3A_102, %dma_wait3A_103] : memref<5x128x64xf32, #tpu.memory_space<vmem>> -> memref<1x128x64xf32, #tpu.memory_space<vmem>>
      %dma_wait3A_105 = tpu.memref_squeeze %dma_wait3A_104 : memref<1x128x64xf32, #tpu.memory_space<vmem>> -> memref<128x64xf32, #tpu.memory_space<vmem>>
      %dma_wait3A_106 = arith.constant 0 : i32
      %dma_wait3A_107 = tpu.memref_slice %arg6[%add3A_100, %dma_wait3A_106] : memref<160x128xi32, #tpu.memory_space<vmem>> -> memref<1x128xi32, #tpu.memory_space<vmem>>
      %dma_wait3A_108 = tpu.memref_squeeze %dma_wait3A_107 : memref<1x128xi32, #tpu.memory_space<vmem>> -> memref<128xi32, #tpu.memory_space<vmem>>
      %dma_wait3A_109 = arith.constant 0 : i32
      %dma_wait3A_110 = arith.constant 0 : i32
      %dma_wait3A_111 = tpu.memref_slice %arg2[%dma_wait3A_109, %dma_wait3A_110] : memref<20480x64xf32, #tpu.memory_space<hbm>> -> memref<20480x64xf32, #tpu.memory_space<hbm>>
      tpu.wait_indirect_dma semaphore(%arg11 : memref<!tpu.dma_semaphore, #tpu.memory_space<semaphore_mem>>) src(%dma_wait3A_111 : memref<20480x64xf32, #tpu.memory_space<hbm>>) dst(%dma_wait3A_105 : memref<128x64xf32, #tpu.memory_space<vmem>>)
      %run_scoped3A_112 = arith.constant 1 : i32
      "tpu.region"() ({
        %run_scoped3A_189 = tpu.sem_alloc : memref<!tpu.dma_semaphore, #tpu.memory_space<semaphore_mem>>
        %dma_start3A_190 = arith.constant 0 : i32
        %dma_start3A_191 = arith.constant 0 : i32
        %dma_start3A_192 = tpu.memref_slice %arg8[%run_scoped3A_112, %dma_start3A_190, %dma_start3A_191] : memref<5x128x64xf32, #tpu.memory_space<vmem>> -> memref<1x128x64xf32, #tpu.memory_space<vmem>>
        %dma_start3A_193 = tpu.memref_squeeze %dma_start3A_192 : memref<1x128x64xf32, #tpu.memory_space<vmem>> -> memref<128x64xf32, #tpu.memory_space<vmem>>
        %dma_start3A_194 = arith.constant 0 : i32
        %dma_start3A_195 = tpu.memref_slice %arg7[%add3A_100, %dma_start3A_194] : memref<160x128xi32, #tpu.memory_space<vmem>> -> memref<1x128xi32, #tpu.memory_space<vmem>>
        %dma_start3A_196 = tpu.memref_squeeze %dma_start3A_195 : memref<1x128xi32, #tpu.memory_space<vmem>> -> memref<128xi32, #tpu.memory_space<vmem>>
        %dma_start3A_197 = arith.constant 0 : i32
        %dma_start3A_198 = arith.constant 0 : i32
        %dma_start3A_199 = tpu.memref_slice %arg9[%dma_start3A_197, %dma_start3A_198] : memref<10240x64xf32, #tpu.memory_space<vmem_shared>> -> memref<10240x64xf32, #tpu.memory_space<vmem_shared>>
        tpu.enqueue_indirect_dma source(%dma_start3A_193 : memref<128x64xf32, #tpu.memory_space<vmem>>) target(%dma_start3A_199 : memref<10240x64xf32, #tpu.memory_space<vmem_shared>>) offsets(%dma_start3A_196 : memref<128xi32, #tpu.memory_space<vmem>>) semaphore(%run_scoped3A_189 : memref<!tpu.dma_semaphore, #tpu.memory_space<semaphore_mem>>) {add = true}
        %dma_wait3A_200 = arith.constant 0 : i32
        %dma_wait3A_201 = arith.constant 0 : i32
        %dma_wait3A_202 = tpu.memref_slice %arg8[%run_scoped3A_112, %dma_wait3A_200, %dma_wait3A_201] : memref<5x128x64xf32, #tpu.memory_space<vmem>> -> memref<1x128x64xf32, #tpu.memory_space<vmem>>
        %dma_wait3A_203 = tpu.memref_squeeze %dma_wait3A_202 : memref<1x128x64xf32, #tpu.memory_space<vmem>> -> memref<128x64xf32, #tpu.memory_space<vmem>>
        %dma_wait3A_204 = arith.constant 0 : i32
        %dma_wait3A_205 = tpu.memref_slice %arg7[%add3A_100, %dma_wait3A_204] : memref<160x128xi32, #tpu.memory_space<vmem>> -> memref<1x128xi32, #tpu.memory_space<vmem>>
        %dma_wait3A_206 = tpu.memref_squeeze %dma_wait3A_205 : memref<1x128xi32, #tpu.memory_space<vmem>> -> memref<128xi32, #tpu.memory_space<vmem>>
        %dma_wait3A_207 = arith.constant 0 : i32
        %dma_wait3A_208 = arith.constant 0 : i32
        %dma_wait3A_209 = tpu.memref_slice %arg9[%dma_wait3A_207, %dma_wait3A_208] : memref<10240x64xf32, #tpu.memory_space<vmem_shared>> -> memref<10240x64xf32, #tpu.memory_space<vmem_shared>>
        tpu.wait_indirect_dma semaphore(%run_scoped3A_189 : memref<!tpu.dma_semaphore, #tpu.memory_space<semaphore_mem>>) src(%dma_wait3A_203 : memref<128x64xf32, #tpu.memory_space<vmem>>) dst(%dma_wait3A_209 : memref<10240x64xf32, #tpu.memory_space<vmem_shared>>)
        tpu.yield
      }) : () -> ()
      %add3A_113 = arith.constant 5 : i32
      %add3A_114 = arith.addi %add3A_100, %add3A_113 : i32
      %lt3A_115 = arith.constant 160 : i32
      %lt3A_116 = arith.cmpi slt, %add3A_114, %lt3A_115 : i32
      %convert_element_type3A_117 = arith.extui %lt3A_116 : i1 to i32
      %cond3A_118 = arith.constant 0 : i32
      %cond3A_119 = arith.cmpi ne, %convert_element_type3A_117, %cond3A_118 : i32
      scf.if %cond3A_119 {
        %dma_start3A_189 = arith.constant 1 : i32
        %dma_start3A_190 = arith.constant 0 : i32
        %dma_start3A_191 = arith.constant 0 : i32
        %dma_start3A_192 = tpu.memref_slice %arg8[%dma_start3A_189, %dma_start3A_190, %dma_start3A_191] : memref<5x128x64xf32, #tpu.memory_space<vmem>> -> memref<1x128x64xf32, #tpu.memory_space<vmem>>
        %dma_start3A_193 = tpu.memref_squeeze %dma_start3A_192 : memref<1x128x64xf32, #tpu.memory_space<vmem>> -> memref<128x64xf32, #tpu.memory_space<vmem>>
        %dma_start3A_194 = arith.constant 0 : i32
        %dma_start3A_195 = tpu.memref_slice %arg6[%add3A_114, %dma_start3A_194] : memref<160x128xi32, #tpu.memory_space<vmem>> -> memref<1x128xi32, #tpu.memory_space<vmem>>
        %dma_start3A_196 = tpu.memref_squeeze %dma_start3A_195 : memref<1x128xi32, #tpu.memory_space<vmem>> -> memref<128xi32, #tpu.memory_space<vmem>>
        %dma_start3A_197 = arith.constant 0 : i32
        %dma_start3A_198 = arith.constant 0 : i32
        %dma_start3A_199 = tpu.memref_slice %arg2[%dma_start3A_197, %dma_start3A_198] : memref<20480x64xf32, #tpu.memory_space<hbm>> -> memref<20480x64xf32, #tpu.memory_space<hbm>>
        tpu.enqueue_indirect_dma source(%dma_start3A_199 : memref<20480x64xf32, #tpu.memory_space<hbm>>) target(%dma_start3A_193 : memref<128x64xf32, #tpu.memory_space<vmem>>) offsets(%dma_start3A_196 : memref<128xi32, #tpu.memory_space<vmem>>) semaphore(%arg11 : memref<!tpu.dma_semaphore, #tpu.memory_space<semaphore_mem>>)
      } else {
      }
      %mul3A_120 = arith.constant 5 : i32
      %mul3A_121 = arith.muli %scan3A_79, %mul3A_120 : i32
      %add3A_122 = arith.constant 2 : i32
      %add3A_123 = arith.addi %mul3A_121, %add3A_122 : i32
      %dma_wait3A_124 = arith.constant 2 : i32
      %dma_wait3A_125 = arith.constant 0 : i32
      %dma_wait3A_126 = arith.constant 0 : i32
      %dma_wait3A_127 = tpu.memref_slice %arg8[%dma_wait3A_124, %dma_wait3A_125, %dma_wait3A_126] : memref<5x128x64xf32, #tpu.memory_space<vmem>> -> memref<1x128x64xf32, #tpu.memory_space<vmem>>
      %dma_wait3A_128 = tpu.memref_squeeze %dma_wait3A_127 : memref<1x128x64xf32, #tpu.memory_space<vmem>> -> memref<128x64xf32, #tpu.memory_space<vmem>>
      %dma_wait3A_129 = arith.constant 0 : i32
      %dma_wait3A_130 = tpu.memref_slice %arg6[%add3A_123, %dma_wait3A_129] : memref<160x128xi32, #tpu.memory_space<vmem>> -> memref<1x128xi32, #tpu.memory_space<vmem>>
      %dma_wait3A_131 = tpu.memref_squeeze %dma_wait3A_130 : memref<1x128xi32, #tpu.memory_space<vmem>> -> memref<128xi32, #tpu.memory_space<vmem>>
      %dma_wait3A_132 = arith.constant 0 : i32
      %dma_wait3A_133 = arith.constant 0 : i32
      %dma_wait3A_134 = tpu.memref_slice %arg2[%dma_wait3A_132, %dma_wait3A_133] : memref<20480x64xf32, #tpu.memory_space<hbm>> -> memref<20480x64xf32, #tpu.memory_space<hbm>>
      tpu.wait_indirect_dma semaphore(%arg12 : memref<!tpu.dma_semaphore, #tpu.memory_space<semaphore_mem>>) src(%dma_wait3A_134 : memref<20480x64xf32, #tpu.memory_space<hbm>>) dst(%dma_wait3A_128 : memref<128x64xf32, #tpu.memory_space<vmem>>)
      %run_scoped3A_135 = arith.constant 2 : i32
      "tpu.region"() ({
        %run_scoped3A_189 = tpu.sem_alloc : memref<!tpu.dma_semaphore, #tpu.memory_space<semaphore_mem>>
        %dma_start3A_190 = arith.constant 0 : i32
        %dma_start3A_191 = arith.constant 0 : i32
        %dma_start3A_192 = tpu.memref_slice %arg8[%run_scoped3A_135, %dma_start3A_190, %dma_start3A_191] : memref<5x128x64xf32, #tpu.memory_space<vmem>> -> memref<1x128x64xf32, #tpu.memory_space<vmem>>
        %dma_start3A_193 = tpu.memref_squeeze %dma_start3A_192 : memref<1x128x64xf32, #tpu.memory_space<vmem>> -> memref<128x64xf32, #tpu.memory_space<vmem>>
        %dma_start3A_194 = arith.constant 0 : i32
        %dma_start3A_195 = tpu.memref_slice %arg7[%add3A_123, %dma_start3A_194] : memref<160x128xi32, #tpu.memory_space<vmem>> -> memref<1x128xi32, #tpu.memory_space<vmem>>
        %dma_start3A_196 = tpu.memref_squeeze %dma_start3A_195 : memref<1x128xi32, #tpu.memory_space<vmem>> -> memref<128xi32, #tpu.memory_space<vmem>>
        %dma_start3A_197 = arith.constant 0 : i32
        %dma_start3A_198 = arith.constant 0 : i32
        %dma_start3A_199 = tpu.memref_slice %arg9[%dma_start3A_197, %dma_start3A_198] : memref<10240x64xf32, #tpu.memory_space<vmem_shared>> -> memref<10240x64xf32, #tpu.memory_space<vmem_shared>>
        tpu.enqueue_indirect_dma source(%dma_start3A_193 : memref<128x64xf32, #tpu.memory_space<vmem>>) target(%dma_start3A_199 : memref<10240x64xf32, #tpu.memory_space<vmem_shared>>) offsets(%dma_start3A_196 : memref<128xi32, #tpu.memory_space<vmem>>) semaphore(%run_scoped3A_189 : memref<!tpu.dma_semaphore, #tpu.memory_space<semaphore_mem>>) {add = true}
        %dma_wait3A_200 = arith.constant 0 : i32
        %dma_wait3A_201 = arith.constant 0 : i32
        %dma_wait3A_202 = tpu.memref_slice %arg8[%run_scoped3A_135, %dma_wait3A_200, %dma_wait3A_201] : memref<5x128x64xf32, #tpu.memory_space<vmem>> -> memref<1x128x64xf32, #tpu.memory_space<vmem>>
        %dma_wait3A_203 = tpu.memref_squeeze %dma_wait3A_202 : memref<1x128x64xf32, #tpu.memory_space<vmem>> -> memref<128x64xf32, #tpu.memory_space<vmem>>
        %dma_wait3A_204 = arith.constant 0 : i32
        %dma_wait3A_205 = tpu.memref_slice %arg7[%add3A_123, %dma_wait3A_204] : memref<160x128xi32, #tpu.memory_space<vmem>> -> memref<1x128xi32, #tpu.memory_space<vmem>>
        %dma_wait3A_206 = tpu.memref_squeeze %dma_wait3A_205 : memref<1x128xi32, #tpu.memory_space<vmem>> -> memref<128xi32, #tpu.memory_space<vmem>>
        %dma_wait3A_207 = arith.constant 0 : i32
        %dma_wait3A_208 = arith.constant 0 : i32
        %dma_wait3A_209 = tpu.memref_slice %arg9[%dma_wait3A_207, %dma_wait3A_208] : memref<10240x64xf32, #tpu.memory_space<vmem_shared>> -> memref<10240x64xf32, #tpu.memory_space<vmem_shared>>
        tpu.wait_indirect_dma semaphore(%run_scoped3A_189 : memref<!tpu.dma_semaphore, #tpu.memory_space<semaphore_mem>>) src(%dma_wait3A_203 : memref<128x64xf32, #tpu.memory_space<vmem>>) dst(%dma_wait3A_209 : memref<10240x64xf32, #tpu.memory_space<vmem_shared>>)
        tpu.yield
      }) : () -> ()
      %add3A_136 = arith.constant 5 : i32
      %add3A_137 = arith.addi %add3A_123, %add3A_136 : i32
      %lt3A_138 = arith.constant 160 : i32
      %lt3A_139 = arith.cmpi slt, %add3A_137, %lt3A_138 : i32
      %convert_element_type3A_140 = arith.extui %lt3A_139 : i1 to i32
      %cond3A_141 = arith.constant 0 : i32
      %cond3A_142 = arith.cmpi ne, %convert_element_type3A_140, %cond3A_141 : i32
      scf.if %cond3A_142 {
        %dma_start3A_189 = arith.constant 2 : i32
        %dma_start3A_190 = arith.constant 0 : i32
        %dma_start3A_191 = arith.constant 0 : i32
        %dma_start3A_192 = tpu.memref_slice %arg8[%dma_start3A_189, %dma_start3A_190, %dma_start3A_191] : memref<5x128x64xf32, #tpu.memory_space<vmem>> -> memref<1x128x64xf32, #tpu.memory_space<vmem>>
        %dma_start3A_193 = tpu.memref_squeeze %dma_start3A_192 : memref<1x128x64xf32, #tpu.memory_space<vmem>> -> memref<128x64xf32, #tpu.memory_space<vmem>>
        %dma_start3A_194 = arith.constant 0 : i32
        %dma_start3A_195 = tpu.memref_slice %arg6[%add3A_137, %dma_start3A_194] : memref<160x128xi32, #tpu.memory_space<vmem>> -> memref<1x128xi32, #tpu.memory_space<vmem>>
        %dma_start3A_196 = tpu.memref_squeeze %dma_start3A_195 : memref<1x128xi32, #tpu.memory_space<vmem>> -> memref<128xi32, #tpu.memory_space<vmem>>
        %dma_start3A_197 = arith.constant 0 : i32
        %dma_start3A_198 = arith.constant 0 : i32
        %dma_start3A_199 = tpu.memref_slice %arg2[%dma_start3A_197, %dma_start3A_198] : memref<20480x64xf32, #tpu.memory_space<hbm>> -> memref<20480x64xf32, #tpu.memory_space<hbm>>
        tpu.enqueue_indirect_dma source(%dma_start3A_199 : memref<20480x64xf32, #tpu.memory_space<hbm>>) target(%dma_start3A_193 : memref<128x64xf32, #tpu.memory_space<vmem>>) offsets(%dma_start3A_196 : memref<128xi32, #tpu.memory_space<vmem>>) semaphore(%arg12 : memref<!tpu.dma_semaphore, #tpu.memory_space<semaphore_mem>>)
      } else {
      }
      %mul3A_143 = arith.constant 5 : i32
      %mul3A_144 = arith.muli %scan3A_79, %mul3A_143 : i32
      %add3A_145 = arith.constant 3 : i32
      %add3A_146 = arith.addi %mul3A_144, %add3A_145 : i32
      %dma_wait3A_147 = arith.constant 3 : i32
      %dma_wait3A_148 = arith.constant 0 : i32
      %dma_wait3A_149 = arith.constant 0 : i32
      %dma_wait3A_150 = tpu.memref_slice %arg8[%dma_wait3A_147, %dma_wait3A_148, %dma_wait3A_149] : memref<5x128x64xf32, #tpu.memory_space<vmem>> -> memref<1x128x64xf32, #tpu.memory_space<vmem>>
      %dma_wait3A_151 = tpu.memref_squeeze %dma_wait3A_150 : memref<1x128x64xf32, #tpu.memory_space<vmem>> -> memref<128x64xf32, #tpu.memory_space<vmem>>
      %dma_wait3A_152 = arith.constant 0 : i32
      %dma_wait3A_153 = tpu.memref_slice %arg6[%add3A_146, %dma_wait3A_152] : memref<160x128xi32, #tpu.memory_space<vmem>> -> memref<1x128xi32, #tpu.memory_space<vmem>>
      %dma_wait3A_154 = tpu.memref_squeeze %dma_wait3A_153 : memref<1x128xi32, #tpu.memory_space<vmem>> -> memref<128xi32, #tpu.memory_space<vmem>>
      %dma_wait3A_155 = arith.constant 0 : i32
      %dma_wait3A_156 = arith.constant 0 : i32
      %dma_wait3A_157 = tpu.memref_slice %arg2[%dma_wait3A_155, %dma_wait3A_156] : memref<20480x64xf32, #tpu.memory_space<hbm>> -> memref<20480x64xf32, #tpu.memory_space<hbm>>
      tpu.wait_indirect_dma semaphore(%arg13 : memref<!tpu.dma_semaphore, #tpu.memory_space<semaphore_mem>>) src(%dma_wait3A_157 : memref<20480x64xf32, #tpu.memory_space<hbm>>) dst(%dma_wait3A_151 : memref<128x64xf32, #tpu.memory_space<vmem>>)
      %run_scoped3A_158 = arith.constant 3 : i32
      "tpu.region"() ({
        %run_scoped3A_189 = tpu.sem_alloc : memref<!tpu.dma_semaphore, #tpu.memory_space<semaphore_mem>>
        %dma_start3A_190 = arith.constant 0 : i32
        %dma_start3A_191 = arith.constant 0 : i32
        %dma_start3A_192 = tpu.memref_slice %arg8[%run_scoped3A_158, %dma_start3A_190, %dma_start3A_191] : memref<5x128x64xf32, #tpu.memory_space<vmem>> -> memref<1x128x64xf32, #tpu.memory_space<vmem>>
        %dma_start3A_193 = tpu.memref_squeeze %dma_start3A_192 : memref<1x128x64xf32, #tpu.memory_space<vmem>> -> memref<128x64xf32, #tpu.memory_space<vmem>>
        %dma_start3A_194 = arith.constant 0 : i32
        %dma_start3A_195 = tpu.memref_slice %arg7[%add3A_146, %dma_start3A_194] : memref<160x128xi32, #tpu.memory_space<vmem>> -> memref<1x128xi32, #tpu.memory_space<vmem>>
        %dma_start3A_196 = tpu.memref_squeeze %dma_start3A_195 : memref<1x128xi32, #tpu.memory_space<vmem>> -> memref<128xi32, #tpu.memory_space<vmem>>
        %dma_start3A_197 = arith.constant 0 : i32
        %dma_start3A_198 = arith.constant 0 : i32
        %dma_start3A_199 = tpu.memref_slice %arg9[%dma_start3A_197, %dma_start3A_198] : memref<10240x64xf32, #tpu.memory_space<vmem_shared>> -> memref<10240x64xf32, #tpu.memory_space<vmem_shared>>
        tpu.enqueue_indirect_dma source(%dma_start3A_193 : memref<128x64xf32, #tpu.memory_space<vmem>>) target(%dma_start3A_199 : memref<10240x64xf32, #tpu.memory_space<vmem_shared>>) offsets(%dma_start3A_196 : memref<128xi32, #tpu.memory_space<vmem>>) semaphore(%run_scoped3A_189 : memref<!tpu.dma_semaphore, #tpu.memory_space<semaphore_mem>>) {add = true}
        %dma_wait3A_200 = arith.constant 0 : i32
        %dma_wait3A_201 = arith.constant 0 : i32
        %dma_wait3A_202 = tpu.memref_slice %arg8[%run_scoped3A_158, %dma_wait3A_200, %dma_wait3A_201] : memref<5x128x64xf32, #tpu.memory_space<vmem>> -> memref<1x128x64xf32, #tpu.memory_space<vmem>>
        %dma_wait3A_203 = tpu.memref_squeeze %dma_wait3A_202 : memref<1x128x64xf32, #tpu.memory_space<vmem>> -> memref<128x64xf32, #tpu.memory_space<vmem>>
        %dma_wait3A_204 = arith.constant 0 : i32
        %dma_wait3A_205 = tpu.memref_slice %arg7[%add3A_146, %dma_wait3A_204] : memref<160x128xi32, #tpu.memory_space<vmem>> -> memref<1x128xi32, #tpu.memory_space<vmem>>
        %dma_wait3A_206 = tpu.memref_squeeze %dma_wait3A_205 : memref<1x128xi32, #tpu.memory_space<vmem>> -> memref<128xi32, #tpu.memory_space<vmem>>
        %dma_wait3A_207 = arith.constant 0 : i32
        %dma_wait3A_208 = arith.constant 0 : i32
        %dma_wait3A_209 = tpu.memref_slice %arg9[%dma_wait3A_207, %dma_wait3A_208] : memref<10240x64xf32, #tpu.memory_space<vmem_shared>> -> memref<10240x64xf32, #tpu.memory_space<vmem_shared>>
        tpu.wait_indirect_dma semaphore(%run_scoped3A_189 : memref<!tpu.dma_semaphore, #tpu.memory_space<semaphore_mem>>) src(%dma_wait3A_203 : memref<128x64xf32, #tpu.memory_space<vmem>>) dst(%dma_wait3A_209 : memref<10240x64xf32, #tpu.memory_space<vmem_shared>>)
        tpu.yield
      }) : () -> ()
      %add3A_159 = arith.constant 5 : i32
      %add3A_160 = arith.addi %add3A_146, %add3A_159 : i32
      %lt3A_161 = arith.constant 160 : i32
      %lt3A_162 = arith.cmpi slt, %add3A_160, %lt3A_161 : i32
      %convert_element_type3A_163 = arith.extui %lt3A_162 : i1 to i32
      %cond3A_164 = arith.constant 0 : i32
      %cond3A_165 = arith.cmpi ne, %convert_element_type3A_163, %cond3A_164 : i32
      scf.if %cond3A_165 {
        %dma_start3A_189 = arith.constant 3 : i32
        %dma_start3A_190 = arith.constant 0 : i32
        %dma_start3A_191 = arith.constant 0 : i32
        %dma_start3A_192 = tpu.memref_slice %arg8[%dma_start3A_189, %dma_start3A_190, %dma_start3A_191] : memref<5x128x64xf32, #tpu.memory_space<vmem>> -> memref<1x128x64xf32, #tpu.memory_space<vmem>>
        %dma_start3A_193 = tpu.memref_squeeze %dma_start3A_192 : memref<1x128x64xf32, #tpu.memory_space<vmem>> -> memref<128x64xf32, #tpu.memory_space<vmem>>
        %dma_start3A_194 = arith.constant 0 : i32
        %dma_start3A_195 = tpu.memref_slice %arg6[%add3A_160, %dma_start3A_194] : memref<160x128xi32, #tpu.memory_space<vmem>> -> memref<1x128xi32, #tpu.memory_space<vmem>>
        %dma_start3A_196 = tpu.memref_squeeze %dma_start3A_195 : memref<1x128xi32, #tpu.memory_space<vmem>> -> memref<128xi32, #tpu.memory_space<vmem>>
        %dma_start3A_197 = arith.constant 0 : i32
        %dma_start3A_198 = arith.constant 0 : i32
        %dma_start3A_199 = tpu.memref_slice %arg2[%dma_start3A_197, %dma_start3A_198] : memref<20480x64xf32, #tpu.memory_space<hbm>> -> memref<20480x64xf32, #tpu.memory_space<hbm>>
        tpu.enqueue_indirect_dma source(%dma_start3A_199 : memref<20480x64xf32, #tpu.memory_space<hbm>>) target(%dma_start3A_193 : memref<128x64xf32, #tpu.memory_space<vmem>>) offsets(%dma_start3A_196 : memref<128xi32, #tpu.memory_space<vmem>>) semaphore(%arg13 : memref<!tpu.dma_semaphore, #tpu.memory_space<semaphore_mem>>)
      } else {
      }
      %mul3A_166 = arith.constant 5 : i32
      %mul3A_167 = arith.muli %scan3A_79, %mul3A_166 : i32
      %add3A_168 = arith.constant 4 : i32
      %add3A_169 = arith.addi %mul3A_167, %add3A_168 : i32
      %dma_wait3A_170 = arith.constant 4 : i32
      %dma_wait3A_171 = arith.constant 0 : i32
      %dma_wait3A_172 = arith.constant 0 : i32
      %dma_wait3A_173 = tpu.memref_slice %arg8[%dma_wait3A_170, %dma_wait3A_171, %dma_wait3A_172] : memref<5x128x64xf32, #tpu.memory_space<vmem>> -> memref<1x128x64xf32, #tpu.memory_space<vmem>>
      %dma_wait3A_174 = tpu.memref_squeeze %dma_wait3A_173 : memref<1x128x64xf32, #tpu.memory_space<vmem>> -> memref<128x64xf32, #tpu.memory_space<vmem>>
      %dma_wait3A_175 = arith.constant 0 : i32
      %dma_wait3A_176 = tpu.memref_slice %arg6[%add3A_169, %dma_wait3A_175] : memref<160x128xi32, #tpu.memory_space<vmem>> -> memref<1x128xi32, #tpu.memory_space<vmem>>
      %dma_wait3A_177 = tpu.memref_squeeze %dma_wait3A_176 : memref<1x128xi32, #tpu.memory_space<vmem>> -> memref<128xi32, #tpu.memory_space<vmem>>
      %dma_wait3A_178 = arith.constant 0 : i32
      %dma_wait3A_179 = arith.constant 0 : i32
      %dma_wait3A_180 = tpu.memref_slice %arg2[%dma_wait3A_178, %dma_wait3A_179] : memref<20480x64xf32, #tpu.memory_space<hbm>> -> memref<20480x64xf32, #tpu.memory_space<hbm>>
      tpu.wait_indirect_dma semaphore(%arg14 : memref<!tpu.dma_semaphore, #tpu.memory_space<semaphore_mem>>) src(%dma_wait3A_180 : memref<20480x64xf32, #tpu.memory_space<hbm>>) dst(%dma_wait3A_174 : memref<128x64xf32, #tpu.memory_space<vmem>>)
      %run_scoped3A_181 = arith.constant 4 : i32
      "tpu.region"() ({
        %run_scoped3A_189 = tpu.sem_alloc : memref<!tpu.dma_semaphore, #tpu.memory_space<semaphore_mem>>
        %dma_start3A_190 = arith.constant 0 : i32
        %dma_start3A_191 = arith.constant 0 : i32
        %dma_start3A_192 = tpu.memref_slice %arg8[%run_scoped3A_181, %dma_start3A_190, %dma_start3A_191] : memref<5x128x64xf32, #tpu.memory_space<vmem>> -> memref<1x128x64xf32, #tpu.memory_space<vmem>>
        %dma_start3A_193 = tpu.memref_squeeze %dma_start3A_192 : memref<1x128x64xf32, #tpu.memory_space<vmem>> -> memref<128x64xf32, #tpu.memory_space<vmem>>
        %dma_start3A_194 = arith.constant 0 : i32
        %dma_start3A_195 = tpu.memref_slice %arg7[%add3A_169, %dma_start3A_194] : memref<160x128xi32, #tpu.memory_space<vmem>> -> memref<1x128xi32, #tpu.memory_space<vmem>>
        %dma_start3A_196 = tpu.memref_squeeze %dma_start3A_195 : memref<1x128xi32, #tpu.memory_space<vmem>> -> memref<128xi32, #tpu.memory_space<vmem>>
        %dma_start3A_197 = arith.constant 0 : i32
        %dma_start3A_198 = arith.constant 0 : i32
        %dma_start3A_199 = tpu.memref_slice %arg9[%dma_start3A_197, %dma_start3A_198] : memref<10240x64xf32, #tpu.memory_space<vmem_shared>> -> memref<10240x64xf32, #tpu.memory_space<vmem_shared>>
        tpu.enqueue_indirect_dma source(%dma_start3A_193 : memref<128x64xf32, #tpu.memory_space<vmem>>) target(%dma_start3A_199 : memref<10240x64xf32, #tpu.memory_space<vmem_shared>>) offsets(%dma_start3A_196 : memref<128xi32, #tpu.memory_space<vmem>>) semaphore(%run_scoped3A_189 : memref<!tpu.dma_semaphore, #tpu.memory_space<semaphore_mem>>) {add = true}
        %dma_wait3A_200 = arith.constant 0 : i32
        %dma_wait3A_201 = arith.constant 0 : i32
        %dma_wait3A_202 = tpu.memref_slice %arg8[%run_scoped3A_181, %dma_wait3A_200, %dma_wait3A_201] : memref<5x128x64xf32, #tpu.memory_space<vmem>> -> memref<1x128x64xf32, #tpu.memory_space<vmem>>
        %dma_wait3A_203 = tpu.memref_squeeze %dma_wait3A_202 : memref<1x128x64xf32, #tpu.memory_space<vmem>> -> memref<128x64xf32, #tpu.memory_space<vmem>>
        %dma_wait3A_204 = arith.constant 0 : i32
        %dma_wait3A_205 = tpu.memref_slice %arg7[%add3A_169, %dma_wait3A_204] : memref<160x128xi32, #tpu.memory_space<vmem>> -> memref<1x128xi32, #tpu.memory_space<vmem>>
        %dma_wait3A_206 = tpu.memref_squeeze %dma_wait3A_205 : memref<1x128xi32, #tpu.memory_space<vmem>> -> memref<128xi32, #tpu.memory_space<vmem>>
        %dma_wait3A_207 = arith.constant 0 : i32
        %dma_wait3A_208 = arith.constant 0 : i32
        %dma_wait3A_209 = tpu.memref_slice %arg9[%dma_wait3A_207, %dma_wait3A_208] : memref<10240x64xf32, #tpu.memory_space<vmem_shared>> -> memref<10240x64xf32, #tpu.memory_space<vmem_shared>>
        tpu.wait_indirect_dma semaphore(%run_scoped3A_189 : memref<!tpu.dma_semaphore, #tpu.memory_space<semaphore_mem>>) src(%dma_wait3A_203 : memref<128x64xf32, #tpu.memory_space<vmem>>) dst(%dma_wait3A_209 : memref<10240x64xf32, #tpu.memory_space<vmem_shared>>)
        tpu.yield
      }) : () -> ()
      %add3A_182 = arith.constant 5 : i32
      %add3A_183 = arith.addi %add3A_169, %add3A_182 : i32
      %lt3A_184 = arith.constant 160 : i32
      %lt3A_185 = arith.cmpi slt, %add3A_183, %lt3A_184 : i32
      %convert_element_type3A_186 = arith.extui %lt3A_185 : i1 to i32
      %cond3A_187 = arith.constant 0 : i32
      %cond3A_188 = arith.cmpi ne, %convert_element_type3A_186, %cond3A_187 : i32
      scf.if %cond3A_188 {
        %dma_start3A_189 = arith.constant 4 : i32
        %dma_start3A_190 = arith.constant 0 : i32
        %dma_start3A_191 = arith.constant 0 : i32
        %dma_start3A_192 = tpu.memref_slice %arg8[%dma_start3A_189, %dma_start3A_190, %dma_start3A_191] : memref<5x128x64xf32, #tpu.memory_space<vmem>> -> memref<1x128x64xf32, #tpu.memory_space<vmem>>
        %dma_start3A_193 = tpu.memref_squeeze %dma_start3A_192 : memref<1x128x64xf32, #tpu.memory_space<vmem>> -> memref<128x64xf32, #tpu.memory_space<vmem>>
        %dma_start3A_194 = arith.constant 0 : i32
        %dma_start3A_195 = tpu.memref_slice %arg6[%add3A_183, %dma_start3A_194] : memref<160x128xi32, #tpu.memory_space<vmem>> -> memref<1x128xi32, #tpu.memory_space<vmem>>
        %dma_start3A_196 = tpu.memref_squeeze %dma_start3A_195 : memref<1x128xi32, #tpu.memory_space<vmem>> -> memref<128xi32, #tpu.memory_space<vmem>>
        %dma_start3A_197 = arith.constant 0 : i32
        %dma_start3A_198 = arith.constant 0 : i32
        %dma_start3A_199 = tpu.memref_slice %arg2[%dma_start3A_197, %dma_start3A_198] : memref<20480x64xf32, #tpu.memory_space<hbm>> -> memref<20480x64xf32, #tpu.memory_space<hbm>>
        tpu.enqueue_indirect_dma source(%dma_start3A_199 : memref<20480x64xf32, #tpu.memory_space<hbm>>) target(%dma_start3A_193 : memref<128x64xf32, #tpu.memory_space<vmem>>) offsets(%dma_start3A_196 : memref<128xi32, #tpu.memory_space<vmem>>) semaphore(%arg14 : memref<!tpu.dma_semaphore, #tpu.memory_space<semaphore_mem>>)
      } else {
      }
    }
    %scan3A_77 = arith.constant 32 : i32
    %barrier3A_78 = arith.constant 0 : index
    tpu.barrier barrier_id(%barrier3A_78)
    "tpu.region"() ({
      %run_scoped3A = tpu.sem_alloc : memref<!tpu.dma_semaphore, #tpu.memory_space<semaphore_mem>>
      %dma_start3A_79 = arith.constant 0 : i32
      %dma_start3A_80 = tpu.memref_slice %arg5[%arg0, %mul3A_6, %dma_start3A_79] : memref<2x10240x64xf32, #tpu.memory_space<hbm>> -> memref<1x640x64xf32, #tpu.memory_space<hbm>>
      %dma_start3A_81 = tpu.memref_squeeze %dma_start3A_80 : memref<1x640x64xf32, #tpu.memory_space<hbm>> -> memref<640x64xf32, #tpu.memory_space<hbm>>
      %dma_start3A_82 = arith.constant 0 : i32
      %dma_start3A_83 = tpu.memref_slice %arg9[%mul3A_6, %dma_start3A_82] : memref<10240x64xf32, #tpu.memory_space<vmem_shared>> -> memref<640x64xf32, #tpu.memory_space<vmem_shared>>
      tpu.enqueue_dma source(%dma_start3A_83 : memref<640x64xf32, #tpu.memory_space<vmem_shared>>) target(%dma_start3A_81 : memref<640x64xf32, #tpu.memory_space<hbm>>) target_semaphore(%run_scoped3A : memref<!tpu.dma_semaphore, #tpu.memory_space<semaphore_mem>>)
      %dma_wait3A = arith.constant 0 : i32
      %dma_wait3A_84 = tpu.memref_slice %arg5[%arg0, %mul3A_6, %dma_wait3A] : memref<2x10240x64xf32, #tpu.memory_space<hbm>> -> memref<1x640x64xf32, #tpu.memory_space<hbm>>
      %dma_wait3A_85 = tpu.memref_squeeze %dma_wait3A_84 : memref<1x640x64xf32, #tpu.memory_space<hbm>> -> memref<640x64xf32, #tpu.memory_space<hbm>>
      %dma_wait3A_86 = arith.constant 0 : i32
      %dma_wait3A_87 = tpu.memref_slice %arg9[%mul3A_6, %dma_wait3A_86] : memref<10240x64xf32, #tpu.memory_space<vmem_shared>> -> memref<640x64xf32, #tpu.memory_space<vmem_shared>>
      tpu.wait_dma2 semaphore(%run_scoped3A : memref<!tpu.dma_semaphore, #tpu.memory_space<semaphore_mem>>) src(%dma_wait3A_87 : memref<640x64xf32, #tpu.memory_space<vmem_shared>>) dst(%dma_wait3A_85 : memref<640x64xf32, #tpu.memory_space<hbm>>)
      tpu.yield
    }) : () -> ()
    return
  }
}

#map = affine_map<(d0, d1) -> (0, 0)>
#map1 = affine_map<(d0, d1) -> (0, 0, 0, 0)>
#map2 = affine_map<(d0, d1) -> (0, 0, 0)>
module attributes {stable_mosaic.version = 14 : i64} {
  func.func @_sc_body(%arg0: i32, %arg1: i32, %arg2: memref<20480x64xf32, #tpu.memory_space<hbm>>, %arg3: memref<2x16x160x128xi32, #tpu.memory_space<hbm>>, %arg4: memref<16x160x128xi32, #tpu.memory_space<hbm>>, %arg5: memref<2x10240x64xf32, #tpu.memory_space<hbm>>, %arg6: memref<160x128xi32, #tpu.memory_space<vmem>>, %arg7: memref<160x128xi32, #tpu.memory_space<vmem>>, %arg8: memref<5x128x64xf32, #tpu.memory_space<vmem>>, %arg9: memref<10240x64xf32, #tpu.memory_space<vmem_shared>>, %arg10: memref<!tpu.dma_semaphore, #tpu.memory_space<semaphore_mem>>, %arg11: memref<!tpu.dma_semaphore, #tpu.memory_space<semaphore_mem>>, %arg12: memref<!tpu.dma_semaphore, #tpu.memory_space<semaphore_mem>>, %arg13: memref<!tpu.dma_semaphore, #tpu.memory_space<semaphore_mem>>, %arg14: memref<!tpu.dma_semaphore, #tpu.memory_space<semaphore_mem>>) attributes {dimension_semantics = [#tpu.dimension_semantics<core_parallel>, #tpu.dimension_semantics<subcore_parallel>], iteration_bounds = array<i64: 2, 16>, scalar_prefetch = 0 : i64, scratch_operands = 9 : i64, tpu.core_type = #tpu.core_type<sc_vector_subcore>, window_params = [{transform_indices = #map}, {transform_indices = #map1}, {transform_indices = #map2}, {transform_indices = #map2}]} {
    %broadcast_in_dim3A = arith.constant 0.000000e+00 : f32
    %broadcast_in_dim3A_0 = vector.broadcast %broadcast_in_dim3A : f32 to vector<16xf32>
    %scan3A = arith.constant 0 : i32
    %scan3A_1 = arith.constant 0 : i32
    %scan3A_2 = arith.constant 512 : i32
    %scan3A_3 = arith.addi %scan3A_1, %scan3A_2 : i32
    %scan3A_4 = arith.constant 1 : i32
    scf.for %scan3A_79 = %scan3A_1 to %scan3A_3 step %scan3A_4  : i32 {
      %jit3A = arith.constant 4 : i32
      %div3A = arith.divsi %scan3A_79, %jit3A : i32
      %sign3A = arith.constant 0 : i32
      %sign3A_80 = arith.cmpi sgt, %scan3A_79, %sign3A : i32
      %sign3A_81 = arith.extui %sign3A_80 : i1 to i32
      %sign3A_82 = arith.constant 0 : i32
      %sign3A_83 = arith.cmpi slt, %scan3A_79, %sign3A_82 : i32
      %sign3A_84 = arith.extui %sign3A_83 : i1 to i32
      %sign3A_85 = arith.subi %sign3A_81, %sign3A_84 : i32
      %sign3A_86 = arith.constant 0 : i32
      %sign3A_87 = arith.cmpi sgt, %jit3A, %sign3A_86 : i32
      %sign3A_88 = arith.extui %sign3A_87 : i1 to i32
      %sign3A_89 = arith.constant 0 : i32
      %sign3A_90 = arith.cmpi slt, %jit3A, %sign3A_89 : i32
      %sign3A_91 = arith.extui %sign3A_90 : i1 to i32
      %sign3A_92 = arith.subi %sign3A_88, %sign3A_91 : i32
      %ne3A = arith.cmpi ne, %sign3A_85, %sign3A_92 : i32
      %rem3A = arith.remsi %scan3A_79, %jit3A : i32
      %ne3A_93 = arith.constant 0 : i32
      %ne3A_94 = arith.cmpi ne, %rem3A, %ne3A_93 : i32
      %and3A = arith.andi %ne3A, %ne3A_94 : i1
      %sub3A = arith.constant 1 : i32
      %sub3A_95 = arith.subi %div3A, %sub3A : i32
      %select_n3A = arith.select %and3A, %sub3A_95, %div3A : i32
      %jit3A_96 = arith.constant 4 : i32
      %eq3A = arith.constant 0 : i32
      %eq3A_97 = arith.cmpi eq, %jit3A_96, %eq3A : i32
      %jit3A_98 = arith.constant 1 : i32
      %select_n3A_99 = arith.select %eq3A_97, %jit3A_98, %jit3A_96 : i32
      %rem3A_100 = arith.remsi %scan3A_79, %select_n3A_99 : i32
      %ne3A_101 = arith.constant 0 : i32
      %ne3A_102 = arith.cmpi ne, %rem3A_100, %ne3A_101 : i32
      %lt3A = arith.constant 0 : i32
      %lt3A_103 = arith.cmpi slt, %rem3A_100, %lt3A : i32
      %lt3A_104 = arith.constant 0 : i32
      %lt3A_105 = arith.cmpi slt, %select_n3A_99, %lt3A_104 : i32
      %ne3A_106 = arith.xori %lt3A_103, %lt3A_105 : i1
      %and3A_107 = arith.andi %ne3A_106, %ne3A_102 : i1
      %add3A = arith.addi %rem3A_100, %select_n3A_99 : i32
      %select_n3A_108 = arith.select %and3A_107, %add3A, %rem3A_100 : i32
      %mul3A_109 = arith.constant 16 : i32
      %mul3A_110 = arith.muli %select_n3A_108, %mul3A_109 : i32
      %swap3A = arith.constant 0 : i32
      %swap3A_111 = arith.index_cast %swap3A : i32 to index
      %swap3A_112 = arith.index_cast %select_n3A : i32 to index
      %swap3A_113 = arith.index_cast %mul3A_110 : i32 to index
      %swap3A_114 = tpu.vector_load %arg8[%swap3A_111, %swap3A_112, %swap3A_113] {strides = array<i32>} : memref<5x128x64xf32, #tpu.memory_space<vmem>>, vector<1x1x16xf32>,
      %swap3A_115 = vector.shape_cast %swap3A_114 : vector<1x1x16xf32> to vector<16xf32>
      %swap3A_116 = vector.shape_cast %broadcast_in_dim3A_0 : vector<16xf32> to vector<1x1x16xf32>
      tpu.vector_store %arg8[%swap3A_111, %swap3A_112, %swap3A_113], %swap3A_116 {strides = array<i32>} : memref<5x128x64xf32, #tpu.memory_space<vmem>>, vector<1x1x16xf32>,
    }
    %scan3A_5 = arith.constant 512 : i32
    %mul3A = arith.constant 640 : i32
    %mul3A_6 = arith.muli %arg1, %mul3A : i32
    %scan3A_7 = arith.constant 0 : i32
    %scan3A_8 = arith.constant 0 : i32
    %scan3A_9 = arith.constant 5 : i32
    %scan3A_10 = arith.addi %scan3A_8, %scan3A_9 : i32
    %scan3A_11 = arith.constant 1 : i32
    scf.for %scan3A_79 = %scan3A_8 to %scan3A_10 step %scan3A_11  : i32 {
      %mul3A_80 = arith.constant 128 : i32
      %mul3A_81 = arith.muli %scan3A_79, %mul3A_80 : i32
      %add3A = arith.addi %mul3A_6, %mul3A_81 : i32
      %run_scoped3A = arith.constant 0 : i32
      "tpu.region"() ({
        %run_scoped3A_82 = tpu.sem_alloc : memref<!tpu.dma_semaphore, #tpu.memory_space<semaphore_mem>>
        %dma_start3A_83 = arith.constant 0 : i32
        %dma_start3A_84 = arith.constant 0 : i32
        %dma_start3A_85 = tpu.memref_slice %arg8[%run_scoped3A, %dma_start3A_83, %dma_start3A_84] : memref<5x128x64xf32, #tpu.memory_space<vmem>> -> memref<1x128x64xf32, #tpu.memory_space<vmem>>
        %dma_start3A_86 = tpu.memref_squeeze %dma_start3A_85 : memref<1x128x64xf32, #tpu.memory_space<vmem>> -> memref<128x64xf32, #tpu.memory_space<vmem>>
        %dma_start3A_87 = arith.constant 0 : i32
        %dma_start3A_88 = tpu.memref_slice %arg9[%add3A, %dma_start3A_87] : memref<10240x64xf32, #tpu.memory_space<vmem_shared>> -> memref<128x64xf32, #tpu.memory_space<vmem_shared>>
        %dma_start3A_89 = arith.constant 0 : i32
        %dma_start3A_90 = tpu.memref_slice %arg9[%add3A, %dma_start3A_89] : memref<10240x64xf32, #tpu.memory_space<vmem_shared>> -> memref<128x64xf32, #tpu.memory_space<vmem_shared>>
        %dma_start3A_91 = arith.constant 0 : i32
        %dma_start3A_92 = arith.constant 0 : i32
        %dma_start3A_93 = tpu.memref_slice %arg8[%run_scoped3A, %dma_start3A_91, %dma_start3A_92] : memref<5x128x64xf32, #tpu.memory_space<vmem>> -> memref<1x128x64xf32, #tpu.memory_space<vmem>>
        %dma_start3A_94 = tpu.memref_squeeze %dma_start3A_93 : memref<1x128x64xf32, #tpu.memory_space<vmem>> -> memref<128x64xf32, #tpu.memory_space<vmem>>
        tpu.enqueue_dma source(%dma_start3A_94 : memref<128x64xf32, #tpu.memory_space<vmem>>) target(%dma_start3A_90 : memref<128x64xf32, #tpu.memory_space<vmem_shared>>) target_semaphore(%run_scoped3A_82 : memref<!tpu.dma_semaphore, #tpu.memory_space<semaphore_mem>>)
        %dma_wait3A = arith.constant 0 : i32
        %dma_wait3A_95 = arith.constant 0 : i32
        %dma_wait3A_96 = tpu.memref_slice %arg8[%run_scoped3A, %dma_wait3A, %dma_wait3A_95] : memref<5x128x64xf32, #tpu.memory_space<vmem>> -> memref<1x128x64xf32, #tpu.memory_space<vmem>>
        %dma_wait3A_97 = tpu.memref_squeeze %dma_wait3A_96 : memref<1x128x64xf32, #tpu.memory_space<vmem>> -> memref<128x64xf32, #tpu.memory_space<vmem>>
        %dma_wait3A_98 = arith.constant 0 : i32
        %dma_wait3A_99 = tpu.memref_slice %arg9[%add3A, %dma_wait3A_98] : memref<10240x64xf32, #tpu.memory_space<vmem_shared>> -> memref<128x64xf32, #tpu.memory_space<vmem_shared>>
        %dma_wait3A_100 = arith.constant 0 : i32
        %dma_wait3A_101 = tpu.memref_slice %arg9[%add3A, %dma_wait3A_100] : memref<10240x64xf32, #tpu.memory_space<vmem_shared>> -> memref<128x64xf32, #tpu.memory_space<vmem_shared>>
        %dma_wait3A_102 = arith.constant 0 : i32
        %dma_wait3A_103 = arith.constant 0 : i32
        %dma_wait3A_104 = tpu.memref_slice %arg8[%run_scoped3A, %dma_wait3A_102, %dma_wait3A_103] : memref<5x128x64xf32, #tpu.memory_space<vmem>> -> memref<1x128x64xf32, #tpu.memory_space<vmem>>
        %dma_wait3A_105 = tpu.memref_squeeze %dma_wait3A_104 : memref<1x128x64xf32, #tpu.memory_space<vmem>> -> memref<128x64xf32, #tpu.memory_space<vmem>>
        tpu.wait_dma2 semaphore(%run_scoped3A_82 : memref<!tpu.dma_semaphore, #tpu.memory_space<semaphore_mem>>) src(%dma_wait3A_105 : memref<128x64xf32, #tpu.memory_space<vmem>>) dst(%dma_wait3A_101 : memref<128x64xf32, #tpu.memory_space<vmem_shared>>)
        tpu.yield
      }) : () -> ()
    }
    %scan3A_12 = arith.constant 5 : i32
    "tpu.region"() ({
      %run_scoped3A = tpu.sem_alloc : memref<!tpu.dma_semaphore, #tpu.memory_space<semaphore_mem>>
      %dma_start3A_79 = arith.constant 0 : i32
      %dma_start3A_80 = arith.constant 0 : i32
      %dma_start3A_81 = tpu.memref_slice %arg3[%arg0, %arg1, %dma_start3A_79, %dma_start3A_80] : memref<2x16x160x128xi32, #tpu.memory_space<hbm>> -> memref<1x1x160x128xi32, #tpu.memory_space<hbm>>
      %dma_start3A_82 = tpu.memref_squeeze %dma_start3A_81 : memref<1x1x160x128xi32, #tpu.memory_space<hbm>> -> memref<160x128xi32, #tpu.memory_space<hbm>>
      %dma_start3A_83 = arith.constant 0 : i32
      %dma_start3A_84 = arith.constant 0 : i32
      %dma_start3A_85 = tpu.memref_slice %arg3[%arg0, %arg1, %dma_start3A_83, %dma_start3A_84] : memref<2x16x160x128xi32, #tpu.memory_space<hbm>> -> memref<1x1x160x128xi32, #tpu.memory_space<hbm>>
      %dma_start3A_86 = tpu.memref_squeeze %dma_start3A_85 : memref<1x1x160x128xi32, #tpu.memory_space<hbm>> -> memref<160x128xi32, #tpu.memory_space<hbm>>
      tpu.enqueue_dma source(%dma_start3A_86 : memref<160x128xi32, #tpu.memory_space<hbm>>) target(%arg6 : memref<160x128xi32, #tpu.memory_space<vmem>>) target_semaphore(%run_scoped3A : memref<!tpu.dma_semaphore, #tpu.memory_space<semaphore_mem>>)
      %dma_wait3A = arith.constant 0 : i32
      %dma_wait3A_87 = arith.constant 0 : i32
      %dma_wait3A_88 = tpu.memref_slice %arg3[%arg0, %arg1, %dma_wait3A, %dma_wait3A_87] : memref<2x16x160x128xi32, #tpu.memory_space<hbm>> -> memref<1x1x160x128xi32, #tpu.memory_space<hbm>>
      %dma_wait3A_89 = tpu.memref_squeeze %dma_wait3A_88 : memref<1x1x160x128xi32, #tpu.memory_space<hbm>> -> memref<160x128xi32, #tpu.memory_space<hbm>>
      %dma_wait3A_90 = arith.constant 0 : i32
      %dma_wait3A_91 = arith.constant 0 : i32
      %dma_wait3A_92 = tpu.memref_slice %arg3[%arg0, %arg1, %dma_wait3A_90, %dma_wait3A_91] : memref<2x16x160x128xi32, #tpu.memory_space<hbm>> -> memref<1x1x160x128xi32, #tpu.memory_space<hbm>>
      %dma_wait3A_93 = tpu.memref_squeeze %dma_wait3A_92 : memref<1x1x160x128xi32, #tpu.memory_space<hbm>> -> memref<160x128xi32, #tpu.memory_space<hbm>>
      tpu.wait_dma2 semaphore(%run_scoped3A : memref<!tpu.dma_semaphore, #tpu.memory_space<semaphore_mem>>) src(%dma_wait3A_93 : memref<160x128xi32, #tpu.memory_space<hbm>>) dst(%arg6 : memref<160x128xi32, #tpu.memory_space<vmem>>)
      tpu.yield
    }) : () -> ()
    "tpu.region"() ({
      %run_scoped3A = tpu.sem_alloc : memref<!tpu.dma_semaphore, #tpu.memory_space<semaphore_mem>>
      %dma_start3A_79 = arith.constant 0 : i32
      %dma_start3A_80 = arith.constant 0 : i32
      %dma_start3A_81 = tpu.memref_slice %arg4[%arg1, %dma_start3A_79, %dma_start3A_80] : memref<16x160x128xi32, #tpu.memory_space<hbm>> -> memref<1x160x128xi32, #tpu.memory_space<hbm>>
      %dma_start3A_82 = tpu.memref_squeeze %dma_start3A_81 : memref<1x160x128xi32, #tpu.memory_space<hbm>> -> memref<160x128xi32, #tpu.memory_space<hbm>>
      %dma_start3A_83 = arith.constant 0 : i32
      %dma_start3A_84 = arith.constant 0 : i32
      %dma_start3A_85 = tpu.memref_slice %arg4[%arg1, %dma_start3A_83, %dma_start3A_84] : memref<16x160x128xi32, #tpu.memory_space<hbm>> -> memref<1x160x128xi32, #tpu.memory_space<hbm>>
      %dma_start3A_86 = tpu.memref_squeeze %dma_start3A_85 : memref<1x160x128xi32, #tpu.memory_space<hbm>> -> memref<160x128xi32, #tpu.memory_space<hbm>>
      tpu.enqueue_dma source(%dma_start3A_86 : memref<160x128xi32, #tpu.memory_space<hbm>>) target(%arg7 : memref<160x128xi32, #tpu.memory_space<vmem>>) target_semaphore(%run_scoped3A : memref<!tpu.dma_semaphore, #tpu.memory_space<semaphore_mem>>)
      %dma_wait3A = arith.constant 0 : i32
      %dma_wait3A_87 = arith.constant 0 : i32
      %dma_wait3A_88 = tpu.memref_slice %arg4[%arg1, %dma_wait3A, %dma_wait3A_87] : memref<16x160x128xi32, #tpu.memory_space<hbm>> -> memref<1x160x128xi32, #tpu.memory_space<hbm>>
      %dma_wait3A_89 = tpu.memref_squeeze %dma_wait3A_88 : memref<1x160x128xi32, #tpu.memory_space<hbm>> -> memref<160x128xi32, #tpu.memory_space<hbm>>
      %dma_wait3A_90 = arith.constant 0 : i32
      %dma_wait3A_91 = arith.constant 0 : i32
      %dma_wait3A_92 = tpu.memref_slice %arg4[%arg1, %dma_wait3A_90, %dma_wait3A_91] : memref<16x160x128xi32, #tpu.memory_space<hbm>> -> memref<1x160x128xi32, #tpu.memory_space<hbm>>
      %dma_wait3A_93 = tpu.memref_squeeze %dma_wait3A_92 : memref<1x160x128xi32, #tpu.memory_space<hbm>> -> memref<160x128xi32, #tpu.memory_space<hbm>>
      tpu.wait_dma2 semaphore(%run_scoped3A : memref<!tpu.dma_semaphore, #tpu.memory_space<semaphore_mem>>) src(%dma_wait3A_93 : memref<160x128xi32, #tpu.memory_space<hbm>>) dst(%arg7 : memref<160x128xi32, #tpu.memory_space<vmem>>)
      tpu.yield
    }) : () -> ()
    %barrier3A = arith.constant 0 : index
    tpu.barrier barrier_id(%barrier3A)
    %dma_start3A = arith.constant 0 : i32
    %dma_start3A_13 = arith.constant 0 : i32
    %dma_start3A_14 = arith.constant 0 : i32
    %dma_start3A_15 = arith.constant 0 : i32
    %dma_start3A_16 = tpu.memref_slice %arg8[%dma_start3A_13, %dma_start3A_14, %dma_start3A_15] : memref<5x128x64xf32, #tpu.memory_space<vmem>> -> memref<1x128x64xf32, #tpu.memory_space<vmem>>
    %dma_start3A_17 = tpu.memref_squeeze %dma_start3A_16 : memref<1x128x64xf32, #tpu.memory_space<vmem>> -> memref<128x64xf32, #tpu.memory_space<vmem>>
    %dma_start3A_18 = arith.constant 0 : i32
    %dma_start3A_19 = tpu.memref_slice %arg6[%dma_start3A, %dma_start3A_18] : memref<160x128xi32, #tpu.memory_space<vmem>> -> memref<1x128xi32, #tpu.memory_space<vmem>>
    %dma_start3A_20 = tpu.memref_squeeze %dma_start3A_19 : memref<1x128xi32, #tpu.memory_space<vmem>> -> memref<128xi32, #tpu.memory_space<vmem>>
    %dma_start3A_21 = arith.constant 0 : i32
    %dma_start3A_22 = arith.constant 0 : i32
    %dma_start3A_23 = tpu.memref_slice %arg2[%dma_start3A_21, %dma_start3A_22] : memref<20480x64xf32, #tpu.memory_space<hbm>> -> memref<20480x64xf32, #tpu.memory_space<hbm>>
    tpu.enqueue_indirect_dma source(%dma_start3A_23 : memref<20480x64xf32, #tpu.memory_space<hbm>>) target(%dma_start3A_17 : memref<128x64xf32, #tpu.memory_space<vmem>>) offsets(%dma_start3A_20 : memref<128xi32, #tpu.memory_space<vmem>>) semaphore(%arg10 : memref<!tpu.dma_semaphore, #tpu.memory_space<semaphore_mem>>)
    %dma_start3A_24 = arith.constant 1 : i32
    %dma_start3A_25 = arith.constant 1 : i32
    %dma_start3A_26 = arith.constant 0 : i32
    %dma_start3A_27 = arith.constant 0 : i32
    %dma_start3A_28 = tpu.memref_slice %arg8[%dma_start3A_25, %dma_start3A_26, %dma_start3A_27] : memref<5x128x64xf32, #tpu.memory_space<vmem>> -> memref<1x128x64xf32, #tpu.memory_space<vmem>>
    %dma_start3A_29 = tpu.memref_squeeze %dma_start3A_28 : memref<1x128x64xf32, #tpu.memory_space<vmem>> -> memref<128x64xf32, #tpu.memory_space<vmem>>
    %dma_start3A_30 = arith.constant 0 : i32
    %dma_start3A_31 = tpu.memref_slice %arg6[%dma_start3A_24, %dma_start3A_30] : memref<160x128xi32, #tpu.memory_space<vmem>> -> memref<1x128xi32, #tpu.memory_space<vmem>>
    %dma_start3A_32 = tpu.memref_squeeze %dma_start3A_31 : memref<1x128xi32, #tpu.memory_space<vmem>> -> memref<128xi32, #tpu.memory_space<vmem>>
    %dma_start3A_33 = arith.constant 0 : i32
    %dma_start3A_34 = arith.constant 0 : i32
    %dma_start3A_35 = tpu.memref_slice %arg2[%dma_start3A_33, %dma_start3A_34] : memref<20480x64xf32, #tpu.memory_space<hbm>> -> memref<20480x64xf32, #tpu.memory_space<hbm>>
    tpu.enqueue_indirect_dma source(%dma_start3A_35 : memref<20480x64xf32, #tpu.memory_space<hbm>>) target(%dma_start3A_29 : memref<128x64xf32, #tpu.memory_space<vmem>>) offsets(%dma_start3A_32 : memref<128xi32, #tpu.memory_space<vmem>>) semaphore(%arg11 : memref<!tpu.dma_semaphore, #tpu.memory_space<semaphore_mem>>)
    %dma_start3A_36 = arith.constant 2 : i32
    %dma_start3A_37 = arith.constant 2 : i32
    %dma_start3A_38 = arith.constant 0 : i32
    %dma_start3A_39 = arith.constant 0 : i32
    %dma_start3A_40 = tpu.memref_slice %arg8[%dma_start3A_37, %dma_start3A_38, %dma_start3A_39] : memref<5x128x64xf32, #tpu.memory_space<vmem>> -> memref<1x128x64xf32, #tpu.memory_space<vmem>>
    %dma_start3A_41 = tpu.memref_squeeze %dma_start3A_40 : memref<1x128x64xf32, #tpu.memory_space<vmem>> -> memref<128x64xf32, #tpu.memory_space<vmem>>
    %dma_start3A_42 = arith.constant 0 : i32
    %dma_start3A_43 = tpu.memref_slice %arg6[%dma_start3A_36, %dma_start3A_42] : memref<160x128xi32, #tpu.memory_space<vmem>> -> memref<1x128xi32, #tpu.memory_space<vmem>>
    %dma_start3A_44 = tpu.memref_squeeze %dma_start3A_43 : memref<1x128xi32, #tpu.memory_space<vmem>> -> memref<128xi32, #tpu.memory_space<vmem>>
    %dma_start3A_45 = arith.constant 0 : i32
    %dma_start3A_46 = arith.constant 0 : i32
    %dma_start3A_47 = tpu.memref_slice %arg2[%dma_start3A_45, %dma_start3A_46] : memref<20480x64xf32, #tpu.memory_space<hbm>> -> memref<20480x64xf32, #tpu.memory_space<hbm>>
    tpu.enqueue_indirect_dma source(%dma_start3A_47 : memref<20480x64xf32, #tpu.memory_space<hbm>>) target(%dma_start3A_41 : memref<128x64xf32, #tpu.memory_space<vmem>>) offsets(%dma_start3A_44 : memref<128xi32, #tpu.memory_space<vmem>>) semaphore(%arg12 : memref<!tpu.dma_semaphore, #tpu.memory_space<semaphore_mem>>)
    %dma_start3A_48 = arith.constant 3 : i32
    %dma_start3A_49 = arith.constant 3 : i32
    %dma_start3A_50 = arith.constant 0 : i32
    %dma_start3A_51 = arith.constant 0 : i32
    %dma_start3A_52 = tpu.memref_slice %arg8[%dma_start3A_49, %dma_start3A_50, %dma_start3A_51] : memref<5x128x64xf32, #tpu.memory_space<vmem>> -> memref<1x128x64xf32, #tpu.memory_space<vmem>>
    %dma_start3A_53 = tpu.memref_squeeze %dma_start3A_52 : memref<1x128x64xf32, #tpu.memory_space<vmem>> -> memref<128x64xf32, #tpu.memory_space<vmem>>
    %dma_start3A_54 = arith.constant 0 : i32
    %dma_start3A_55 = tpu.memref_slice %arg6[%dma_start3A_48, %dma_start3A_54] : memref<160x128xi32, #tpu.memory_space<vmem>> -> memref<1x128xi32, #tpu.memory_space<vmem>>
    %dma_start3A_56 = tpu.memref_squeeze %dma_start3A_55 : memref<1x128xi32, #tpu.memory_space<vmem>> -> memref<128xi32, #tpu.memory_space<vmem>>
    %dma_start3A_57 = arith.constant 0 : i32
    %dma_start3A_58 = arith.constant 0 : i32
    %dma_start3A_59 = tpu.memref_slice %arg2[%dma_start3A_57, %dma_start3A_58] : memref<20480x64xf32, #tpu.memory_space<hbm>> -> memref<20480x64xf32, #tpu.memory_space<hbm>>
    tpu.enqueue_indirect_dma source(%dma_start3A_59 : memref<20480x64xf32, #tpu.memory_space<hbm>>) target(%dma_start3A_53 : memref<128x64xf32, #tpu.memory_space<vmem>>) offsets(%dma_start3A_56 : memref<128xi32, #tpu.memory_space<vmem>>) semaphore(%arg13 : memref<!tpu.dma_semaphore, #tpu.memory_space<semaphore_mem>>)
    %dma_start3A_60 = arith.constant 4 : i32
    %dma_start3A_61 = arith.constant 4 : i32
    %dma_start3A_62 = arith.constant 0 : i32
    %dma_start3A_63 = arith.constant 0 : i32
    %dma_start3A_64 = tpu.memref_slice %arg8[%dma_start3A_61, %dma_start3A_62, %dma_start3A_63] : memref<5x128x64xf32, #tpu.memory_space<vmem>> -> memref<1x128x64xf32, #tpu.memory_space<vmem>>
    %dma_start3A_65 = tpu.memref_squeeze %dma_start3A_64 : memref<1x128x64xf32, #tpu.memory_space<vmem>> -> memref<128x64xf32, #tpu.memory_space<vmem>>
    %dma_start3A_66 = arith.constant 0 : i32
    %dma_start3A_67 = tpu.memref_slice %arg6[%dma_start3A_60, %dma_start3A_66] : memref<160x128xi32, #tpu.memory_space<vmem>> -> memref<1x128xi32, #tpu.memory_space<vmem>>
    %dma_start3A_68 = tpu.memref_squeeze %dma_start3A_67 : memref<1x128xi32, #tpu.memory_space<vmem>> -> memref<128xi32, #tpu.memory_space<vmem>>
    %dma_start3A_69 = arith.constant 0 : i32
    %dma_start3A_70 = arith.constant 0 : i32
    %dma_start3A_71 = tpu.memref_slice %arg2[%dma_start3A_69, %dma_start3A_70] : memref<20480x64xf32, #tpu.memory_space<hbm>> -> memref<20480x64xf32, #tpu.memory_space<hbm>>
    tpu.enqueue_indirect_dma source(%dma_start3A_71 : memref<20480x64xf32, #tpu.memory_space<hbm>>) target(%dma_start3A_65 : memref<128x64xf32, #tpu.memory_space<vmem>>) offsets(%dma_start3A_68 : memref<128xi32, #tpu.memory_space<vmem>>) semaphore(%arg14 : memref<!tpu.dma_semaphore, #tpu.memory_space<semaphore_mem>>)
    %scan3A_72 = arith.constant 0 : i32
    %scan3A_73 = arith.constant 0 : i32
    %scan3A_74 = arith.constant 32 : i32
    %scan3A_75 = arith.addi %scan3A_73, %scan3A_74 : i32
    %scan3A_76 = arith.constant 1 : i32
    scf.for %scan3A_79 = %scan3A_73 to %scan3A_75 step %scan3A_76  : i32 {
      %mul3A_80 = arith.constant 5 : i32
      %mul3A_81 = arith.muli %scan3A_79, %mul3A_80 : i32
      %add3A = arith.constant 0 : i32
      %add3A_82 = arith.addi %mul3A_81, %add3A : i32
      %dma_wait3A = arith.constant 0 : i32
      %dma_wait3A_83 = arith.constant 0 : i32
      %dma_wait3A_84 = arith.constant 0 : i32
      %dma_wait3A_85 = tpu.memref_slice %arg8[%dma_wait3A, %dma_wait3A_83, %dma_wait3A_84] : memref<5x128x64xf32, #tpu.memory_space<vmem>> -> memref<1x128x64xf32, #tpu.memory_space<vmem>>
      %dma_wait3A_86 = tpu.memref_squeeze %dma_wait3A_85 : memref<1x128x64xf32, #tpu.memory_space<vmem>> -> memref<128x64xf32, #tpu.memory_space<vmem>>
      %dma_wait3A_87 = arith.constant 0 : i32
      %dma_wait3A_88 = tpu.memref_slice %arg6[%add3A_82, %dma_wait3A_87] : memref<160x128xi32, #tpu.memory_space<vmem>> -> memref<1x128xi32, #tpu.memory_space<vmem>>
      %dma_wait3A_89 = tpu.memref_squeeze %dma_wait3A_88 : memref<1x128xi32, #tpu.memory_space<vmem>> -> memref<128xi32, #tpu.memory_space<vmem>>
      %dma_wait3A_90 = arith.constant 0 : i32
      %dma_wait3A_91 = arith.constant 0 : i32
      %dma_wait3A_92 = tpu.memref_slice %arg2[%dma_wait3A_90, %dma_wait3A_91] : memref<20480x64xf32, #tpu.memory_space<hbm>> -> memref<20480x64xf32, #tpu.memory_space<hbm>>
      tpu.wait_indirect_dma semaphore(%arg10 : memref<!tpu.dma_semaphore, #tpu.memory_space<semaphore_mem>>) src(%dma_wait3A_92 : memref<20480x64xf32, #tpu.memory_space<hbm>>) dst(%dma_wait3A_86 : memref<128x64xf32, #tpu.memory_space<vmem>>)
      %run_scoped3A = arith.constant 0 : i32
      "tpu.region"() ({
        %run_scoped3A_189 = tpu.sem_alloc : memref<!tpu.dma_semaphore, #tpu.memory_space<semaphore_mem>>
        %dma_start3A_190 = arith.constant 0 : i32
        %dma_start3A_191 = arith.constant 0 : i32
        %dma_start3A_192 = tpu.memref_slice %arg8[%run_scoped3A, %dma_start3A_190, %dma_start3A_191] : memref<5x128x64xf32, #tpu.memory_space<vmem>> -> memref<1x128x64xf32, #tpu.memory_space<vmem>>
        %dma_start3A_193 = tpu.memref_squeeze %dma_start3A_192 : memref<1x128x64xf32, #tpu.memory_space<vmem>> -> memref<128x64xf32, #tpu.memory_space<vmem>>
        %dma_start3A_194 = arith.constant 0 : i32
        %dma_start3A_195 = tpu.memref_slice %arg7[%add3A_82, %dma_start3A_194] : memref<160x128xi32, #tpu.memory_space<vmem>> -> memref<1x128xi32, #tpu.memory_space<vmem>>
        %dma_start3A_196 = tpu.memref_squeeze %dma_start3A_195 : memref<1x128xi32, #tpu.memory_space<vmem>> -> memref<128xi32, #tpu.memory_space<vmem>>
        %dma_start3A_197 = arith.constant 0 : i32
        %dma_start3A_198 = arith.constant 0 : i32
        %dma_start3A_199 = tpu.memref_slice %arg9[%dma_start3A_197, %dma_start3A_198] : memref<10240x64xf32, #tpu.memory_space<vmem_shared>> -> memref<10240x64xf32, #tpu.memory_space<vmem_shared>>
        tpu.enqueue_indirect_dma source(%dma_start3A_193 : memref<128x64xf32, #tpu.memory_space<vmem>>) target(%dma_start3A_199 : memref<10240x64xf32, #tpu.memory_space<vmem_shared>>) offsets(%dma_start3A_196 : memref<128xi32, #tpu.memory_space<vmem>>) semaphore(%run_scoped3A_189 : memref<!tpu.dma_semaphore, #tpu.memory_space<semaphore_mem>>) {add = true}
        %dma_wait3A_200 = arith.constant 0 : i32
        %dma_wait3A_201 = arith.constant 0 : i32
        %dma_wait3A_202 = tpu.memref_slice %arg8[%run_scoped3A, %dma_wait3A_200, %dma_wait3A_201] : memref<5x128x64xf32, #tpu.memory_space<vmem>> -> memref<1x128x64xf32, #tpu.memory_space<vmem>>
        %dma_wait3A_203 = tpu.memref_squeeze %dma_wait3A_202 : memref<1x128x64xf32, #tpu.memory_space<vmem>> -> memref<128x64xf32, #tpu.memory_space<vmem>>
        %dma_wait3A_204 = arith.constant 0 : i32
        %dma_wait3A_205 = tpu.memref_slice %arg7[%add3A_82, %dma_wait3A_204] : memref<160x128xi32, #tpu.memory_space<vmem>> -> memref<1x128xi32, #tpu.memory_space<vmem>>
        %dma_wait3A_206 = tpu.memref_squeeze %dma_wait3A_205 : memref<1x128xi32, #tpu.memory_space<vmem>> -> memref<128xi32, #tpu.memory_space<vmem>>
        %dma_wait3A_207 = arith.constant 0 : i32
        %dma_wait3A_208 = arith.constant 0 : i32
        %dma_wait3A_209 = tpu.memref_slice %arg9[%dma_wait3A_207, %dma_wait3A_208] : memref<10240x64xf32, #tpu.memory_space<vmem_shared>> -> memref<10240x64xf32, #tpu.memory_space<vmem_shared>>
        tpu.wait_indirect_dma semaphore(%run_scoped3A_189 : memref<!tpu.dma_semaphore, #tpu.memory_space<semaphore_mem>>) src(%dma_wait3A_203 : memref<128x64xf32, #tpu.memory_space<vmem>>) dst(%dma_wait3A_209 : memref<10240x64xf32, #tpu.memory_space<vmem_shared>>)
        tpu.yield
      }) : () -> ()
      %add3A_93 = arith.constant 5 : i32
      %add3A_94 = arith.addi %add3A_82, %add3A_93 : i32
      %lt3A = arith.constant 160 : i32
      %lt3A_95 = arith.cmpi slt, %add3A_94, %lt3A : i32
      %convert_element_type3A = arith.extui %lt3A_95 : i1 to i32
      %cond3A = arith.constant 0 : i32
      %cond3A_96 = arith.cmpi ne, %convert_element_type3A, %cond3A : i32
      scf.if %cond3A_96 {
        %dma_start3A_189 = arith.constant 0 : i32
        %dma_start3A_190 = arith.constant 0 : i32
        %dma_start3A_191 = arith.constant 0 : i32
        %dma_start3A_192 = tpu.memref_slice %arg8[%dma_start3A_189, %dma_start3A_190, %dma_start3A_191] : memref<5x128x64xf32, #tpu.memory_space<vmem>> -> memref<1x128x64xf32, #tpu.memory_space<vmem>>
        %dma_start3A_193 = tpu.memref_squeeze %dma_start3A_192 : memref<1x128x64xf32, #tpu.memory_space<vmem>> -> memref<128x64xf32, #tpu.memory_space<vmem>>
        %dma_start3A_194 = arith.constant 0 : i32
        %dma_start3A_195 = tpu.memref_slice %arg6[%add3A_94, %dma_start3A_194] : memref<160x128xi32, #tpu.memory_space<vmem>> -> memref<1x128xi32, #tpu.memory_space<vmem>>
        %dma_start3A_196 = tpu.memref_squeeze %dma_start3A_195 : memref<1x128xi32, #tpu.memory_space<vmem>> -> memref<128xi32, #tpu.memory_space<vmem>>
        %dma_start3A_197 = arith.constant 0 : i32
        %dma_start3A_198 = arith.constant 0 : i32
        %dma_start3A_199 = tpu.memref_slice %arg2[%dma_start3A_197, %dma_start3A_198] : memref<20480x64xf32, #tpu.memory_space<hbm>> -> memref<20480x64xf32, #tpu.memory_space<hbm>>
        tpu.enqueue_indirect_dma source(%dma_start3A_199 : memref<20480x64xf32, #tpu.memory_space<hbm>>) target(%dma_start3A_193 : memref<128x64xf32, #tpu.memory_space<vmem>>) offsets(%dma_start3A_196 : memref<128xi32, #tpu.memory_space<vmem>>) semaphore(%arg10 : memref<!tpu.dma_semaphore, #tpu.memory_space<semaphore_mem>>)
      } else {
      }
      %mul3A_97 = arith.constant 5 : i32
      %mul3A_98 = arith.muli %scan3A_79, %mul3A_97 : i32
      %add3A_99 = arith.constant 1 : i32
      %add3A_100 = arith.addi %mul3A_98, %add3A_99 : i32
      %dma_wait3A_101 = arith.constant 1 : i32
      %dma_wait3A_102 = arith.constant 0 : i32
      %dma_wait3A_103 = arith.constant 0 : i32
      %dma_wait3A_104 = tpu.memref_slice %arg8[%dma_wait3A_101, %dma_wait3A_102, %dma_wait3A_103] : memref<5x128x64xf32, #tpu.memory_space<vmem>> -> memref<1x128x64xf32, #tpu.memory_space<vmem>>
      %dma_wait3A_105 = tpu.memref_squeeze %dma_wait3A_104 : memref<1x128x64xf32, #tpu.memory_space<vmem>> -> memref<128x64xf32, #tpu.memory_space<vmem>>
      %dma_wait3A_106 = arith.constant 0 : i32
      %dma_wait3A_107 = tpu.memref_slice %arg6[%add3A_100, %dma_wait3A_106] : memref<160x128xi32, #tpu.memory_space<vmem>> -> memref<1x128xi32, #tpu.memory_space<vmem>>
      %dma_wait3A_108 = tpu.memref_squeeze %dma_wait3A_107 : memref<1x128xi32, #tpu.memory_space<vmem>> -> memref<128xi32, #tpu.memory_space<vmem>>
      %dma_wait3A_109 = arith.constant 0 : i32
      %dma_wait3A_110 = arith.constant 0 : i32
      %dma_wait3A_111 = tpu.memref_slice %arg2[%dma_wait3A_109, %dma_wait3A_110] : memref<20480x64xf32, #tpu.memory_space<hbm>> -> memref<20480x64xf32, #tpu.memory_space<hbm>>
      tpu.wait_indirect_dma semaphore(%arg11 : memref<!tpu.dma_semaphore, #tpu.memory_space<semaphore_mem>>) src(%dma_wait3A_111 : memref<20480x64xf32, #tpu.memory_space<hbm>>) dst(%dma_wait3A_105 : memref<128x64xf32, #tpu.memory_space<vmem>>)
      %run_scoped3A_112 = arith.constant 1 : i32
      "tpu.region"() ({
        %run_scoped3A_189 = tpu.sem_alloc : memref<!tpu.dma_semaphore, #tpu.memory_space<semaphore_mem>>
        %dma_start3A_190 = arith.constant 0 : i32
        %dma_start3A_191 = arith.constant 0 : i32
        %dma_start3A_192 = tpu.memref_slice %arg8[%run_scoped3A_112, %dma_start3A_190, %dma_start3A_191] : memref<5x128x64xf32, #tpu.memory_space<vmem>> -> memref<1x128x64xf32, #tpu.memory_space<vmem>>
        %dma_start3A_193 = tpu.memref_squeeze %dma_start3A_192 : memref<1x128x64xf32, #tpu.memory_space<vmem>> -> memref<128x64xf32, #tpu.memory_space<vmem>>
        %dma_start3A_194 = arith.constant 0 : i32
        %dma_start3A_195 = tpu.memref_slice %arg7[%add3A_100, %dma_start3A_194] : memref<160x128xi32, #tpu.memory_space<vmem>> -> memref<1x128xi32, #tpu.memory_space<vmem>>
        %dma_start3A_196 = tpu.memref_squeeze %dma_start3A_195 : memref<1x128xi32, #tpu.memory_space<vmem>> -> memref<128xi32, #tpu.memory_space<vmem>>
        %dma_start3A_197 = arith.constant 0 : i32
        %dma_start3A_198 = arith.constant 0 : i32
        %dma_start3A_199 = tpu.memref_slice %arg9[%dma_start3A_197, %dma_start3A_198] : memref<10240x64xf32, #tpu.memory_space<vmem_shared>> -> memref<10240x64xf32, #tpu.memory_space<vmem_shared>>
        tpu.enqueue_indirect_dma source(%dma_start3A_193 : memref<128x64xf32, #tpu.memory_space<vmem>>) target(%dma_start3A_199 : memref<10240x64xf32, #tpu.memory_space<vmem_shared>>) offsets(%dma_start3A_196 : memref<128xi32, #tpu.memory_space<vmem>>) semaphore(%run_scoped3A_189 : memref<!tpu.dma_semaphore, #tpu.memory_space<semaphore_mem>>) {add = true}
        %dma_wait3A_200 = arith.constant 0 : i32
        %dma_wait3A_201 = arith.constant 0 : i32
        %dma_wait3A_202 = tpu.memref_slice %arg8[%run_scoped3A_112, %dma_wait3A_200, %dma_wait3A_201] : memref<5x128x64xf32, #tpu.memory_space<vmem>> -> memref<1x128x64xf32, #tpu.memory_space<vmem>>
        %dma_wait3A_203 = tpu.memref_squeeze %dma_wait3A_202 : memref<1x128x64xf32, #tpu.memory_space<vmem>> -> memref<128x64xf32, #tpu.memory_space<vmem>>
        %dma_wait3A_204 = arith.constant 0 : i32
        %dma_wait3A_205 = tpu.memref_slice %arg7[%add3A_100, %dma_wait3A_204] : memref<160x128xi32, #tpu.memory_space<vmem>> -> memref<1x128xi32, #tpu.memory_space<vmem>>
        %dma_wait3A_206 = tpu.memref_squeeze %dma_wait3A_205 : memref<1x128xi32, #tpu.memory_space<vmem>> -> memref<128xi32, #tpu.memory_space<vmem>>
        %dma_wait3A_207 = arith.constant 0 : i32
        %dma_wait3A_208 = arith.constant 0 : i32
        %dma_wait3A_209 = tpu.memref_slice %arg9[%dma_wait3A_207, %dma_wait3A_208] : memref<10240x64xf32, #tpu.memory_space<vmem_shared>> -> memref<10240x64xf32, #tpu.memory_space<vmem_shared>>
        tpu.wait_indirect_dma semaphore(%run_scoped3A_189 : memref<!tpu.dma_semaphore, #tpu.memory_space<semaphore_mem>>) src(%dma_wait3A_203 : memref<128x64xf32, #tpu.memory_space<vmem>>) dst(%dma_wait3A_209 : memref<10240x64xf32, #tpu.memory_space<vmem_shared>>)
        tpu.yield
      }) : () -> ()
      %add3A_113 = arith.constant 5 : i32
      %add3A_114 = arith.addi %add3A_100, %add3A_113 : i32
      %lt3A_115 = arith.constant 160 : i32
      %lt3A_116 = arith.cmpi slt, %add3A_114, %lt3A_115 : i32
      %convert_element_type3A_117 = arith.extui %lt3A_116 : i1 to i32
      %cond3A_118 = arith.constant 0 : i32
      %cond3A_119 = arith.cmpi ne, %convert_element_type3A_117, %cond3A_118 : i32
      scf.if %cond3A_119 {
        %dma_start3A_189 = arith.constant 1 : i32
        %dma_start3A_190 = arith.constant 0 : i32
        %dma_start3A_191 = arith.constant 0 : i32
        %dma_start3A_192 = tpu.memref_slice %arg8[%dma_start3A_189, %dma_start3A_190, %dma_start3A_191] : memref<5x128x64xf32, #tpu.memory_space<vmem>> -> memref<1x128x64xf32, #tpu.memory_space<vmem>>
        %dma_start3A_193 = tpu.memref_squeeze %dma_start3A_192 : memref<1x128x64xf32, #tpu.memory_space<vmem>> -> memref<128x64xf32, #tpu.memory_space<vmem>>
        %dma_start3A_194 = arith.constant 0 : i32
        %dma_start3A_195 = tpu.memref_slice %arg6[%add3A_114, %dma_start3A_194] : memref<160x128xi32, #tpu.memory_space<vmem>> -> memref<1x128xi32, #tpu.memory_space<vmem>>
        %dma_start3A_196 = tpu.memref_squeeze %dma_start3A_195 : memref<1x128xi32, #tpu.memory_space<vmem>> -> memref<128xi32, #tpu.memory_space<vmem>>
        %dma_start3A_197 = arith.constant 0 : i32
        %dma_start3A_198 = arith.constant 0 : i32
        %dma_start3A_199 = tpu.memref_slice %arg2[%dma_start3A_197, %dma_start3A_198] : memref<20480x64xf32, #tpu.memory_space<hbm>> -> memref<20480x64xf32, #tpu.memory_space<hbm>>
        tpu.enqueue_indirect_dma source(%dma_start3A_199 : memref<20480x64xf32, #tpu.memory_space<hbm>>) target(%dma_start3A_193 : memref<128x64xf32, #tpu.memory_space<vmem>>) offsets(%dma_start3A_196 : memref<128xi32, #tpu.memory_space<vmem>>) semaphore(%arg11 : memref<!tpu.dma_semaphore, #tpu.memory_space<semaphore_mem>>)
      } else {
      }
      %mul3A_120 = arith.constant 5 : i32
      %mul3A_121 = arith.muli %scan3A_79, %mul3A_120 : i32
      %add3A_122 = arith.constant 2 : i32
      %add3A_123 = arith.addi %mul3A_121, %add3A_122 : i32
      %dma_wait3A_124 = arith.constant 2 : i32
      %dma_wait3A_125 = arith.constant 0 : i32
      %dma_wait3A_126 = arith.constant 0 : i32
      %dma_wait3A_127 = tpu.memref_slice %arg8[%dma_wait3A_124, %dma_wait3A_125, %dma_wait3A_126] : memref<5x128x64xf32, #tpu.memory_space<vmem>> -> memref<1x128x64xf32, #tpu.memory_space<vmem>>
      %dma_wait3A_128 = tpu.memref_squeeze %dma_wait3A_127 : memref<1x128x64xf32, #tpu.memory_space<vmem>> -> memref<128x64xf32, #tpu.memory_space<vmem>>
      %dma_wait3A_129 = arith.constant 0 : i32
      %dma_wait3A_130 = tpu.memref_slice %arg6[%add3A_123, %dma_wait3A_129] : memref<160x128xi32, #tpu.memory_space<vmem>> -> memref<1x128xi32, #tpu.memory_space<vmem>>
      %dma_wait3A_131 = tpu.memref_squeeze %dma_wait3A_130 : memref<1x128xi32, #tpu.memory_space<vmem>> -> memref<128xi32, #tpu.memory_space<vmem>>
      %dma_wait3A_132 = arith.constant 0 : i32
      %dma_wait3A_133 = arith.constant 0 : i32
      %dma_wait3A_134 = tpu.memref_slice %arg2[%dma_wait3A_132, %dma_wait3A_133] : memref<20480x64xf32, #tpu.memory_space<hbm>> -> memref<20480x64xf32, #tpu.memory_space<hbm>>
      tpu.wait_indirect_dma semaphore(%arg12 : memref<!tpu.dma_semaphore, #tpu.memory_space<semaphore_mem>>) src(%dma_wait3A_134 : memref<20480x64xf32, #tpu.memory_space<hbm>>) dst(%dma_wait3A_128 : memref<128x64xf32, #tpu.memory_space<vmem>>)
      %run_scoped3A_135 = arith.constant 2 : i32
      "tpu.region"() ({
        %run_scoped3A_189 = tpu.sem_alloc : memref<!tpu.dma_semaphore, #tpu.memory_space<semaphore_mem>>
        %dma_start3A_190 = arith.constant 0 : i32
        %dma_start3A_191 = arith.constant 0 : i32
        %dma_start3A_192 = tpu.memref_slice %arg8[%run_scoped3A_135, %dma_start3A_190, %dma_start3A_191] : memref<5x128x64xf32, #tpu.memory_space<vmem>> -> memref<1x128x64xf32, #tpu.memory_space<vmem>>
        %dma_start3A_193 = tpu.memref_squeeze %dma_start3A_192 : memref<1x128x64xf32, #tpu.memory_space<vmem>> -> memref<128x64xf32, #tpu.memory_space<vmem>>
        %dma_start3A_194 = arith.constant 0 : i32
        %dma_start3A_195 = tpu.memref_slice %arg7[%add3A_123, %dma_start3A_194] : memref<160x128xi32, #tpu.memory_space<vmem>> -> memref<1x128xi32, #tpu.memory_space<vmem>>
        %dma_start3A_196 = tpu.memref_squeeze %dma_start3A_195 : memref<1x128xi32, #tpu.memory_space<vmem>> -> memref<128xi32, #tpu.memory_space<vmem>>
        %dma_start3A_197 = arith.constant 0 : i32
        %dma_start3A_198 = arith.constant 0 : i32
        %dma_start3A_199 = tpu.memref_slice %arg9[%dma_start3A_197, %dma_start3A_198] : memref<10240x64xf32, #tpu.memory_space<vmem_shared>> -> memref<10240x64xf32, #tpu.memory_space<vmem_shared>>
        tpu.enqueue_indirect_dma source(%dma_start3A_193 : memref<128x64xf32, #tpu.memory_space<vmem>>) target(%dma_start3A_199 : memref<10240x64xf32, #tpu.memory_space<vmem_shared>>) offsets(%dma_start3A_196 : memref<128xi32, #tpu.memory_space<vmem>>) semaphore(%run_scoped3A_189 : memref<!tpu.dma_semaphore, #tpu.memory_space<semaphore_mem>>) {add = true}
        %dma_wait3A_200 = arith.constant 0 : i32
        %dma_wait3A_201 = arith.constant 0 : i32
        %dma_wait3A_202 = tpu.memref_slice %arg8[%run_scoped3A_135, %dma_wait3A_200, %dma_wait3A_201] : memref<5x128x64xf32, #tpu.memory_space<vmem>> -> memref<1x128x64xf32, #tpu.memory_space<vmem>>
        %dma_wait3A_203 = tpu.memref_squeeze %dma_wait3A_202 : memref<1x128x64xf32, #tpu.memory_space<vmem>> -> memref<128x64xf32, #tpu.memory_space<vmem>>
        %dma_wait3A_204 = arith.constant 0 : i32
        %dma_wait3A_205 = tpu.memref_slice %arg7[%add3A_123, %dma_wait3A_204] : memref<160x128xi32, #tpu.memory_space<vmem>> -> memref<1x128xi32, #tpu.memory_space<vmem>>
        %dma_wait3A_206 = tpu.memref_squeeze %dma_wait3A_205 : memref<1x128xi32, #tpu.memory_space<vmem>> -> memref<128xi32, #tpu.memory_space<vmem>>
        %dma_wait3A_207 = arith.constant 0 : i32
        %dma_wait3A_208 = arith.constant 0 : i32
        %dma_wait3A_209 = tpu.memref_slice %arg9[%dma_wait3A_207, %dma_wait3A_208] : memref<10240x64xf32, #tpu.memory_space<vmem_shared>> -> memref<10240x64xf32, #tpu.memory_space<vmem_shared>>
        tpu.wait_indirect_dma semaphore(%run_scoped3A_189 : memref<!tpu.dma_semaphore, #tpu.memory_space<semaphore_mem>>) src(%dma_wait3A_203 : memref<128x64xf32, #tpu.memory_space<vmem>>) dst(%dma_wait3A_209 : memref<10240x64xf32, #tpu.memory_space<vmem_shared>>)
        tpu.yield
      }) : () -> ()
      %add3A_136 = arith.constant 5 : i32
      %add3A_137 = arith.addi %add3A_123, %add3A_136 : i32
      %lt3A_138 = arith.constant 160 : i32
      %lt3A_139 = arith.cmpi slt, %add3A_137, %lt3A_138 : i32
      %convert_element_type3A_140 = arith.extui %lt3A_139 : i1 to i32
      %cond3A_141 = arith.constant 0 : i32
      %cond3A_142 = arith.cmpi ne, %convert_element_type3A_140, %cond3A_141 : i32
      scf.if %cond3A_142 {
        %dma_start3A_189 = arith.constant 2 : i32
        %dma_start3A_190 = arith.constant 0 : i32
        %dma_start3A_191 = arith.constant 0 : i32
        %dma_start3A_192 = tpu.memref_slice %arg8[%dma_start3A_189, %dma_start3A_190, %dma_start3A_191] : memref<5x128x64xf32, #tpu.memory_space<vmem>> -> memref<1x128x64xf32, #tpu.memory_space<vmem>>
        %dma_start3A_193 = tpu.memref_squeeze %dma_start3A_192 : memref<1x128x64xf32, #tpu.memory_space<vmem>> -> memref<128x64xf32, #tpu.memory_space<vmem>>
        %dma_start3A_194 = arith.constant 0 : i32
        %dma_start3A_195 = tpu.memref_slice %arg6[%add3A_137, %dma_start3A_194] : memref<160x128xi32, #tpu.memory_space<vmem>> -> memref<1x128xi32, #tpu.memory_space<vmem>>
        %dma_start3A_196 = tpu.memref_squeeze %dma_start3A_195 : memref<1x128xi32, #tpu.memory_space<vmem>> -> memref<128xi32, #tpu.memory_space<vmem>>
        %dma_start3A_197 = arith.constant 0 : i32
        %dma_start3A_198 = arith.constant 0 : i32
        %dma_start3A_199 = tpu.memref_slice %arg2[%dma_start3A_197, %dma_start3A_198] : memref<20480x64xf32, #tpu.memory_space<hbm>> -> memref<20480x64xf32, #tpu.memory_space<hbm>>
        tpu.enqueue_indirect_dma source(%dma_start3A_199 : memref<20480x64xf32, #tpu.memory_space<hbm>>) target(%dma_start3A_193 : memref<128x64xf32, #tpu.memory_space<vmem>>) offsets(%dma_start3A_196 : memref<128xi32, #tpu.memory_space<vmem>>) semaphore(%arg12 : memref<!tpu.dma_semaphore, #tpu.memory_space<semaphore_mem>>)
      } else {
      }
      %mul3A_143 = arith.constant 5 : i32
      %mul3A_144 = arith.muli %scan3A_79, %mul3A_143 : i32
      %add3A_145 = arith.constant 3 : i32
      %add3A_146 = arith.addi %mul3A_144, %add3A_145 : i32
      %dma_wait3A_147 = arith.constant 3 : i32
      %dma_wait3A_148 = arith.constant 0 : i32
      %dma_wait3A_149 = arith.constant 0 : i32
      %dma_wait3A_150 = tpu.memref_slice %arg8[%dma_wait3A_147, %dma_wait3A_148, %dma_wait3A_149] : memref<5x128x64xf32, #tpu.memory_space<vmem>> -> memref<1x128x64xf32, #tpu.memory_space<vmem>>
      %dma_wait3A_151 = tpu.memref_squeeze %dma_wait3A_150 : memref<1x128x64xf32, #tpu.memory_space<vmem>> -> memref<128x64xf32, #tpu.memory_space<vmem>>
      %dma_wait3A_152 = arith.constant 0 : i32
      %dma_wait3A_153 = tpu.memref_slice %arg6[%add3A_146, %dma_wait3A_152] : memref<160x128xi32, #tpu.memory_space<vmem>> -> memref<1x128xi32, #tpu.memory_space<vmem>>
      %dma_wait3A_154 = tpu.memref_squeeze %dma_wait3A_153 : memref<1x128xi32, #tpu.memory_space<vmem>> -> memref<128xi32, #tpu.memory_space<vmem>>
      %dma_wait3A_155 = arith.constant 0 : i32
      %dma_wait3A_156 = arith.constant 0 : i32
      %dma_wait3A_157 = tpu.memref_slice %arg2[%dma_wait3A_155, %dma_wait3A_156] : memref<20480x64xf32, #tpu.memory_space<hbm>> -> memref<20480x64xf32, #tpu.memory_space<hbm>>
      tpu.wait_indirect_dma semaphore(%arg13 : memref<!tpu.dma_semaphore, #tpu.memory_space<semaphore_mem>>) src(%dma_wait3A_157 : memref<20480x64xf32, #tpu.memory_space<hbm>>) dst(%dma_wait3A_151 : memref<128x64xf32, #tpu.memory_space<vmem>>)
      %run_scoped3A_158 = arith.constant 3 : i32
      "tpu.region"() ({
        %run_scoped3A_189 = tpu.sem_alloc : memref<!tpu.dma_semaphore, #tpu.memory_space<semaphore_mem>>
        %dma_start3A_190 = arith.constant 0 : i32
        %dma_start3A_191 = arith.constant 0 : i32
        %dma_start3A_192 = tpu.memref_slice %arg8[%run_scoped3A_158, %dma_start3A_190, %dma_start3A_191] : memref<5x128x64xf32, #tpu.memory_space<vmem>> -> memref<1x128x64xf32, #tpu.memory_space<vmem>>
        %dma_start3A_193 = tpu.memref_squeeze %dma_start3A_192 : memref<1x128x64xf32, #tpu.memory_space<vmem>> -> memref<128x64xf32, #tpu.memory_space<vmem>>
        %dma_start3A_194 = arith.constant 0 : i32
        %dma_start3A_195 = tpu.memref_slice %arg7[%add3A_146, %dma_start3A_194] : memref<160x128xi32, #tpu.memory_space<vmem>> -> memref<1x128xi32, #tpu.memory_space<vmem>>
        %dma_start3A_196 = tpu.memref_squeeze %dma_start3A_195 : memref<1x128xi32, #tpu.memory_space<vmem>> -> memref<128xi32, #tpu.memory_space<vmem>>
        %dma_start3A_197 = arith.constant 0 : i32
        %dma_start3A_198 = arith.constant 0 : i32
        %dma_start3A_199 = tpu.memref_slice %arg9[%dma_start3A_197, %dma_start3A_198] : memref<10240x64xf32, #tpu.memory_space<vmem_shared>> -> memref<10240x64xf32, #tpu.memory_space<vmem_shared>>
        tpu.enqueue_indirect_dma source(%dma_start3A_193 : memref<128x64xf32, #tpu.memory_space<vmem>>) target(%dma_start3A_199 : memref<10240x64xf32, #tpu.memory_space<vmem_shared>>) offsets(%dma_start3A_196 : memref<128xi32, #tpu.memory_space<vmem>>) semaphore(%run_scoped3A_189 : memref<!tpu.dma_semaphore, #tpu.memory_space<semaphore_mem>>) {add = true}
        %dma_wait3A_200 = arith.constant 0 : i32
        %dma_wait3A_201 = arith.constant 0 : i32
        %dma_wait3A_202 = tpu.memref_slice %arg8[%run_scoped3A_158, %dma_wait3A_200, %dma_wait3A_201] : memref<5x128x64xf32, #tpu.memory_space<vmem>> -> memref<1x128x64xf32, #tpu.memory_space<vmem>>
        %dma_wait3A_203 = tpu.memref_squeeze %dma_wait3A_202 : memref<1x128x64xf32, #tpu.memory_space<vmem>> -> memref<128x64xf32, #tpu.memory_space<vmem>>
        %dma_wait3A_204 = arith.constant 0 : i32
        %dma_wait3A_205 = tpu.memref_slice %arg7[%add3A_146, %dma_wait3A_204] : memref<160x128xi32, #tpu.memory_space<vmem>> -> memref<1x128xi32, #tpu.memory_space<vmem>>
        %dma_wait3A_206 = tpu.memref_squeeze %dma_wait3A_205 : memref<1x128xi32, #tpu.memory_space<vmem>> -> memref<128xi32, #tpu.memory_space<vmem>>
        %dma_wait3A_207 = arith.constant 0 : i32
        %dma_wait3A_208 = arith.constant 0 : i32
        %dma_wait3A_209 = tpu.memref_slice %arg9[%dma_wait3A_207, %dma_wait3A_208] : memref<10240x64xf32, #tpu.memory_space<vmem_shared>> -> memref<10240x64xf32, #tpu.memory_space<vmem_shared>>
        tpu.wait_indirect_dma semaphore(%run_scoped3A_189 : memref<!tpu.dma_semaphore, #tpu.memory_space<semaphore_mem>>) src(%dma_wait3A_203 : memref<128x64xf32, #tpu.memory_space<vmem>>) dst(%dma_wait3A_209 : memref<10240x64xf32, #tpu.memory_space<vmem_shared>>)
        tpu.yield
      }) : () -> ()
      %add3A_159 = arith.constant 5 : i32
      %add3A_160 = arith.addi %add3A_146, %add3A_159 : i32
      %lt3A_161 = arith.constant 160 : i32
      %lt3A_162 = arith.cmpi slt, %add3A_160, %lt3A_161 : i32
      %convert_element_type3A_163 = arith.extui %lt3A_162 : i1 to i32
      %cond3A_164 = arith.constant 0 : i32
      %cond3A_165 = arith.cmpi ne, %convert_element_type3A_163, %cond3A_164 : i32
      scf.if %cond3A_165 {
        %dma_start3A_189 = arith.constant 3 : i32
        %dma_start3A_190 = arith.constant 0 : i32
        %dma_start3A_191 = arith.constant 0 : i32
        %dma_start3A_192 = tpu.memref_slice %arg8[%dma_start3A_189, %dma_start3A_190, %dma_start3A_191] : memref<5x128x64xf32, #tpu.memory_space<vmem>> -> memref<1x128x64xf32, #tpu.memory_space<vmem>>
        %dma_start3A_193 = tpu.memref_squeeze %dma_start3A_192 : memref<1x128x64xf32, #tpu.memory_space<vmem>> -> memref<128x64xf32, #tpu.memory_space<vmem>>
        %dma_start3A_194 = arith.constant 0 : i32
        %dma_start3A_195 = tpu.memref_slice %arg6[%add3A_160, %dma_start3A_194] : memref<160x128xi32, #tpu.memory_space<vmem>> -> memref<1x128xi32, #tpu.memory_space<vmem>>
        %dma_start3A_196 = tpu.memref_squeeze %dma_start3A_195 : memref<1x128xi32, #tpu.memory_space<vmem>> -> memref<128xi32, #tpu.memory_space<vmem>>
        %dma_start3A_197 = arith.constant 0 : i32
        %dma_start3A_198 = arith.constant 0 : i32
        %dma_start3A_199 = tpu.memref_slice %arg2[%dma_start3A_197, %dma_start3A_198] : memref<20480x64xf32, #tpu.memory_space<hbm>> -> memref<20480x64xf32, #tpu.memory_space<hbm>>
        tpu.enqueue_indirect_dma source(%dma_start3A_199 : memref<20480x64xf32, #tpu.memory_space<hbm>>) target(%dma_start3A_193 : memref<128x64xf32, #tpu.memory_space<vmem>>) offsets(%dma_start3A_196 : memref<128xi32, #tpu.memory_space<vmem>>) semaphore(%arg13 : memref<!tpu.dma_semaphore, #tpu.memory_space<semaphore_mem>>)
      } else {
      }
      %mul3A_166 = arith.constant 5 : i32
      %mul3A_167 = arith.muli %scan3A_79, %mul3A_166 : i32
      %add3A_168 = arith.constant 4 : i32
      %add3A_169 = arith.addi %mul3A_167, %add3A_168 : i32
      %dma_wait3A_170 = arith.constant 4 : i32
      %dma_wait3A_171 = arith.constant 0 : i32
      %dma_wait3A_172 = arith.constant 0 : i32
      %dma_wait3A_173 = tpu.memref_slice %arg8[%dma_wait3A_170, %dma_wait3A_171, %dma_wait3A_172] : memref<5x128x64xf32, #tpu.memory_space<vmem>> -> memref<1x128x64xf32, #tpu.memory_space<vmem>>
      %dma_wait3A_174 = tpu.memref_squeeze %dma_wait3A_173 : memref<1x128x64xf32, #tpu.memory_space<vmem>> -> memref<128x64xf32, #tpu.memory_space<vmem>>
      %dma_wait3A_175 = arith.constant 0 : i32
      %dma_wait3A_176 = tpu.memref_slice %arg6[%add3A_169, %dma_wait3A_175] : memref<160x128xi32, #tpu.memory_space<vmem>> -> memref<1x128xi32, #tpu.memory_space<vmem>>
      %dma_wait3A_177 = tpu.memref_squeeze %dma_wait3A_176 : memref<1x128xi32, #tpu.memory_space<vmem>> -> memref<128xi32, #tpu.memory_space<vmem>>
      %dma_wait3A_178 = arith.constant 0 : i32
      %dma_wait3A_179 = arith.constant 0 : i32
      %dma_wait3A_180 = tpu.memref_slice %arg2[%dma_wait3A_178, %dma_wait3A_179] : memref<20480x64xf32, #tpu.memory_space<hbm>> -> memref<20480x64xf32, #tpu.memory_space<hbm>>
      tpu.wait_indirect_dma semaphore(%arg14 : memref<!tpu.dma_semaphore, #tpu.memory_space<semaphore_mem>>) src(%dma_wait3A_180 : memref<20480x64xf32, #tpu.memory_space<hbm>>) dst(%dma_wait3A_174 : memref<128x64xf32, #tpu.memory_space<vmem>>)
      %run_scoped3A_181 = arith.constant 4 : i32
      "tpu.region"() ({
        %run_scoped3A_189 = tpu.sem_alloc : memref<!tpu.dma_semaphore, #tpu.memory_space<semaphore_mem>>
        %dma_start3A_190 = arith.constant 0 : i32
        %dma_start3A_191 = arith.constant 0 : i32
        %dma_start3A_192 = tpu.memref_slice %arg8[%run_scoped3A_181, %dma_start3A_190, %dma_start3A_191] : memref<5x128x64xf32, #tpu.memory_space<vmem>> -> memref<1x128x64xf32, #tpu.memory_space<vmem>>
        %dma_start3A_193 = tpu.memref_squeeze %dma_start3A_192 : memref<1x128x64xf32, #tpu.memory_space<vmem>> -> memref<128x64xf32, #tpu.memory_space<vmem>>
        %dma_start3A_194 = arith.constant 0 : i32
        %dma_start3A_195 = tpu.memref_slice %arg7[%add3A_169, %dma_start3A_194] : memref<160x128xi32, #tpu.memory_space<vmem>> -> memref<1x128xi32, #tpu.memory_space<vmem>>
        %dma_start3A_196 = tpu.memref_squeeze %dma_start3A_195 : memref<1x128xi32, #tpu.memory_space<vmem>> -> memref<128xi32, #tpu.memory_space<vmem>>
        %dma_start3A_197 = arith.constant 0 : i32
        %dma_start3A_198 = arith.constant 0 : i32
        %dma_start3A_199 = tpu.memref_slice %arg9[%dma_start3A_197, %dma_start3A_198] : memref<10240x64xf32, #tpu.memory_space<vmem_shared>> -> memref<10240x64xf32, #tpu.memory_space<vmem_shared>>
        tpu.enqueue_indirect_dma source(%dma_start3A_193 : memref<128x64xf32, #tpu.memory_space<vmem>>) target(%dma_start3A_199 : memref<10240x64xf32, #tpu.memory_space<vmem_shared>>) offsets(%dma_start3A_196 : memref<128xi32, #tpu.memory_space<vmem>>) semaphore(%run_scoped3A_189 : memref<!tpu.dma_semaphore, #tpu.memory_space<semaphore_mem>>) {add = true}
        %dma_wait3A_200 = arith.constant 0 : i32
        %dma_wait3A_201 = arith.constant 0 : i32
        %dma_wait3A_202 = tpu.memref_slice %arg8[%run_scoped3A_181, %dma_wait3A_200, %dma_wait3A_201] : memref<5x128x64xf32, #tpu.memory_space<vmem>> -> memref<1x128x64xf32, #tpu.memory_space<vmem>>
        %dma_wait3A_203 = tpu.memref_squeeze %dma_wait3A_202 : memref<1x128x64xf32, #tpu.memory_space<vmem>> -> memref<128x64xf32, #tpu.memory_space<vmem>>
        %dma_wait3A_204 = arith.constant 0 : i32
        %dma_wait3A_205 = tpu.memref_slice %arg7[%add3A_169, %dma_wait3A_204] : memref<160x128xi32, #tpu.memory_space<vmem>> -> memref<1x128xi32, #tpu.memory_space<vmem>>
        %dma_wait3A_206 = tpu.memref_squeeze %dma_wait3A_205 : memref<1x128xi32, #tpu.memory_space<vmem>> -> memref<128xi32, #tpu.memory_space<vmem>>
        %dma_wait3A_207 = arith.constant 0 : i32
        %dma_wait3A_208 = arith.constant 0 : i32
        %dma_wait3A_209 = tpu.memref_slice %arg9[%dma_wait3A_207, %dma_wait3A_208] : memref<10240x64xf32, #tpu.memory_space<vmem_shared>> -> memref<10240x64xf32, #tpu.memory_space<vmem_shared>>
        tpu.wait_indirect_dma semaphore(%run_scoped3A_189 : memref<!tpu.dma_semaphore, #tpu.memory_space<semaphore_mem>>) src(%dma_wait3A_203 : memref<128x64xf32, #tpu.memory_space<vmem>>) dst(%dma_wait3A_209 : memref<10240x64xf32, #tpu.memory_space<vmem_shared>>)
        tpu.yield
      }) : () -> ()
      %add3A_182 = arith.constant 5 : i32
      %add3A_183 = arith.addi %add3A_169, %add3A_182 : i32
      %lt3A_184 = arith.constant 160 : i32
      %lt3A_185 = arith.cmpi slt, %add3A_183, %lt3A_184 : i32
      %convert_element_type3A_186 = arith.extui %lt3A_185 : i1 to i32
      %cond3A_187 = arith.constant 0 : i32
      %cond3A_188 = arith.cmpi ne, %convert_element_type3A_186, %cond3A_187 : i32
      scf.if %cond3A_188 {
        %dma_start3A_189 = arith.constant 4 : i32
        %dma_start3A_190 = arith.constant 0 : i32
        %dma_start3A_191 = arith.constant 0 : i32
        %dma_start3A_192 = tpu.memref_slice %arg8[%dma_start3A_189, %dma_start3A_190, %dma_start3A_191] : memref<5x128x64xf32, #tpu.memory_space<vmem>> -> memref<1x128x64xf32, #tpu.memory_space<vmem>>
        %dma_start3A_193 = tpu.memref_squeeze %dma_start3A_192 : memref<1x128x64xf32, #tpu.memory_space<vmem>> -> memref<128x64xf32, #tpu.memory_space<vmem>>
        %dma_start3A_194 = arith.constant 0 : i32
        %dma_start3A_195 = tpu.memref_slice %arg6[%add3A_183, %dma_start3A_194] : memref<160x128xi32, #tpu.memory_space<vmem>> -> memref<1x128xi32, #tpu.memory_space<vmem>>
        %dma_start3A_196 = tpu.memref_squeeze %dma_start3A_195 : memref<1x128xi32, #tpu.memory_space<vmem>> -> memref<128xi32, #tpu.memory_space<vmem>>
        %dma_start3A_197 = arith.constant 0 : i32
        %dma_start3A_198 = arith.constant 0 : i32
        %dma_start3A_199 = tpu.memref_slice %arg2[%dma_start3A_197, %dma_start3A_198] : memref<20480x64xf32, #tpu.memory_space<hbm>> -> memref<20480x64xf32, #tpu.memory_space<hbm>>
        tpu.enqueue_indirect_dma source(%dma_start3A_199 : memref<20480x64xf32, #tpu.memory_space<hbm>>) target(%dma_start3A_193 : memref<128x64xf32, #tpu.memory_space<vmem>>) offsets(%dma_start3A_196 : memref<128xi32, #tpu.memory_space<vmem>>) semaphore(%arg14 : memref<!tpu.dma_semaphore, #tpu.memory_space<semaphore_mem>>)
      } else {
      }
    }
    %scan3A_77 = arith.constant 32 : i32
    %barrier3A_78 = arith.constant 0 : index
    tpu.barrier barrier_id(%barrier3A_78)
    "tpu.region"() ({
      %run_scoped3A = tpu.sem_alloc : memref<!tpu.dma_semaphore, #tpu.memory_space<semaphore_mem>>
      %dma_start3A_79 = arith.constant 0 : i32
      %dma_start3A_80 = tpu.memref_slice %arg5[%arg0, %mul3A_6, %dma_start3A_79] : memref<2x10240x64xf32, #tpu.memory_space<hbm>> -> memref<1x640x64xf32, #tpu.memory_space<hbm>>
      %dma_start3A_81 = tpu.memref_squeeze %dma_start3A_80 : memref<1x640x64xf32, #tpu.memory_space<hbm>> -> memref<640x64xf32, #tpu.memory_space<hbm>>
      %dma_start3A_82 = arith.constant 0 : i32
      %dma_start3A_83 = tpu.memref_slice %arg9[%mul3A_6, %dma_start3A_82] : memref<10240x64xf32, #tpu.memory_space<vmem_shared>> -> memref<640x64xf32, #tpu.memory_space<vmem_shared>>
      tpu.enqueue_dma source(%dma_start3A_83 : memref<640x64xf32, #tpu.memory_space<vmem_shared>>) target(%dma_start3A_81 : memref<640x64xf32, #tpu.memory_space<hbm>>) target_semaphore(%run_scoped3A : memref<!tpu.dma_semaphore, #tpu.memory_space<semaphore_mem>>)
      %dma_wait3A = arith.constant 0 : i32
      %dma_wait3A_84 = tpu.memref_slice %arg5[%arg0, %mul3A_6, %dma_wait3A] : memref<2x10240x64xf32, #tpu.memory_space<hbm>> -> memref<1x640x64xf32, #tpu.memory_space<hbm>>
      %dma_wait3A_85 = tpu.memref_squeeze %dma_wait3A_84 : memref<1x640x64xf32, #tpu.memory_space<hbm>> -> memref<640x64xf32, #tpu.memory_space<hbm>>
      %dma_wait3A_86 = arith.constant 0 : i32
      %dma_wait3A_87 = tpu.memref_slice %arg9[%mul3A_6, %dma_wait3A_86] : memref<10240x64xf32, #tpu.memory_space<vmem_shared>> -> memref<640x64xf32, #tpu.memory_space<vmem_shared>>
      tpu.wait_dma2 semaphore(%run_scoped3A : memref<!tpu.dma_semaphore, #tpu.memory_space<semaphore_mem>>) src(%dma_wait3A_87 : memref<640x64xf32, #tpu.memory_space<vmem_shared>>) dst(%dma_wait3A_85 : memref<640x64xf32, #tpu.memory_space<hbm>>)
      tpu.yield
    }) : () -> ()
    return
  }
}

module attributes {stable_mosaic.version = 14 : i64} {
  func.func @_tc_init_body(%arg0: i32, %arg1: memref<1280x128xf32, #tpu.memory_space<vmem>>, %arg2: memref<128x128xf32, #tpu.memory_space<vmem>>, %arg3: memref<128x128xf32, #tpu.memory_space<vmem>>, %arg4: memref<1280x128xf32, #tpu.memory_space<vmem>>, %arg5: memref<2x1280x64xf32, #tpu.memory_space<vmem>>) attributes {dimension_semantics = [#tpu.dimension_semantics<arbitrary>], iteration_bounds = array<i64: 8>, scalar_prefetch = 0 : i64, scratch_operands = 0 : i64, tpu.core_type = #tpu.core_type<tc>, window_params = [{transform_indices = @transform_0, window_bounds = array<i64: 1280, 128>}, {pipeline_mode = #tpu.pipeline_mode<synchronous>, transform_indices = @transform_1, window_bounds = array<i64: 128, 128>}, {pipeline_mode = #tpu.pipeline_mode<synchronous>, transform_indices = @transform_2, window_bounds = array<i64: 128, 128>}, {transform_indices = @transform_3, window_bounds = array<i64: 1280, 128>}, {transform_indices = @transform_4, window_bounds = array<i64: 2, 1280, 64>}]} {
    %get3A = arith.constant 0 : index
    %get3A_0 = arith.constant 0 : index
    %get3A_1 = vector.load %arg1[%get3A, %get3A_0] : memref<1280x128xf32, #tpu.memory_space<vmem>>, vector<1280x128xf32>
    %get3A_2 = arith.constant 0 : index
    %get3A_3 = arith.constant 0 : index
    %get3A_4 = vector.load %arg2[%get3A_2, %get3A_3] : memref<128x128xf32, #tpu.memory_space<vmem>>, vector<128x128xf32>
    %dot_general3A = arith.constant dense<0.000000e+00> : vector<1280x128xf32>
    %dot_general3A_5 = tpu.matmul %get3A_1, %get3A_4, %dot_general3A {dimension_numbers = #tpu.dot_dimension_numbers<[1], [0], [0], [1], [0, 0, 1, 1], [], []>, transpose_lhs_hint = false} : vector<1280x128xf32>, vector<128x128xf32>, vector<1280x128xf32> -> vector<1280x128xf32>
    %logistic3A = arith.negf %dot_general3A_5 : vector<1280x128xf32>
    %logistic3A_6 = math.exp %logistic3A : vector<1280x128xf32>
    %logistic3A_7 = arith.constant 1.000000e+00 : f32
    %logistic3A_8 = vector.broadcast %logistic3A_7 : f32 to vector<1280x128xf32>
    %logistic3A_9 = arith.addf %logistic3A_8, %logistic3A_6 : vector<1280x128xf32>
    %logistic3A_10 = arith.divf %logistic3A_8, %logistic3A_9 : vector<1280x128xf32>
    %swap3A = arith.constant 0 : index
    %swap3A_11 = arith.constant 0 : index
    %swap3A_12 = vector.load %arg4[%swap3A, %swap3A_11] : memref<1280x128xf32, #tpu.memory_space<vmem>>, vector<1280x128xf32>
    tpu.vector_store %arg4[%swap3A, %swap3A_11], %logistic3A_10 {strides = array<i32>} : memref<1280x128xf32, #tpu.memory_space<vmem>>, vector<1280x128xf32>,
    %get3A_13 = arith.constant 0 : index
    %get3A_14 = arith.constant 0 : index
    %get3A_15 = vector.load %arg3[%get3A_13, %get3A_14] : memref<128x128xf32, #tpu.memory_space<vmem>>, vector<128x128xf32>
    %dot_general3A_16 = arith.constant dense<0.000000e+00> : vector<1280x128xf32>
    %dot_general3A_17 = tpu.matmul %logistic3A_10, %get3A_15, %dot_general3A_16 {dimension_numbers = #tpu.dot_dimension_numbers<[1], [0], [0], [1], [0, 0, 1, 1], [], []>, transpose_lhs_hint = false} : vector<1280x128xf32>, vector<128x128xf32>, vector<1280x128xf32> -> vector<1280x128xf32>
    %slice3A = vector.extract_strided_slice %dot_general3A_17 {offsets = [0, 0], sizes = [1280, 64], strides = [1, 1]} : vector<1280x128xf32> to vector<1280x64xf32>
    %swap3A_18 = arith.constant 0 : index
    %swap3A_19 = arith.constant 0 : index
    %swap3A_20 = arith.constant 0 : index
    %swap3A_21 = vector.load %arg5[%swap3A_18, %swap3A_19, %swap3A_20] : memref<2x1280x64xf32, #tpu.memory_space<vmem>>, vector<1x1280x64xf32>
    %swap3A_22 = vector.shape_cast %swap3A_21 : vector<1x1280x64xf32> to vector<1280x64xf32>
    %swap3A_23 = vector.shape_cast %slice3A : vector<1280x64xf32> to vector<1x1280x64xf32>
    tpu.vector_store %arg5[%swap3A_18, %swap3A_19, %swap3A_20], %swap3A_23 {strides = array<i32>} : memref<2x1280x64xf32, #tpu.memory_space<vmem>>, vector<1x1280x64xf32>,
    %slice3A_24 = vector.extract_strided_slice %dot_general3A_17 {offsets = [0, 64], sizes = [1280, 64], strides = [1, 1]} : vector<1280x128xf32> to vector<1280x64xf32>
    %swap3A_25 = arith.constant 1 : index
    %swap3A_26 = arith.constant 0 : index
    %swap3A_27 = arith.constant 0 : index
    %swap3A_28 = vector.load %arg5[%swap3A_25, %swap3A_26, %swap3A_27] : memref<2x1280x64xf32, #tpu.memory_space<vmem>>, vector<1x1280x64xf32>
    %swap3A_29 = vector.shape_cast %swap3A_28 : vector<1x1280x64xf32> to vector<1280x64xf32>
    %swap3A_30 = vector.shape_cast %slice3A_24 : vector<1280x64xf32> to vector<1x1280x64xf32>
    tpu.vector_store %arg5[%swap3A_25, %swap3A_26, %swap3A_27], %swap3A_30 {strides = array<i32>} : memref<2x1280x64xf32, #tpu.memory_space<vmem>>, vector<1x1280x64xf32>,
    return
  }
  func.func @transform_0(%arg0: i32) -> (i32, i32) {
    %c0_i32 = arith.constant 0 : i32
    %c0_i32_0 = arith.constant 0 : i32
    return %arg0, %c0_i32 : i32, i32
  }
  func.func @transform_1(%arg0: i32) -> (i32, i32) {
    %c0_i32 = arith.constant 0 : i32
    %c0_i32_0 = arith.constant 0 : i32
    %c0_i32_1 = arith.constant 0 : i32
    return %c0_i32, %c0_i32_0 : i32, i32
  }
  func.func @transform_2(%arg0: i32) -> (i32, i32) {
    %c0_i32 = arith.constant 0 : i32
    %c0_i32_0 = arith.constant 0 : i32
    %c0_i32_1 = arith.constant 0 : i32
    return %c0_i32, %c0_i32_0 : i32, i32
  }
  func.func @transform_3(%arg0: i32) -> (i32, i32) {
    %c0_i32 = arith.constant 0 : i32
    %c0_i32_0 = arith.constant 0 : i32
    return %arg0, %c0_i32 : i32, i32
  }
  func.func @transform_4(%arg0: i32) -> (i32, i32, i32) {
    %c0_i32 = arith.constant 0 : i32
    %c0_i32_0 = arith.constant 0 : i32
    %c0_i32_1 = arith.constant 0 : i32
    return %c0_i32, %arg0, %c0_i32_0 : i32, i32, i32
  }
}

module attributes {stable_mosaic.version = 14 : i64} {
  func.func @_tc_gru_body(%arg0: i32, %arg1: memref<2x1280x64xf32, #tpu.memory_space<vmem>>, %arg2: memref<1280x128xf32, #tpu.memory_space<vmem>>, %arg3: memref<128x384xf32, #tpu.memory_space<vmem>>, %arg4: memref<128x384xf32, #tpu.memory_space<vmem>>, %arg5: memref<1x384xf32, #tpu.memory_space<vmem>>, %arg6: memref<1x384xf32, #tpu.memory_space<vmem>>, %arg7: memref<128x128xf32, #tpu.memory_space<vmem>>, %arg8: memref<1280x128xf32, #tpu.memory_space<vmem>>, %arg9: memref<2x1280x64xf32, #tpu.memory_space<vmem>>) attributes {dimension_semantics = [#tpu.dimension_semantics<arbitrary>], iteration_bounds = array<i64: 8>, scalar_prefetch = 0 : i64, scratch_operands = 0 : i64, tpu.core_type = #tpu.core_type<tc>, window_params = [{transform_indices = @transform_0, window_bounds = array<i64: 2, 1280, 64>}, {transform_indices = @transform_1, window_bounds = array<i64: 1280, 128>}, {pipeline_mode = #tpu.pipeline_mode<synchronous>, transform_indices = @transform_2, window_bounds = array<i64: 128, 384>}, {pipeline_mode = #tpu.pipeline_mode<synchronous>, transform_indices = @transform_3, window_bounds = array<i64: 128, 384>}, {pipeline_mode = #tpu.pipeline_mode<synchronous>, transform_indices = @transform_4, window_bounds = array<i64: 1, 384>}, {pipeline_mode = #tpu.pipeline_mode<synchronous>, transform_indices = @transform_5, window_bounds = array<i64: 1, 384>}, {pipeline_mode = #tpu.pipeline_mode<synchronous>, transform_indices = @transform_6, window_bounds = array<i64: 128, 128>}, {transform_indices = @transform_7, window_bounds = array<i64: 1280, 128>}, {transform_indices = @transform_8, window_bounds = array<i64: 2, 1280, 64>}]} {
    %get3A = arith.constant 0 : index
    %get3A_0 = arith.constant 0 : index
    %get3A_1 = arith.constant 0 : index
    %get3A_2 = vector.load %arg1[%get3A, %get3A_0, %get3A_1] : memref<2x1280x64xf32, #tpu.memory_space<vmem>>, vector<1x1280x64xf32>
    %get3A_3 = vector.shape_cast %get3A_2 : vector<1x1280x64xf32> to vector<1280x64xf32>
    %get3A_4 = arith.constant 1 : index
    %get3A_5 = arith.constant 0 : index
    %get3A_6 = arith.constant 0 : index
    %get3A_7 = vector.load %arg1[%get3A_4, %get3A_5, %get3A_6] : memref<2x1280x64xf32, #tpu.memory_space<vmem>>, vector<1x1280x64xf32>
    %get3A_8 = vector.shape_cast %get3A_7 : vector<1x1280x64xf32> to vector<1280x64xf32>
    %concatenate3A = tpu.concatenate %get3A_3, %get3A_8 in 1 : vector<1280x64xf32>, vector<1280x64xf32> -> vector<1280x128xf32>
    %get3A_9 = arith.constant 0 : index
    %get3A_10 = arith.constant 0 : index
    %get3A_11 = vector.load %arg2[%get3A_9, %get3A_10] : memref<1280x128xf32, #tpu.memory_space<vmem>>, vector<1280x128xf32>
    %get3A_12 = arith.constant 0 : index
    %get3A_13 = arith.constant 0 : index
    %get3A_14 = vector.load %arg3[%get3A_12, %get3A_13] : memref<128x384xf32, #tpu.memory_space<vmem>>, vector<128x384xf32>
    %dot_general3A = arith.constant dense<0.000000e+00> : vector<1280x384xf32>
    %dot_general3A_15 = tpu.matmul %concatenate3A, %get3A_14, %dot_general3A {dimension_numbers = #tpu.dot_dimension_numbers<[1], [0], [0], [1], [0, 0, 1, 1], [], []>, transpose_lhs_hint = false} : vector<1280x128xf32>, vector<128x384xf32>, vector<1280x384xf32> -> vector<1280x384xf32>
    %get3A_16 = arith.constant 0 : index
    %get3A_17 = arith.constant 0 : index
    %get3A_18 = vector.load %arg5[%get3A_16, %get3A_17] : memref<1x384xf32, #tpu.memory_space<vmem>>, vector<1x384xf32>
    %add3A = vector.broadcast %get3A_18 : vector<1x384xf32> to vector<1280x384xf32>
    %add3A_19 = arith.addf %dot_general3A_15, %add3A : vector<1280x384xf32>
    %get3A_20 = arith.constant 0 : index
    %get3A_21 = arith.constant 0 : index
    %get3A_22 = vector.load %arg4[%get3A_20, %get3A_21] : memref<128x384xf32, #tpu.memory_space<vmem>>, vector<128x384xf32>
    %dot_general3A_23 = arith.constant dense<0.000000e+00> : vector<1280x384xf32>
    %dot_general3A_24 = tpu.matmul %get3A_11, %get3A_22, %dot_general3A_23 {dimension_numbers = #tpu.dot_dimension_numbers<[1], [0], [0], [1], [0, 0, 1, 1], [], []>, transpose_lhs_hint = false} : vector<1280x128xf32>, vector<128x384xf32>, vector<1280x384xf32> -> vector<1280x384xf32>
    %get3A_25 = arith.constant 0 : index
    %get3A_26 = arith.constant 0 : index
    %get3A_27 = vector.load %arg6[%get3A_25, %get3A_26] : memref<1x384xf32, #tpu.memory_space<vmem>>, vector<1x384xf32>
    %add3A_28 = vector.broadcast %get3A_27 : vector<1x384xf32> to vector<1280x384xf32>
    %add3A_29 = arith.addf %dot_general3A_24, %add3A_28 : vector<1280x384xf32>
    %slice3A = vector.extract_strided_slice %add3A_19 {offsets = [0, 0], sizes = [1280, 128], strides = [1, 1]} : vector<1280x384xf32> to vector<1280x128xf32>
    %slice3A_30 = vector.extract_strided_slice %add3A_29 {offsets = [0, 0], sizes = [1280, 128], strides = [1, 1]} : vector<1280x384xf32> to vector<1280x128xf32>
    %add3A_31 = arith.addf %slice3A, %slice3A_30 : vector<1280x128xf32>
    %logistic3A = arith.negf %add3A_31 : vector<1280x128xf32>
    %logistic3A_32 = math.exp %logistic3A : vector<1280x128xf32>
    %logistic3A_33 = arith.constant 1.000000e+00 : f32
    %logistic3A_34 = vector.broadcast %logistic3A_33 : f32 to vector<1280x128xf32>
    %logistic3A_35 = arith.addf %logistic3A_34, %logistic3A_32 : vector<1280x128xf32>
    %logistic3A_36 = arith.divf %logistic3A_34, %logistic3A_35 : vector<1280x128xf32>
    %slice3A_37 = vector.extract_strided_slice %add3A_19 {offsets = [0, 128], sizes = [1280, 128], strides = [1, 1]} : vector<1280x384xf32> to vector<1280x128xf32>
    %slice3A_38 = vector.extract_strided_slice %add3A_29 {offsets = [0, 128], sizes = [1280, 128], strides = [1, 1]} : vector<1280x384xf32> to vector<1280x128xf32>
    %add3A_39 = arith.addf %slice3A_37, %slice3A_38 : vector<1280x128xf32>
    %logistic3A_40 = arith.negf %add3A_39 : vector<1280x128xf32>
    %logistic3A_41 = math.exp %logistic3A_40 : vector<1280x128xf32>
    %logistic3A_42 = arith.constant 1.000000e+00 : f32
    %logistic3A_43 = vector.broadcast %logistic3A_42 : f32 to vector<1280x128xf32>
    %logistic3A_44 = arith.addf %logistic3A_43, %logistic3A_41 : vector<1280x128xf32>
    %logistic3A_45 = arith.divf %logistic3A_43, %logistic3A_44 : vector<1280x128xf32>
    %slice3A_46 = vector.extract_strided_slice %add3A_19 {offsets = [0, 256], sizes = [1280, 128], strides = [1, 1]} : vector<1280x384xf32> to vector<1280x128xf32>
    %slice3A_47 = vector.extract_strided_slice %add3A_29 {offsets = [0, 256], sizes = [1280, 128], strides = [1, 1]} : vector<1280x384xf32> to vector<1280x128xf32>
    %mul3A = arith.mulf %logistic3A_36, %slice3A_47 : vector<1280x128xf32>
    %add3A_48 = arith.addf %slice3A_46, %mul3A : vector<1280x128xf32>
    %tanh3A = math.tanh %add3A_48 : vector<1280x128xf32>
    %sub3A = arith.constant 1.000000e+00 : f32
    %sub3A_49 = vector.broadcast %sub3A : f32 to vector<1280x128xf32>
    %sub3A_50 = arith.subf %sub3A_49, %logistic3A_45 : vector<1280x128xf32>
    %mul3A_51 = arith.mulf %sub3A_50, %tanh3A : vector<1280x128xf32>
    %mul3A_52 = arith.mulf %logistic3A_45, %get3A_11 : vector<1280x128xf32>
    %add3A_53 = arith.addf %mul3A_51, %mul3A_52 : vector<1280x128xf32>
    %swap3A = arith.constant 0 : index
    %swap3A_54 = arith.constant 0 : index
    %swap3A_55 = vector.load %arg8[%swap3A, %swap3A_54] : memref<1280x128xf32, #tpu.memory_space<vmem>>, vector<1280x128xf32>
    tpu.vector_store %arg8[%swap3A, %swap3A_54], %add3A_53 {strides = array<i32>} : memref<1280x128xf32, #tpu.memory_space<vmem>>, vector<1280x128xf32>,
    %get3A_56 = arith.constant 0 : index
    %get3A_57 = arith.constant 0 : index
    %get3A_58 = vector.load %arg7[%get3A_56, %get3A_57] : memref<128x128xf32, #tpu.memory_space<vmem>>, vector<128x128xf32>
    %dot_general3A_59 = arith.constant dense<0.000000e+00> : vector<1280x128xf32>
    %dot_general3A_60 = tpu.matmul %add3A_53, %get3A_58, %dot_general3A_59 {dimension_numbers = #tpu.dot_dimension_numbers<[1], [0], [0], [1], [0, 0, 1, 1], [], []>, transpose_lhs_hint = false} : vector<1280x128xf32>, vector<128x128xf32>, vector<1280x128xf32> -> vector<1280x128xf32>
    %slice3A_61 = vector.extract_strided_slice %dot_general3A_60 {offsets = [0, 0], sizes = [1280, 64], strides = [1, 1]} : vector<1280x128xf32> to vector<1280x64xf32>
    %swap3A_62 = arith.constant 0 : index
    %swap3A_63 = arith.constant 0 : index
    %swap3A_64 = arith.constant 0 : index
    %swap3A_65 = vector.load %arg9[%swap3A_62, %swap3A_63, %swap3A_64] : memref<2x1280x64xf32, #tpu.memory_space<vmem>>, vector<1x1280x64xf32>
    %swap3A_66 = vector.shape_cast %swap3A_65 : vector<1x1280x64xf32> to vector<1280x64xf32>
    %swap3A_67 = vector.shape_cast %slice3A_61 : vector<1280x64xf32> to vector<1x1280x64xf32>
    tpu.vector_store %arg9[%swap3A_62, %swap3A_63, %swap3A_64], %swap3A_67 {strides = array<i32>} : memref<2x1280x64xf32, #tpu.memory_space<vmem>>, vector<1x1280x64xf32>,
    %slice3A_68 = vector.extract_strided_slice %dot_general3A_60 {offsets = [0, 64], sizes = [1280, 64], strides = [1, 1]} : vector<1280x128xf32> to vector<1280x64xf32>
    %swap3A_69 = arith.constant 1 : index
    %swap3A_70 = arith.constant 0 : index
    %swap3A_71 = arith.constant 0 : index
    %swap3A_72 = vector.load %arg9[%swap3A_69, %swap3A_70, %swap3A_71] : memref<2x1280x64xf32, #tpu.memory_space<vmem>>, vector<1x1280x64xf32>
    %swap3A_73 = vector.shape_cast %swap3A_72 : vector<1x1280x64xf32> to vector<1280x64xf32>
    %swap3A_74 = vector.shape_cast %slice3A_68 : vector<1280x64xf32> to vector<1x1280x64xf32>
    tpu.vector_store %arg9[%swap3A_69, %swap3A_70, %swap3A_71], %swap3A_74 {strides = array<i32>} : memref<2x1280x64xf32, #tpu.memory_space<vmem>>, vector<1x1280x64xf32>,
    return
  }
  func.func @transform_0(%arg0: i32) -> (i32, i32, i32) {
    %c0_i32 = arith.constant 0 : i32
    %c0_i32_0 = arith.constant 0 : i32
    %c0_i32_1 = arith.constant 0 : i32
    return %c0_i32, %arg0, %c0_i32_0 : i32, i32, i32
  }
  func.func @transform_1(%arg0: i32) -> (i32, i32) {
    %c0_i32 = arith.constant 0 : i32
    %c0_i32_0 = arith.constant 0 : i32
    return %arg0, %c0_i32 : i32, i32
  }
  func.func @transform_2(%arg0: i32) -> (i32, i32) {
    %c0_i32 = arith.constant 0 : i32
    %c0_i32_0 = arith.constant 0 : i32
    %c0_i32_1 = arith.constant 0 : i32
    return %c0_i32, %c0_i32_0 : i32, i32
  }
  func.func @transform_3(%arg0: i32) -> (i32, i32) {
    %c0_i32 = arith.constant 0 : i32
    %c0_i32_0 = arith.constant 0 : i32
    %c0_i32_1 = arith.constant 0 : i32
    return %c0_i32, %c0_i32_0 : i32, i32
  }
  func.func @transform_4(%arg0: i32) -> (i32, i32) {
    %c0_i32 = arith.constant 0 : i32
    %c0_i32_0 = arith.constant 0 : i32
    %c0_i32_1 = arith.constant 0 : i32
    return %c0_i32, %c0_i32_0 : i32, i32
  }
  func.func @transform_5(%arg0: i32) -> (i32, i32) {
    %c0_i32 = arith.constant 0 : i32
    %c0_i32_0 = arith.constant 0 : i32
    %c0_i32_1 = arith.constant 0 : i32
    return %c0_i32, %c0_i32_0 : i32, i32
  }
  func.func @transform_6(%arg0: i32) -> (i32, i32) {
    %c0_i32 = arith.constant 0 : i32
    %c0_i32_0 = arith.constant 0 : i32
    %c0_i32_1 = arith.constant 0 : i32
    return %c0_i32, %c0_i32_0 : i32, i32
  }
  func.func @transform_7(%arg0: i32) -> (i32, i32) {
    %c0_i32 = arith.constant 0 : i32
    %c0_i32_0 = arith.constant 0 : i32
    return %arg0, %c0_i32 : i32, i32
  }
  func.func @transform_8(%arg0: i32) -> (i32, i32, i32) {
    %c0_i32 = arith.constant 0 : i32
    %c0_i32_0 = arith.constant 0 : i32
    %c0_i32_1 = arith.constant 0 : i32
    return %c0_i32, %arg0, %c0_i32_0 : i32, i32, i32
  }
}

module attributes {stable_mosaic.version = 14 : i64} {
  func.func @_tc_final_body(%arg0: i32, %arg1: memref<2x1280x64xf32, #tpu.memory_space<vmem>>, %arg2: memref<1280x128xf32, #tpu.memory_space<vmem>>, %arg3: memref<128x384xf32, #tpu.memory_space<vmem>>, %arg4: memref<128x384xf32, #tpu.memory_space<vmem>>, %arg5: memref<1x384xf32, #tpu.memory_space<vmem>>, %arg6: memref<1x384xf32, #tpu.memory_space<vmem>>, %arg7: memref<128x128xf32, #tpu.memory_space<vmem>>, %arg8: memref<1x128xf32, #tpu.memory_space<vmem>>, %arg9: memref<1280x128xf32, #tpu.memory_space<vmem>>) attributes {dimension_semantics = [#tpu.dimension_semantics<arbitrary>], iteration_bounds = array<i64: 8>, scalar_prefetch = 0 : i64, scratch_operands = 0 : i64, tpu.core_type = #tpu.core_type<tc>, window_params = [{transform_indices = @transform_0, window_bounds = array<i64: 2, 1280, 64>}, {transform_indices = @transform_1, window_bounds = array<i64: 1280, 128>}, {pipeline_mode = #tpu.pipeline_mode<synchronous>, transform_indices = @transform_2, window_bounds = array<i64: 128, 384>}, {pipeline_mode = #tpu.pipeline_mode<synchronous>, transform_indices = @transform_3, window_bounds = array<i64: 128, 384>}, {pipeline_mode = #tpu.pipeline_mode<synchronous>, transform_indices = @transform_4, window_bounds = array<i64: 1, 384>}, {pipeline_mode = #tpu.pipeline_mode<synchronous>, transform_indices = @transform_5, window_bounds = array<i64: 1, 384>}, {pipeline_mode = #tpu.pipeline_mode<synchronous>, transform_indices = @transform_6, window_bounds = array<i64: 128, 128>}, {pipeline_mode = #tpu.pipeline_mode<synchronous>, transform_indices = @transform_7, window_bounds = array<i64: 1, 128>}, {transform_indices = @transform_8, window_bounds = array<i64: 1280, 128>}]} {
    %get3A = arith.constant 0 : index
    %get3A_0 = arith.constant 0 : index
    %get3A_1 = arith.constant 0 : index
    %get3A_2 = vector.load %arg1[%get3A, %get3A_0, %get3A_1] : memref<2x1280x64xf32, #tpu.memory_space<vmem>>, vector<1x1280x64xf32>
    %get3A_3 = vector.shape_cast %get3A_2 : vector<1x1280x64xf32> to vector<1280x64xf32>
    %get3A_4 = arith.constant 1 : index
    %get3A_5 = arith.constant 0 : index
    %get3A_6 = arith.constant 0 : index
    %get3A_7 = vector.load %arg1[%get3A_4, %get3A_5, %get3A_6] : memref<2x1280x64xf32, #tpu.memory_space<vmem>>, vector<1x1280x64xf32>
    %get3A_8 = vector.shape_cast %get3A_7 : vector<1x1280x64xf32> to vector<1280x64xf32>
    %concatenate3A = tpu.concatenate %get3A_3, %get3A_8 in 1 : vector<1280x64xf32>, vector<1280x64xf32> -> vector<1280x128xf32>
    %get3A_9 = arith.constant 0 : index
    %get3A_10 = arith.constant 0 : index
    %get3A_11 = vector.load %arg2[%get3A_9, %get3A_10] : memref<1280x128xf32, #tpu.memory_space<vmem>>, vector<1280x128xf32>
    %get3A_12 = arith.constant 0 : index
    %get3A_13 = arith.constant 0 : index
    %get3A_14 = vector.load %arg3[%get3A_12, %get3A_13] : memref<128x384xf32, #tpu.memory_space<vmem>>, vector<128x384xf32>
    %dot_general3A = arith.constant dense<0.000000e+00> : vector<1280x384xf32>
    %dot_general3A_15 = tpu.matmul %concatenate3A, %get3A_14, %dot_general3A {dimension_numbers = #tpu.dot_dimension_numbers<[1], [0], [0], [1], [0, 0, 1, 1], [], []>, transpose_lhs_hint = false} : vector<1280x128xf32>, vector<128x384xf32>, vector<1280x384xf32> -> vector<1280x384xf32>
    %get3A_16 = arith.constant 0 : index
    %get3A_17 = arith.constant 0 : index
    %get3A_18 = vector.load %arg5[%get3A_16, %get3A_17] : memref<1x384xf32, #tpu.memory_space<vmem>>, vector<1x384xf32>
    %add3A = vector.broadcast %get3A_18 : vector<1x384xf32> to vector<1280x384xf32>
    %add3A_19 = arith.addf %dot_general3A_15, %add3A : vector<1280x384xf32>
    %get3A_20 = arith.constant 0 : index
    %get3A_21 = arith.constant 0 : index
    %get3A_22 = vector.load %arg4[%get3A_20, %get3A_21] : memref<128x384xf32, #tpu.memory_space<vmem>>, vector<128x384xf32>
    %dot_general3A_23 = arith.constant dense<0.000000e+00> : vector<1280x384xf32>
    %dot_general3A_24 = tpu.matmul %get3A_11, %get3A_22, %dot_general3A_23 {dimension_numbers = #tpu.dot_dimension_numbers<[1], [0], [0], [1], [0, 0, 1, 1], [], []>, transpose_lhs_hint = false} : vector<1280x128xf32>, vector<128x384xf32>, vector<1280x384xf32> -> vector<1280x384xf32>
    %get3A_25 = arith.constant 0 : index
    %get3A_26 = arith.constant 0 : index
    %get3A_27 = vector.load %arg6[%get3A_25, %get3A_26] : memref<1x384xf32, #tpu.memory_space<vmem>>, vector<1x384xf32>
    %add3A_28 = vector.broadcast %get3A_27 : vector<1x384xf32> to vector<1280x384xf32>
    %add3A_29 = arith.addf %dot_general3A_24, %add3A_28 : vector<1280x384xf32>
    %slice3A = vector.extract_strided_slice %add3A_19 {offsets = [0, 0], sizes = [1280, 128], strides = [1, 1]} : vector<1280x384xf32> to vector<1280x128xf32>
    %slice3A_30 = vector.extract_strided_slice %add3A_29 {offsets = [0, 0], sizes = [1280, 128], strides = [1, 1]} : vector<1280x384xf32> to vector<1280x128xf32>
    %add3A_31 = arith.addf %slice3A, %slice3A_30 : vector<1280x128xf32>
    %logistic3A = arith.negf %add3A_31 : vector<1280x128xf32>
    %logistic3A_32 = math.exp %logistic3A : vector<1280x128xf32>
    %logistic3A_33 = arith.constant 1.000000e+00 : f32
    %logistic3A_34 = vector.broadcast %logistic3A_33 : f32 to vector<1280x128xf32>
    %logistic3A_35 = arith.addf %logistic3A_34, %logistic3A_32 : vector<1280x128xf32>
    %logistic3A_36 = arith.divf %logistic3A_34, %logistic3A_35 : vector<1280x128xf32>
    %slice3A_37 = vector.extract_strided_slice %add3A_19 {offsets = [0, 128], sizes = [1280, 128], strides = [1, 1]} : vector<1280x384xf32> to vector<1280x128xf32>
    %slice3A_38 = vector.extract_strided_slice %add3A_29 {offsets = [0, 128], sizes = [1280, 128], strides = [1, 1]} : vector<1280x384xf32> to vector<1280x128xf32>
    %add3A_39 = arith.addf %slice3A_37, %slice3A_38 : vector<1280x128xf32>
    %logistic3A_40 = arith.negf %add3A_39 : vector<1280x128xf32>
    %logistic3A_41 = math.exp %logistic3A_40 : vector<1280x128xf32>
    %logistic3A_42 = arith.constant 1.000000e+00 : f32
    %logistic3A_43 = vector.broadcast %logistic3A_42 : f32 to vector<1280x128xf32>
    %logistic3A_44 = arith.addf %logistic3A_43, %logistic3A_41 : vector<1280x128xf32>
    %logistic3A_45 = arith.divf %logistic3A_43, %logistic3A_44 : vector<1280x128xf32>
    %slice3A_46 = vector.extract_strided_slice %add3A_19 {offsets = [0, 256], sizes = [1280, 128], strides = [1, 1]} : vector<1280x384xf32> to vector<1280x128xf32>
    %slice3A_47 = vector.extract_strided_slice %add3A_29 {offsets = [0, 256], sizes = [1280, 128], strides = [1, 1]} : vector<1280x384xf32> to vector<1280x128xf32>
    %mul3A = arith.mulf %logistic3A_36, %slice3A_47 : vector<1280x128xf32>
    %add3A_48 = arith.addf %slice3A_46, %mul3A : vector<1280x128xf32>
    %tanh3A = math.tanh %add3A_48 : vector<1280x128xf32>
    %sub3A = arith.constant 1.000000e+00 : f32
    %sub3A_49 = vector.broadcast %sub3A : f32 to vector<1280x128xf32>
    %sub3A_50 = arith.subf %sub3A_49, %logistic3A_45 : vector<1280x128xf32>
    %mul3A_51 = arith.mulf %sub3A_50, %tanh3A : vector<1280x128xf32>
    %mul3A_52 = arith.mulf %logistic3A_45, %get3A_11 : vector<1280x128xf32>
    %add3A_53 = arith.addf %mul3A_51, %mul3A_52 : vector<1280x128xf32>
    %max3A = arith.constant 0.000000e+00 : f32
    %max3A_54 = vector.broadcast %max3A : f32 to vector<1280x128xf32>
    %max3A_55 = arith.maximumf %add3A_53, %max3A_54 : vector<1280x128xf32>
    %get3A_56 = arith.constant 0 : index
    %get3A_57 = arith.constant 0 : index
    %get3A_58 = vector.load %arg7[%get3A_56, %get3A_57] : memref<128x128xf32, #tpu.memory_space<vmem>>, vector<128x128xf32>
    %dot_general3A_59 = arith.constant dense<0.000000e+00> : vector<1280x128xf32>
    %dot_general3A_60 = tpu.matmul %max3A_55, %get3A_58, %dot_general3A_59 {dimension_numbers = #tpu.dot_dimension_numbers<[1], [0], [0], [1], [0, 0, 1, 1], [], []>, transpose_lhs_hint = false} : vector<1280x128xf32>, vector<128x128xf32>, vector<1280x128xf32> -> vector<1280x128xf32>
    %get3A_61 = arith.constant 0 : index
    %get3A_62 = arith.constant 0 : index
    %get3A_63 = vector.load %arg8[%get3A_61, %get3A_62] : memref<1x128xf32, #tpu.memory_space<vmem>>, vector<1x128xf32>
    %add3A_64 = vector.broadcast %get3A_63 : vector<1x128xf32> to vector<1280x128xf32>
    %add3A_65 = arith.addf %dot_general3A_60, %add3A_64 : vector<1280x128xf32>
    %swap3A = arith.constant 0 : index
    %swap3A_66 = arith.constant 0 : index
    %swap3A_67 = vector.load %arg9[%swap3A, %swap3A_66] : memref<1280x128xf32, #tpu.memory_space<vmem>>, vector<1280x128xf32>
    tpu.vector_store %arg9[%swap3A, %swap3A_66], %add3A_65 {strides = array<i32>} : memref<1280x128xf32, #tpu.memory_space<vmem>>, vector<1280x128xf32>,
    return
  }
  func.func @transform_0(%arg0: i32) -> (i32, i32, i32) {
    %c0_i32 = arith.constant 0 : i32
    %c0_i32_0 = arith.constant 0 : i32
    %c0_i32_1 = arith.constant 0 : i32
    return %c0_i32, %arg0, %c0_i32_0 : i32, i32, i32
  }
  func.func @transform_1(%arg0: i32) -> (i32, i32) {
    %c0_i32 = arith.constant 0 : i32
    %c0_i32_0 = arith.constant 0 : i32
    return %arg0, %c0_i32 : i32, i32
  }
  func.func @transform_2(%arg0: i32) -> (i32, i32) {
    %c0_i32 = arith.constant 0 : i32
    %c0_i32_0 = arith.constant 0 : i32
    %c0_i32_1 = arith.constant 0 : i32
    return %c0_i32, %c0_i32_0 : i32, i32
  }
  func.func @transform_3(%arg0: i32) -> (i32, i32) {
    %c0_i32 = arith.constant 0 : i32
    %c0_i32_0 = arith.constant 0 : i32
    %c0_i32_1 = arith.constant 0 : i32
    return %c0_i32, %c0_i32_0 : i32, i32
  }
  func.func @transform_4(%arg0: i32) -> (i32, i32) {
    %c0_i32 = arith.constant 0 : i32
    %c0_i32_0 = arith.constant 0 : i32
    %c0_i32_1 = arith.constant 0 : i32
    return %c0_i32, %c0_i32_0 : i32, i32
  }
  func.func @transform_5(%arg0: i32) -> (i32, i32) {
    %c0_i32 = arith.constant 0 : i32
    %c0_i32_0 = arith.constant 0 : i32
    %c0_i32_1 = arith.constant 0 : i32
    return %c0_i32, %c0_i32_0 : i32, i32
  }
  func.func @transform_6(%arg0: i32) -> (i32, i32) {
    %c0_i32 = arith.constant 0 : i32
    %c0_i32_0 = arith.constant 0 : i32
    %c0_i32_1 = arith.constant 0 : i32
    return %c0_i32, %c0_i32_0 : i32, i32
  }
  func.func @transform_7(%arg0: i32) -> (i32, i32) {
    %c0_i32 = arith.constant 0 : i32
    %c0_i32_0 = arith.constant 0 : i32
    %c0_i32_1 = arith.constant 0 : i32
    return %c0_i32, %c0_i32_0 : i32, i32
  }
  func.func @transform_8(%arg0: i32) -> (i32, i32) {
    %c0_i32 = arith.constant 0 : i32
    %c0_i32_0 = arith.constant 0 : i32
    return %arg0, %c0_i32 : i32, i32
  }
}

</mosaic_0001>

<sc_bundles>
// kernel: kernel.12.cloned.1.call-start
scs
__scs_entry_jumppad:
0x0: {  	(pc) =	sbr.rel $0x88, $3  }
0x1: {  	(tag) =	ssettag $0x0;
	lr =	simm.s32 $0x1  }
0x2: {  	[smem:$0x3F97] =	sst lr;
	_ =	strace $0xD0000000  }
0x3: {  	_ = 	snop  }
0x4: {  	_ = 	snop  }
0x5: {  	_ = 	snop  }
0x6: {  	_ = 	snop  }
0x7: {  	_ = 	snop  }
__scs_overlays_trampoline_lowered:
0x8: {  	[smem:$0x3FA6] =	sst s0  }
0x9: {  	[smem:$0x3FA7] =	sst s1  }
0xa: {  	[smem:$0x3FA8] =	sst s2  }
0xb: {  	[smem:$0x3FA9] =	sst s3  }
0xc: {  	[smem:$0x3FAA] =	sst s4  }
0xd: {  	[smem:$0x3FAB] =	sst s5  }
0xe: {  	[smem:$0x3FAC] =	sst s6  }
0xf: {  	[smem:$0x3FAD] =	sst s7  }
0x10: {  	[smem:$0x3FAE] =	sst s8  }
0x11: {  	[smem:$0x3FAF] =	sst s9;
	s0 =	simm.s32 @!p0 $0x0  }
0x12: {  	s1 =	sld [smem:$0x3F95];
	s0 =	simm.s32 @p0 $0x1  }
0x13: {  	[smem:$0x3FB0] =	sst s0;
	s0 =	simm.s32 @!p1 $0x0  }
0x14: {  	s2 =	sld [smem:$0x3F94];
	s0 =	simm.s32 @p1 $0x1  }
0x15: {  	[smem:$0x3FB1] =	sst s0;
	s0 =	simm.s32 @!p2 $0x0  }
0x16: {  	s3 =	sld [smem:$0x3FDB];
	s0 =	simm.s32 @p2 $0x1  }
0x17: {  	s4 =	simm.s32 $0x1BF5;
	[smem:$0x3FB3] =	sst s0  }
0x18: {  	s0 =	sld [smem:$0x3F96];
	_ =	swait.ge [sflag:s4], $0x0  }
0x19: {  	s7 =	sld [smem:$0x3F97]  }
0x1a: {  	s8 =	sadd.s32 $0xFFFFE003, lr  }
0x1b: {  	s9 =	sadd.s32 $0xFFFFFEF7, lr;
	s5 =	simm.s32 $0xFFFFFFFF;
	p2 =	slt.u32 s8, $0xFFFFF086  }
0x1c: {  	p1 =	slt.u32 s9, $0xF7A;
	s5 =	simm.s32 @!p2 $0x0  }
0x1d: {  	s5 =	simm.s32 @p1 $0x1;
	p0 =	seq.s32 s7, s2  }
0x1e: {  	s7 =	smul.u32 @!p0 $0xF7A, s2;
	p2 =	seq.s32 @!p0 s5, $0x0  }
0x1f: {  	s9 =	smul.u32 $0xF7A, s1;
	s8 =	simm.s32 @!p0 $0x1BF5;
	p2 =	por !p2, p0  }
0x20: {  	[sflag:s8] =	ssyncset.s32 @!p0 $0xFFFFF086;
	s6 =	sadd.s32 @!p0 s3, s7;
	s7 =	simm.s32 @!p0 $0x108  }
0x21: {  	s3 =	sadd.s32 s3, s9;
	s6 =	sadd.s32 @!p0 $0x88, s6;
	s7 =	simm.s32 @p2 $0x1082  }
0x22: {  	[simem:s7], [sflag:s8] =	dma.local @!p0 [hbm:s6], $0xF7A  }
0x23: {  	s9 =	sor.u32 $0xD0000000, s2;
	s6 =	simm.s32 $0x108;
	_ =	swait.ge @!p0 [sflag:s8], $0x0  }
0x24: {  	s3 =	sadd.s32 $0x88, s3;
	s6 =	simm.s32 @!p1 $0x1082;
	[sflag:s4] =	ssyncset.s32 $0xFFFFF086  }
0x25: {  	[simem:s6], [sflag:s4] =	dma.local [hbm:s3], $0xF7A  }
0x26: {  	[smem:$0x3F97] =	sst s1;
	(tag) =	ssettag s2;
	_ =	strace s9  }
0x27: {  	s1 =	sld [smem:$0x3FA7]  }
0x28: {  	s2 =	sld [smem:$0x3FA8]  }
0x29: {  	s4 =	sld [smem:$0x3FAA]  }
0x2a: {  	p0 =	seq.s32 s5, $0x0;
	s5 =	sld [smem:$0x3FAB]  }
0x2b: {  	s6 =	sld [smem:$0x3FAC]  }
0x2c: {  	s7 =	sld [smem:$0x3FAD]  }
0x2d: {  	s3 =	simm.s32 $0x108;
	s8 =	sld [smem:$0x3FAE]  }
0x2e: {  	s3 =	simm.s32 @!p0 $0x1082;
	s9 =	sld [smem:$0x3FAF]  }
0x2f: {  	lr =	sadd.s32 s0, s3;
	s0 =	sld [smem:$0x3FA6]  }
0x30: {  	s3 =	sld [smem:$0x3FA9]  }
0x31: {  	[smem:$0x3FB2] =	sst s10  }
0x32: {  	s10 =	sld [smem:$0x3FB0];
	_ =	sdelay $0x3  }
0x33: {  	p0 =	seq.s32 s10, $0x1;
	s10 =	sld [smem:$0x3FB2];
	_ =	sdelay $0x3  }
0x34: {  	[smem:$0x3FB2] =	sst s10  }
0x35: {  	s10 =	sld [smem:$0x3FB1];
	_ =	sdelay $0x3  }
0x36: {  	p1 =	seq.s32 s10, $0x1;
	s10 =	sld [smem:$0x3FB2];
	_ =	sdelay $0x3  }
0x37: {  	[smem:$0x3FB2] =	sst s10  }
0x38: {  	s10 =	sld [smem:$0x3FB3]  }
0x39: {  	_ = 	snop;
	(pc) =	sbr.ind lr, $3  }
0x3a: {  	_ = 	snop  }
0x3b: {  	_ = 	snop  }
0x3c: {  	p2 =	seq.s32 s10, $0x1;
	s10 =	sld [smem:$0x3FB2]  }
0x3d: {  	_ =	shalt  }
0x3e: {  	_ =	shalt  }
0x3f: {  	_ =	shalt  }
0x40: {  	_ =	shalt  }
0x41: {  	_ =	shalt  }
0x42: {  	_ =	shalt  }
0x43: {  	_ =	shalt  }
0x44: {  	_ =	shalt  }
0x45: {  	_ =	shalt  }
0x46: {  	_ =	shalt  }
0x47: {  	_ =	shalt  }
0x48: {  	_ =	shalt  }
0x49: {  	_ =	shalt  }
0x4a: {  	_ =	shalt  }
0x4b: {  	_ =	shalt  }
0x4c: {  	_ =	shalt  }
0x4d: {  	_ =	shalt  }
0x4e: {  	_ =	shalt  }
0x4f: {  	_ =	shalt  }
0x50: {  	_ =	shalt  }
0x51: {  	_ =	shalt  }
0x52: {  	_ =	shalt  }
0x53: {  	_ =	shalt  }
0x54: {  	_ =	shalt  }
0x55: {  	_ =	shalt  }
0x56: {  	_ =	shalt  }
0x57: {  	_ =	shalt  }
0x58: {  	_ =	shalt  }
0x59: {  	_ =	shalt  }
0x5a: {  	_ =	shalt  }
0x5b: {  	_ =	shalt  }
0x5c: {  	_ =	shalt  }
0x5d: {  	_ =	shalt  }
0x5e: {  	_ =	shalt  }
0x5f: {  	_ =	shalt  }
0x60: {  	_ =	shalt  }
0x61: {  	_ =	shalt  }
0x62: {  	_ =	shalt  }
0x63: {  	_ =	shalt  }
0x64: {  	_ =	shalt  }
0x65: {  	_ =	shalt  }
0x66: {  	_ =	shalt  }
0x67: {  	_ =	shalt  }
0x68: {  	_ =	shalt  }
0x69: {  	_ =	shalt  }
0x6a: {  	_ =	shalt  }
0x6b: {  	_ =	shalt  }
0x6c: {  	_ =	shalt  }
0x6d: {  	_ =	shalt  }
0x6e: {  	_ =	shalt  }
0x6f: {  	_ =	shalt  }
0x70: {  	_ =	shalt  }
0x71: {  	_ =	shalt  }
0x72: {  	_ =	shalt  }
0x73: {  	_ =	shalt  }
0x74: {  	_ =	shalt  }
0x75: {  	_ =	shalt  }
0x76: {  	_ =	shalt  }
0x77: {  	_ =	shalt  }
0x78: {  	_ =	shalt  }
0x79: {  	_ =	shalt  }
0x7a: {  	_ =	shalt  }
0x7b: {  	_ =	shalt  }
0x7c: {  	_ =	shalt  }
0x7d: {  	_ =	shalt  }
0x7e: {  	_ =	shalt  }
0x7f: {  	_ =	shalt  }
0x80: {  	_ =	shalt  }
0x81: {  	_ =	shalt  }
0x82: {  	_ =	shalt  }
0x83: {  	_ =	shalt  }
0x84: {  	_ =	shalt  }
0x85: {  	_ =	shalt  }
0x86: {  	_ =	shalt  }
0x87: {  	_ =	shalt  }
.Lfunc_end0:
.L_simem_size_0:
called_computation.1_lowered:
.L_overlay_start_0:
0x88: {  	s2 =	sld [smem:$0x3FD9]  }
0x89: {  	s3 =	sld [smem:$0x3FFE];
	_ =	sdelay $0x1  }
0x8a: {  	s1 =	srdreg.scid  }
0x8b: {  	s0 =	sand.u32 $0x1, s1  }
0x8c: {  	s16 =	sshll.u32 s0, $0xA;
	s2 =	sadd.s32 s3, s2  }
0x8d: {  	s2 =	sadd.s32 s2, s16  }
0x8e: {  	[smem:$0x3FBE] =	sst s2  }
0x8f: {  	_ = 	snop  }
0x90: {  	(tm) =	ssettm $0x1  }
0x91: {  	s17 =	sld [smem:$0x3FFB];
	_ =	sdelay $0x3  }
0x92: {  	_ =	strace s17  }
0x93: {  	s2 =	sld [smem:$0x3FFC];
	_ =	sdelay $0x3  }
0x94: {  	_ =	strace s2  }
0x95: {  	s2 =	sld [smem:$0x3FFD];
	_ =	sdelay $0x3  }
0x96: {  	_ =	strace s2  }
0x97: {  	_ =	strace $0x8FFFFFFF  }
0x98: {  	s18 =	sld [smem:$0x3FDB];
	_ =	sdelay $0x1  }
0x99: {  	s19 =	simm.s32 $_scs_section_size  }
0x9a: {  	s4 =	simm.s32 $_size__tile_overlayer_lowered;
	s5 =	simm.s32 $_tile_overlayer_lowered  }
0x9b: {  	s22 =	simm.s32 $0x1BFF;
	s21 =	sshll.u32 s5, $0x1;
	s2 =	sadd.s32 s19, s18  }
0x9c: {  	s6 =	simm.s32 $0x0;
	s20 =	sshll.u32 s4, $0x1;
	s4 =	sadd.s32 s21, s2  }
0x9d: {  	[timem:s6], [sflag:s22] =	dma.local [hbm:s4], s20  }
0x9e: {  	_ =	swait.ge [sflag:s22], s20  }
0x9f: {  	s3 =	ssub.s32 $0x0, s20;
	[sflag:s22] =	ssyncset.done $0x0  }
0xa0: {  	[sflag:s22] =	ssyncadd.s32 s3;
	_ =	sdelay $0x1  }
0xa1: {  	s23 =	simm.s32 $0x1B8B  }
0xa2: {  	_ =	swait.ge [sflag:s23], $0x1  }
0xa3: {  	[sflag:s23] =	ssyncset.done $0x0  }
0xa4: {  	s25 =	simm.s32 $0x1B8E;
	s24 =	sld [smem:$0x3FFE];
	[sflag:s23] =	ssyncadd.s32 $0xFFFFFFFF  }
0xa5: {  	s26 =	simm.s32 $execute0_lowered;
	[smem:$0x3FD2] =	sst s25  }
0xa6: {  	s4 =	sshll.u32 s26, $0x1;
	_ =	strace $0x80000049;
	[dreg:$0x1] =	wrdreg $0xFFFFFFFF  }
0xa7: {  	s28 =	simm.s32 $_size_execute0_lowered;
	s2 =	sadd.s32 s2, s4;
	[dreg:$0x0] =	wrdreg $0x0  }
0xa8: {  	s4 =	sshll.u32 s28, $0x1;
	[dreg:$0x2] =	wrdreg s2  }
0xa9: {  	[dreg:$0x3] =	wrdreg s4  }
0xaa: {  	[dreg:$0x4] =	wrdreg $0xC0  }
0xab: {  	_ =	task [dreg:s6], $0x5FFFF  }
0xac: {  	[dreg:$0x1] =	wrdreg $0xFFFFFFFF  }
0xad: {  	[dreg:$0x0] =	wrdreg $0x60  }
0xae: {  	[dreg:$0x2] =	wrdreg s24  }
0xaf: {  	[dreg:$0x3] =	wrdreg $0x140000  }
0xb0: {  	[dreg:$0x4] =	wrdreg $0x9  }
0xb1: {  	_ =	task.clear_ibuf [dreg:s6], $0x5FFFF;
	_ =	strace $0x90000049  }
0xb2: {  	s29 =	simm.s32 $0x9;
	_ =	strace $0x8000004B  }
0xb3: {  	_ =	swait.ge [sflag:s29], $0x1  }
0xb4: {  	[sflag:s29] =	ssyncadd.s32 $0xFFFFFFFF  }
0xb5: {  	_ =	strace $0x9000004B  }
0xb6: {  	_ =	sfence  }
0xb7: {  	s30 =	sld [smem:$0x0];
	_ =	sdelay $0x2  }
0xb8: {  	s31 =	sshll.u32 s1, $0xD;
	s1 =	sshrl.u32 s1, $0x2  }
0xb9: {  	s3 =	sand.u32 $0x4000, s31;
	s1 =	sadd.s32 s1, s30  }
0xba: {  	s0 =	sor.u32 s3, s0;
	s1 =	sshll.u32 s1, $0x11  }
0xbb: {  	s0 =	sor.u32 s1, s0  }
0xbc: {  	s0 =	sadd.s32 $0x8F2B, s0  }
0xbd: {  	[sflag:s0] =	ssyncadd.remote.s32 $0x1  }
0xbe: {  	_ =	sfence.sel $0xFFFF  }
0xbf: {  	[dreg:$0x0] =	wrdreg $0xFFFFFFFF;
	(pc) =	sbr.abs _section_cstart, $3  }
0xc0: {  	[dreg:$0x1] =	wrdreg $0xFFFFFFFF  }
0xc1: {  	_ =	task.clear_ibuf [dreg:s6], $0x2FFFF;
	_ =	strace $0x9FFFFFFF  }
0xc2: {  	(tm) =	ssettm $0x7FFFFFFF  }
0xc3: {  	_ =	shalt  }
tec
execute0_lowered:
.L_overlay_start_1:
0x0: {  	(tag) =	ssettag $0x1  }
0x1: {  	s0 =	srdreg.scid  }
0x2: {  	s8 =	stileid.u32;
	s1 =	rddreg [dreg:$0x0]  }
0x3: {  	s2 =	rddreg [dreg:$0x1];
	s3 =	simm.s32 $0x0;
	s14 =	simm.s32 $0xA000  }
0x4: {  	s15 =	simm.s32 $0x6;
	s17 =	simm.s32 $0x80;
	s18 =	simm.s32 $0xC000  }
0x5: {  	s20 =	simm.s32 $0xE000;
	s22 =	simm.s32 $0x10000;
	s5 =	smul.u32 $0x5000, s8  }
0x6: {  	s28 =	simm.s32 $0x2;
	s29 =	simm.s32 $0x3;
	s9 =	smul.u32 $0xA000, s8  }
0x7: {  	s30 =	simm.s32 $0x4;
	s0 =	sand.u32 $0x1, s0;
	s8 =	smul.u32 $0x28000, s8  }
0x8: {  	s31 =	simm.s32 $0x5;
	s21 =	simm.s32 $0x9F80;
	s4 =	smul.u32 $0x50000, s0  }
0x9: {  	[smem:$0x7FF] =	sst s3;
	s6 =	smul.u32 $0xA0000, s0;
	s0 =	ssub.s32 $0x2, s0  }
0xa: {  	_ =	strace $0x8000004A;
	s24 =	sshrl.u32 s0, $0x1;
	s25 =	sshrl.u32 s8, $0x2  }
0xb: {  	s26 =	sadd.s32 s9, s2;
	s4 =	sadd.s32 s5, s4;
	s5 =	sshrl.u32 s5, $0x3  }
0xc: {  	s6 =	sadd.s32 s9, s6;
	s0 =	ssub.s32 s0, s24;
	s24 =	simm.s32 $0x12000  }
0xd: {  	s7 =	sshrl.u32 s4, $0x3;
	s4 =	sadd.s32 $0x15600, s1;
	s10 =	sadd.s32 s5, s1  }
0xe: {  	s23 =	sshrl.u32 s6, $0x3;
	s5 =	sadd.s32 s25, s2;
	s9 =	smax.u32 s0, $0x1  }
0xf: {  	s25 =	sshrl.u32 s26, $0x3;
	s26 =	simm.s32 $0x1;
	s7 =	sadd.s32 s7, s1  }
0x10: {  	s1 =	sadd.s32 s23, s1;
	s11 =	sadd.s32 $0x4000, s5;
	s12 =	sadd.s32 $0x6000, s5  }
0x11: {  	s13 =	sadd.s32 $0x8000, s5;
	s23 =	simm.s32 $0x0;
	s6 =	sadd.s32 $0x1600, s7  }
0x12: {  	v0 =	vimm.f32 $0.0e+00;
	s7 =	sadd.s32 $0x3D600, s10;
	s8 =	sadd.s32 $0x47600, s1;
	s10 =	sadd.s32 $0x2000, s5  }
.LBB2_1:
0x13: {  	s0 =	sand.u32 $0x7F00, s3  }
0x14: {  	s1 =	sand.u32 $0x30, s3;
	s16 =	sshrl.u32 s0, $0x2  }
0x15: {  	s0 =	simm.s32 $0x40;
	s16 =	sor.u32 s1, s16;
	s1 =	simm.s32 $0x0  }
.LBB2_2:
0x16: {  	p0 =	sne.s32 s0, $0x7FC0  }
0x17: {  	[tilespmem:s16+$0xA000] =	vst v0;
	s1 =	sadd.s32 $0x10, s1;
	s16 =	smov.u32 s0;
	s0 =	sadd.s32 $0x40, s0  }
.Ltmp0:
0x18: {  	(pc) =	sbr.rel @p0 .LBB2_2-.Ltmp0, $4  }
0x19: {  	_ = 	snop  }
0x1a: {  	s16 =	sand.u32 $0x7F00, s16  }
0x1b: {  	s19 =	sand.u32 $0x30, s1;
	s16 =	sshrl.u32 s16, $0x2  }
0x1c: {  	s16 =	sor.u32 s19, s16  }
0x1d: {  	[tilespmem:s16+$0xA000] =	vst v0  }
0x1e: {  	[spmem:s5] =	stream.linear.scatter [tilespmem:s14], [sflag:$0x6], $0x2000, $0x38;
	[tilespmem:$0x1E000] =	vst v63  }
0x1f: {  	_ =	swait.ge [sflag:s15], $0x2000  }
0x20: {  	[sflag:s15] =	ssyncset.done $0x0  }
0x21: {  	[sflag:s15] =	ssyncadd.s32 $0xFFFFE000  }
0x22: {  	[spmem:s10] =	stream.linear.scatter [tilespmem:s14], [sflag:$0x6], $0x2000, $0x38;
	[tilespmem:$0x1E000] =	vst v63  }
0x23: {  	_ =	swait.ge [sflag:s15], $0x2000  }
0x24: {  	[sflag:s15] =	ssyncset.done $0x0  }
0x25: {  	[sflag:s15] =	ssyncadd.s32 $0xFFFFE000  }
0x26: {  	[spmem:s11] =	stream.linear.scatter [tilespmem:s14], [sflag:$0x6], $0x2000, $0x38;
	[tilespmem:$0x1E000] =	vst v63  }
0x27: {  	_ =	swait.ge [sflag:s15], $0x2000  }
0x28: {  	[sflag:s15] =	ssyncset.done $0x0  }
0x29: {  	[sflag:s15] =	ssyncadd.s32 $0xFFFFE000  }
0x2a: {  	[spmem:s12] =	stream.linear.scatter [tilespmem:s14], [sflag:$0x6], $0x2000, $0x38;
	[tilespmem:$0x1E000] =	vst v63  }
0x2b: {  	_ =	swait.ge [sflag:s15], $0x2000  }
0x2c: {  	[sflag:s15] =	ssyncset.done $0x0  }
0x2d: {  	[sflag:s15] =	ssyncadd.s32 $0xFFFFE000  }
0x2e: {  	[spmem:s13] =	stream.linear.scatter [tilespmem:s14], [sflag:$0x6], $0x2000, $0x38;
	[tilespmem:$0x1E000] =	vst v63  }
0x2f: {  	_ =	swait.ge [sflag:s15], $0x2000  }
0x30: {  	[sflag:s15] =	ssyncset.done $0x0  }
0x31: {  	s0 =	simm.s32 $0x0;
	[sflag:s15] =	ssyncadd.s32 $0xFFFFE000  }
0x32: {  	[tilespmem:s0], [sflag:$0x6] =	stream.linear.gather [hbm4b:s6+s0], $0x5000, $0x38;
	[tilespmem:$0x1E000] =	vst v63  }
0x33: {  	_ =	swait.ge [sflag:s15], $0x5000  }
0x34: {  	[sflag:s15] =	ssyncset.done $0x0  }
0x35: {  	s1 =	simm.s32 $0x5000;
	[sflag:s15] =	ssyncadd.s32 $0xFFFFB000  }
0x36: {  	[tilespmem:s1], [sflag:$0x6] =	stream.linear.gather [hbm4b:s7+s0], $0x5000, $0x38;
	[tilespmem:$0x1E000] =	vst v63  }
0x37: {  	_ =	swait.ge [sflag:s15], $0x5000  }
0x38: {  	[sflag:s15] =	ssyncset.done $0x0  }
0x39: {  	[sflag:s15] =	ssyncadd.s32 $0xFFFFB000  }
0x3a: {  	[bflag:$0x0] =	sbarrier.arrive $0xFFFF  }
0x3b: {  	[tilespmem:s14], [sflag:$0x1] =	stream.indirect.gather [hbm4b:s4+s17], $0x40, s0, s17, $0xb8;
	[tilespmem:$0x1E000] =	vst v63  }
0x3c: {  	_ = 	snop  }
0x3d: {  	[tilespmem:s18], [sflag:$0x2] =	stream.indirect.gather [hbm4b:s4+s17], $0x40, s17, s17, $0xb8;
	[tilespmem:$0x1E000] =	vst v63  }
0x3e: {  	s1 =	simm.s32 $0x100  }
0x3f: {  	[tilespmem:s20], [sflag:$0x3] =	stream.indirect.gather [hbm4b:s4+s17], $0x40, s1, s17, $0xb8;
	[tilespmem:$0x1E000] =	vst v63  }
0x40: {  	s16 =	simm.s32 $0x180  }
0x41: {  	[tilespmem:s22], [sflag:$0x4] =	stream.indirect.gather [hbm4b:s4+s17], $0x40, s16, s17, $0xb8;
	[tilespmem:$0x1E000] =	vst v63  }
0x42: {  	s19 =	simm.s32 $0x200  }
0x43: {  	[tilespmem:s24], [sflag:$0x5] =	stream.indirect.gather [hbm4b:s4+s17], $0x40, s19, s17, $0xb8;
	[tilespmem:$0x1E000] =	vst v63  }
0x44: {  	_ =	swait.ge [sflag:s26], $0x2000  }
0x45: {  	[sflag:s26] =	ssyncset.done $0x0  }
0x46: {  	s1 =	simm.s32 $0x5000;
	[sflag:s26] =	ssyncadd.s32 $0xFFFFE000  }
0x47: {  	[spmem:s2] =	stream.indirect.scatter.add.f32 [tilespmem:s14], [sflag:$0x6], $0x40, s1, s17, $0xb8;
	[tilespmem:$0x1E000] =	vst v63  }
0x48: {  	_ =	swait.ge [sflag:s15], $0x2000  }
0x49: {  	[sflag:s15] =	ssyncset.done $0x0  }
0x4a: {  	s16 =	simm.s32 $0x280;
	[sflag:s15] =	ssyncadd.s32 $0xFFFFE000  }
0x4b: {  	[tilespmem:s14], [sflag:$0x1] =	stream.indirect.gather [hbm4b:s4+s17], $0x40, s16, s17, $0xb8;
	[tilespmem:$0x1E000] =	vst v63  }
0x4c: {  	_ =	swait.ge [sflag:s28], $0x2000  }
0x4d: {  	[sflag:s28] =	ssyncset.done $0x0  }
0x4e: {  	s19 =	simm.s32 $0x5080;
	[sflag:s28] =	ssyncadd.s32 $0xFFFFE000  }
0x4f: {  	[spmem:s2] =	stream.indirect.scatter.add.f32 [tilespmem:s18], [sflag:$0x6], $0x40, s19, s17, $0xb8;
	[tilespmem:$0x1E000] =	vst v63  }
0x50: {  	_ =	swait.ge [sflag:s15], $0x2000  }
0x51: {  	[sflag:s15] =	ssyncset.done $0x0  }
0x52: {  	s1 =	simm.s32 $0x300;
	[sflag:s15] =	ssyncadd.s32 $0xFFFFE000  }
0x53: {  	[tilespmem:s18], [sflag:$0x2] =	stream.indirect.gather [hbm4b:s4+s17], $0x40, s1, s17, $0xb8;
	[tilespmem:$0x1E000] =	vst v63  }
0x54: {  	_ =	swait.ge [sflag:s29], $0x2000  }
0x55: {  	[sflag:s29] =	ssyncset.done $0x0  }
0x56: {  	s16 =	simm.s32 $0x5100;
	[sflag:s29] =	ssyncadd.s32 $0xFFFFE000  }
0x57: {  	[spmem:s2] =	stream.indirect.scatter.add.f32 [tilespmem:s20], [sflag:$0x6], $0x40, s16, s17, $0xb8;
	[tilespmem:$0x1E000] =	vst v63  }
0x58: {  	_ =	swait.ge [sflag:s15], $0x2000  }
0x59: {  	[sflag:s15] =	ssyncset.done $0x0  }
0x5a: {  	s19 =	simm.s32 $0x380;
	[sflag:s15] =	ssyncadd.s32 $0xFFFFE000  }
0x5b: {  	[tilespmem:s20], [sflag:$0x3] =	stream.indirect.gather [hbm4b:s4+s17], $0x40, s19, s17, $0xb8;
	[tilespmem:$0x1E000] =	vst v63  }
0x5c: {  	_ =	swait.ge [sflag:s30], $0x2000  }
0x5d: {  	[sflag:s30] =	ssyncset.done $0x0  }
0x5e: {  	s1 =	simm.s32 $0x5180;
	[sflag:s30] =	ssyncadd.s32 $0xFFFFE000  }
0x5f: {  	[spmem:s2] =	stream.indirect.scatter.add.f32 [tilespmem:s22], [sflag:$0x6], $0x40, s1, s17, $0xb8;
	[tilespmem:$0x1E000] =	vst v63  }
0x60: {  	_ =	swait.ge [sflag:s15], $0x2000  }
0x61: {  	[sflag:s15] =	ssyncset.done $0x0  }
0x62: {  	s16 =	simm.s32 $0x400;
	[sflag:s15] =	ssyncadd.s32 $0xFFFFE000  }
0x63: {  	[tilespmem:s22], [sflag:$0x4] =	stream.indirect.gather [hbm4b:s4+s17], $0x40, s16, s17, $0xb8;
	[tilespmem:$0x1E000] =	vst v63  }
0x64: {  	_ =	swait.ge [sflag:s31], $0x2000  }
0x65: {  	[sflag:s31] =	ssyncset.done $0x0  }
0x66: {  	s19 =	simm.s32 $0x5200;
	[sflag:s31] =	ssyncadd.s32 $0xFFFFE000  }
0x67: {  	[spmem:s2] =	stream.indirect.scatter.add.f32 [tilespmem:s24], [sflag:$0x6], $0x40, s19, s17, $0xb8;
	[tilespmem:$0x1E000] =	vst v63  }
0x68: {  	_ =	swait.ge [sflag:s15], $0x2000  }
0x69: {  	[sflag:s15] =	ssyncset.done $0x0  }
0x6a: {  	s0 =	simm.s32 $0x480;
	s1 =	simm.s32 $0xA00;
	[sflag:s15] =	ssyncadd.s32 $0xFFFFE000  }
.LBB2_4:
0x6b: {  	[tilespmem:s24], [sflag:$0x5] =	stream.indirect.gather [hbm4b:s4+s17], $0x40, s0, s17, $0xb8;
	[tilespmem:$0x1E000] =	vst v63  }
0x6c: {  	s0 =	smov.u32 s1  }
0x6d: {  	p0 =	sne.s32 s1, $0x12C00;
	s1 =	sadd.s32 $0xA00, s1;
	_ =	swait.ge [sflag:s26], $0x2000  }
0x6e: {  	s0 =	sshra.s32 s0, $0x2;
	[sflag:s26] =	ssyncset.done $0x0  }
0x6f: {  	s16 =	sadd.s32 $0x5000, s0;
	[sflag:s26] =	ssyncadd.s32 $0xFFFFE000  }
0x70: {  	[spmem:s2] =	stream.indirect.scatter.add.f32 [tilespmem:s14], [sflag:$0x6], $0x40, s16, s17, $0xb8;
	[tilespmem:$0x1E000] =	vst v63  }
0x71: {  	_ =	swait.ge [sflag:s15], $0x2000  }
0x72: {  	[sflag:s15] =	ssyncset.done $0x0  }
0x73: {  	s16 =	sadd.s32 $0x280, s0;
	[sflag:s15] =	ssyncadd.s32 $0xFFFFE000  }
0x74: {  	[tilespmem:s14], [sflag:$0x1] =	stream.indirect.gather [hbm4b:s4+s17], $0x40, s16, s17, $0xb8;
	[tilespmem:$0x1E000] =	vst v63  }
0x75: {  	_ =	swait.ge [sflag:s28], $0x2000  }
0x76: {  	[sflag:s28] =	ssyncset.done $0x0  }
0x77: {  	s16 =	sadd.s32 $0x5080, s0;
	[sflag:s28] =	ssyncadd.s32 $0xFFFFE000  }
0x78: {  	[spmem:s2] =	stream.indirect.scatter.add.f32 [tilespmem:s18], [sflag:$0x6], $0x40, s16, s17, $0xb8;
	[tilespmem:$0x1E000] =	vst v63  }
0x79: {  	_ =	swait.ge [sflag:s15], $0x2000  }
0x7a: {  	[sflag:s15] =	ssyncset.done $0x0  }
0x7b: {  	s16 =	sadd.s32 $0x300, s0;
	[sflag:s15] =	ssyncadd.s32 $0xFFFFE000  }
0x7c: {  	[tilespmem:s18], [sflag:$0x2] =	stream.indirect.gather [hbm4b:s4+s17], $0x40, s16, s17, $0xb8;
	[tilespmem:$0x1E000] =	vst v63  }
0x7d: {  	_ =	swait.ge [sflag:s29], $0x2000  }
0x7e: {  	[sflag:s29] =	ssyncset.done $0x0  }
0x7f: {  	s16 =	sadd.s32 $0x5100, s0;
	[sflag:s29] =	ssyncadd.s32 $0xFFFFE000  }
0x80: {  	[spmem:s2] =	stream.indirect.scatter.add.f32 [tilespmem:s20], [sflag:$0x6], $0x40, s16, s17, $0xb8;
	[tilespmem:$0x1E000] =	vst v63  }
0x81: {  	_ =	swait.ge [sflag:s15], $0x2000  }
0x82: {  	[sflag:s15] =	ssyncset.done $0x0  }
0x83: {  	s16 =	sadd.s32 $0x380, s0;
	[sflag:s15] =	ssyncadd.s32 $0xFFFFE000  }
0x84: {  	[tilespmem:s20], [sflag:$0x3] =	stream.indirect.gather [hbm4b:s4+s17], $0x40, s16, s17, $0xb8;
	[tilespmem:$0x1E000] =	vst v63  }
0x85: {  	_ =	swait.ge [sflag:s30], $0x2000  }
0x86: {  	[sflag:s30] =	ssyncset.done $0x0  }
0x87: {  	s16 =	sadd.s32 $0x5180, s0;
	[sflag:s30] =	ssyncadd.s32 $0xFFFFE000  }
0x88: {  	[spmem:s2] =	stream.indirect.scatter.add.f32 [tilespmem:s22], [sflag:$0x6], $0x40, s16, s17, $0xb8;
	[tilespmem:$0x1E000] =	vst v63  }
0x89: {  	_ =	swait.ge [sflag:s15], $0x2000  }
0x8a: {  	[sflag:s15] =	ssyncset.done $0x0  }
0x8b: {  	s16 =	sadd.s32 $0x400, s0;
	[sflag:s15] =	ssyncadd.s32 $0xFFFFE000  }
0x8c: {  	[tilespmem:s22], [sflag:$0x4] =	stream.indirect.gather [hbm4b:s4+s17], $0x40, s16, s17, $0xb8;
	[tilespmem:$0x1E000] =	vst v63  }
0x8d: {  	_ =	swait.ge [sflag:s31], $0x2000  }
0x8e: {  	[sflag:s31] =	ssyncset.done $0x0  }
.Ltmp1:
0x8f: {  	s16 =	sadd.s32 $0x5200, s0;
	[sflag:s31] =	ssyncadd.s32 $0xFFFFE000;
	(pc) =	sbr.rel @p0 .LBB2_4-.Ltmp1, $4  }
0x90: {  	[spmem:s2] =	stream.indirect.scatter.add.f32 [tilespmem:s24], [sflag:$0x6], $0x40, s16, s17, $0xb8;
	[tilespmem:$0x1E000] =	vst v63  }
0x91: {  	_ =	swait.ge [sflag:s15], $0x2000  }
0x92: {  	[sflag:s15] =	ssyncset.done $0x0  }
0x93: {  	s0 =	sadd.s32 $0x480, s0;
	[sflag:s15] =	ssyncadd.s32 $0xFFFFE000  }
0x94: {  	[tilespmem:s24], [sflag:$0x5] =	stream.indirect.gather [hbm4b:s4+s17], $0x40, s0, s17, $0xb8;
	[tilespmem:$0x1E000] =	vst v63  }
0x95: {  	_ =	swait.ge [sflag:s26], $0x2000  }
0x96: {  	[sflag:s26] =	ssyncset.done $0x0  }
0x97: {  	s16 =	simm.s32 $0x9D80;
	[sflag:s26] =	ssyncadd.s32 $0xFFFFE000  }
0x98: {  	[spmem:s2] =	stream.indirect.scatter.add.f32 [tilespmem:s14], [sflag:$0x6], $0x40, s16, s17, $0xb8;
	[tilespmem:$0x1E000] =	vst v63  }
0x99: {  	_ =	swait.ge [sflag:s15], $0x2000  }
0x9a: {  	[sflag:s15] =	ssyncset.done $0x0  }
0x9b: {  	[sflag:s15] =	ssyncadd.s32 $0xFFFFE000  }
0x9c: {  	_ =	swait.ge [sflag:s28], $0x2000  }
0x9d: {  	[sflag:s28] =	ssyncset.done $0x0  }
0x9e: {  	s19 =	simm.s32 $0x9E00;
	[sflag:s28] =	ssyncadd.s32 $0xFFFFE000  }
0x9f: {  	[spmem:s2] =	stream.indirect.scatter.add.f32 [tilespmem:s18], [sflag:$0x6], $0x40, s19, s17, $0xb8;
	[tilespmem:$0x1E000] =	vst v63  }
0xa0: {  	_ =	swait.ge [sflag:s15], $0x2000  }
0xa1: {  	[sflag:s15] =	ssyncset.done $0x0  }
0xa2: {  	[sflag:s15] =	ssyncadd.s32 $0xFFFFE000  }
0xa3: {  	_ =	swait.ge [sflag:s29], $0x2000  }
0xa4: {  	[sflag:s29] =	ssyncset.done $0x0  }
0xa5: {  	s1 =	simm.s32 $0x9E80;
	[sflag:s29] =	ssyncadd.s32 $0xFFFFE000  }
0xa6: {  	[spmem:s2] =	stream.indirect.scatter.add.f32 [tilespmem:s20], [sflag:$0x6], $0x40, s1, s17, $0xb8;
	[tilespmem:$0x1E000] =	vst v63  }
0xa7: {  	_ =	swait.ge [sflag:s15], $0x2000  }
0xa8: {  	[sflag:s15] =	ssyncset.done $0x0  }
0xa9: {  	[sflag:s15] =	ssyncadd.s32 $0xFFFFE000  }
0xaa: {  	_ =	swait.ge [sflag:s30], $0x2000  }
0xab: {  	[sflag:s30] =	ssyncset.done $0x0  }
0xac: {  	s16 =	simm.s32 $0x9F00;
	[sflag:s30] =	ssyncadd.s32 $0xFFFFE000  }
0xad: {  	[spmem:s2] =	stream.indirect.scatter.add.f32 [tilespmem:s22], [sflag:$0x6], $0x40, s16, s17, $0xb8;
	[tilespmem:$0x1E000] =	vst v63  }
0xae: {  	_ =	swait.ge [sflag:s15], $0x2000  }
0xaf: {  	[sflag:s15] =	ssyncset.done $0x0  }
0xb0: {  	[sflag:s15] =	ssyncadd.s32 $0xFFFFE000  }
0xb1: {  	_ =	swait.ge [sflag:s31], $0x2000  }
0xb2: {  	[sflag:s31] =	ssyncset.done $0x0  }
0xb3: {  	[sflag:s31] =	ssyncadd.s32 $0xFFFFE000  }
0xb4: {  	[spmem:s2] =	stream.indirect.scatter.add.f32 [tilespmem:s24], [sflag:$0x6], $0x40, s21, s17, $0xb8;
	[tilespmem:$0x1E000] =	vst v63  }
0xb5: {  	_ =	swait.ge [sflag:s15], $0x2000  }
0xb6: {  	s23 =	sadd.s32 $0x1, s23;
	s19 =	stileid.u32;
	[sflag:s15] =	ssyncset.done $0x0  }
0xb7: {  	p0 =	sne.s32 s23, s9;
	s0 =	sshll.u32 s19, $0x6;
	[sflag:s15] =	ssyncadd.s32 $0xFFFFE000  }
.Ltmp2:
0xb8: {  	s0 =	sor.u32 $0x1C06, s0;
	[bflag:$0x0] =	sbarrier.arrive $0xFFFF;
	(pc) =	sbr.rel @p0 .LBB2_1-.Ltmp2, $4  }
0xb9: {  	[hbm:s8], [sflag:s0] =	dma.local [spmem:s25], $0x1400  }
0xba: {  	_ =	swait.ge [sflag:s15], $0x1400  }
0xbb: {  	[sflag:s15] =	ssyncset.done $0x0  }
0xbc: {  	[sflag:s15] =	ssyncadd.s32 $0xFFFFEC00  }
0xbd: {  	_ =	sfence.sel $0x180000  }
0xbe: {  	[bflag:$0x0] =	sbarrier.arrive $0xFFFF  }
0xbf: {  	_ =	strace $0x9000004A  }
0xc0: {  	s0 =	stileid.u32;
	[bflag:$0x2] =	sbarrier.arrive $0xFFFF  }
0xc1: {  	p0 =	sne.s32 s0, $0x0;
	s0 =	rddreg [dreg:$0x2]  }
0xc2: {  	s0 =	sadd.s32 @!p0 $0x100000, s0  }
0xc3: {  	[sflag:s0] =	ssyncadd.tile.s32 @!p0 $0x1;
	_ =	shalt  }
.Lfunc_end2:
_tile_overlayer_lowered:
.L_overlay_start_2:
0xc4: {  	(tag) =	ssettag $0x2  }
0xc5: {  	s0 =	rddreg [dreg:$0x0];
	s2 =	stileid.u32  }
0xc6: {  	s1 =	rddreg [dreg:$0x1];
	p0 =	sne.s32 s2, $0x0  }
0xc7: {  	s3 =	rddreg [dreg:$0x2];
	[bflag:$0x3] =	sbarrier.arrive $0xFFFF;
	s2 =	simm.s32 @!p0 $0x1C06  }
0xc8: {  	[timem:s3], [sflag:s2] =	dma.local @!p0 [hbm:s0], s1  }
0xc9: {  	s0 =	simm.s32 @!p0 $0x6  }
0xca: {  	_ =	swait.ge @!p0 [sflag:s0], s1  }
0xcb: {  	s1 =	ssub.s32 @!p0 $0x0, s1;
	[sflag:s0] =	ssyncset.done @!p0 $0x0  }
0xcc: {  	[sflag:s0] =	ssyncadd.s32 @!p0 s1  }
0xcd: {  	[bflag:$0x3] =	sbarrier.arrive $0xFFFF  }
0xce: {  	_ =	shalt  }

// kernel: kernel.15.cloned.1.call-start
scs
__scs_entry_jumppad:
0x0: {  	(pc) =	sbr.rel $0x88, $3  }
0x1: {  	(tag) =	ssettag $0x0;
	lr =	simm.s32 $0x1  }
0x2: {  	[smem:$0x3F97] =	sst lr;
	_ =	strace $0xD0000000  }
0x3: {  	_ = 	snop  }
0x4: {  	_ = 	snop  }
0x5: {  	_ = 	snop  }
0x6: {  	_ = 	snop  }
0x7: {  	_ = 	snop  }
__scs_overlays_trampoline_lowered:
0x8: {  	[smem:$0x3FA6] =	sst s0  }
0x9: {  	[smem:$0x3FA7] =	sst s1  }
0xa: {  	[smem:$0x3FA8] =	sst s2  }
0xb: {  	[smem:$0x3FA9] =	sst s3  }
0xc: {  	[smem:$0x3FAA] =	sst s4  }
0xd: {  	[smem:$0x3FAB] =	sst s5  }
0xe: {  	[smem:$0x3FAC] =	sst s6  }
0xf: {  	[smem:$0x3FAD] =	sst s7  }
0x10: {  	[smem:$0x3FAE] =	sst s8  }
0x11: {  	[smem:$0x3FAF] =	sst s9;
	s0 =	simm.s32 @!p0 $0x0  }
0x12: {  	s1 =	sld [smem:$0x3F95];
	s0 =	simm.s32 @p0 $0x1  }
0x13: {  	[smem:$0x3FB0] =	sst s0;
	s0 =	simm.s32 @!p1 $0x0  }
0x14: {  	s2 =	sld [smem:$0x3F94];
	s0 =	simm.s32 @p1 $0x1  }
0x15: {  	[smem:$0x3FB1] =	sst s0;
	s0 =	simm.s32 @!p2 $0x0  }
0x16: {  	s3 =	sld [smem:$0x3FDB];
	s0 =	simm.s32 @p2 $0x1  }
0x17: {  	s4 =	simm.s32 $0x1BF5;
	[smem:$0x3FB3] =	sst s0  }
0x18: {  	s0 =	sld [smem:$0x3F96];
	_ =	swait.ge [sflag:s4], $0x0  }
0x19: {  	s7 =	sld [smem:$0x3F97]  }
0x1a: {  	s8 =	sadd.s32 $0xFFFFE003, lr  }
0x1b: {  	s9 =	sadd.s32 $0xFFFFFEF7, lr;
	s5 =	simm.s32 $0xFFFFFFFF;
	p2 =	slt.u32 s8, $0xFFFFF086  }
0x1c: {  	p1 =	slt.u32 s9, $0xF7A;
	s5 =	simm.s32 @!p2 $0x0  }
0x1d: {  	s5 =	simm.s32 @p1 $0x1;
	p0 =	seq.s32 s7, s2  }
0x1e: {  	s7 =	smul.u32 @!p0 $0xF7A, s2;
	p2 =	seq.s32 @!p0 s5, $0x0  }
0x1f: {  	s9 =	smul.u32 $0xF7A, s1;
	s8 =	simm.s32 @!p0 $0x1BF5;
	p2 =	por !p2, p0  }
0x20: {  	[sflag:s8] =	ssyncset.s32 @!p0 $0xFFFFF086;
	s6 =	sadd.s32 @!p0 s3, s7;
	s7 =	simm.s32 @!p0 $0x108  }
0x21: {  	s3 =	sadd.s32 s3, s9;
	s6 =	sadd.s32 @!p0 $0x88, s6;
	s7 =	simm.s32 @p2 $0x1082  }
0x22: {  	[simem:s7], [sflag:s8] =	dma.local @!p0 [hbm:s6], $0xF7A  }
0x23: {  	s9 =	sor.u32 $0xD0000000, s2;
	s6 =	simm.s32 $0x108;
	_ =	swait.ge @!p0 [sflag:s8], $0x0  }
0x24: {  	s3 =	sadd.s32 $0x88, s3;
	s6 =	simm.s32 @!p1 $0x1082;
	[sflag:s4] =	ssyncset.s32 $0xFFFFF086  }
0x25: {  	[simem:s6], [sflag:s4] =	dma.local [hbm:s3], $0xF7A  }
0x26: {  	[smem:$0x3F97] =	sst s1;
	(tag) =	ssettag s2;
	_ =	strace s9  }
0x27: {  	s1 =	sld [smem:$0x3FA7]  }
0x28: {  	s2 =	sld [smem:$0x3FA8]  }
0x29: {  	s4 =	sld [smem:$0x3FAA]  }
0x2a: {  	p0 =	seq.s32 s5, $0x0;
	s5 =	sld [smem:$0x3FAB]  }
0x2b: {  	s6 =	sld [smem:$0x3FAC]  }
0x2c: {  	s7 =	sld [smem:$0x3FAD]  }
0x2d: {  	s3 =	simm.s32 $0x108;
	s8 =	sld [smem:$0x3FAE]  }
0x2e: {  	s3 =	simm.s32 @!p0 $0x1082;
	s9 =	sld [smem:$0x3FAF]  }
0x2f: {  	lr =	sadd.s32 s0, s3;
	s0 =	sld [smem:$0x3FA6]  }
0x30: {  	s3 =	sld [smem:$0x3FA9]  }
0x31: {  	[smem:$0x3FB2] =	sst s10  }
0x32: {  	s10 =	sld [smem:$0x3FB0];
	_ =	sdelay $0x3  }
0x33: {  	p0 =	seq.s32 s10, $0x1;
	s10 =	sld [smem:$0x3FB2];
	_ =	sdelay $0x3  }
0x34: {  	[smem:$0x3FB2] =	sst s10  }
0x35: {  	s10 =	sld [smem:$0x3FB1];
	_ =	sdelay $0x3  }
0x36: {  	p1 =	seq.s32 s10, $0x1;
	s10 =	sld [smem:$0x3FB2];
	_ =	sdelay $0x3  }
0x37: {  	[smem:$0x3FB2] =	sst s10  }
0x38: {  	s10 =	sld [smem:$0x3FB3]  }
0x39: {  	_ = 	snop;
	(pc) =	sbr.ind lr, $3  }
0x3a: {  	_ = 	snop  }
0x3b: {  	_ = 	snop  }
0x3c: {  	p2 =	seq.s32 s10, $0x1;
	s10 =	sld [smem:$0x3FB2]  }
0x3d: {  	_ =	shalt  }
0x3e: {  	_ =	shalt  }
0x3f: {  	_ =	shalt  }
0x40: {  	_ =	shalt  }
0x41: {  	_ =	shalt  }
0x42: {  	_ =	shalt  }
0x43: {  	_ =	shalt  }
0x44: {  	_ =	shalt  }
0x45: {  	_ =	shalt  }
0x46: {  	_ =	shalt  }
0x47: {  	_ =	shalt  }
0x48: {  	_ =	shalt  }
0x49: {  	_ =	shalt  }
0x4a: {  	_ =	shalt  }
0x4b: {  	_ =	shalt  }
0x4c: {  	_ =	shalt  }
0x4d: {  	_ =	shalt  }
0x4e: {  	_ =	shalt  }
0x4f: {  	_ =	shalt  }
0x50: {  	_ =	shalt  }
0x51: {  	_ =	shalt  }
0x52: {  	_ =	shalt  }
0x53: {  	_ =	shalt  }
0x54: {  	_ =	shalt  }
0x55: {  	_ =	shalt  }
0x56: {  	_ =	shalt  }
0x57: {  	_ =	shalt  }
0x58: {  	_ =	shalt  }
0x59: {  	_ =	shalt  }
0x5a: {  	_ =	shalt  }
0x5b: {  	_ =	shalt  }
0x5c: {  	_ =	shalt  }
0x5d: {  	_ =	shalt  }
0x5e: {  	_ =	shalt  }
0x5f: {  	_ =	shalt  }
0x60: {  	_ =	shalt  }
0x61: {  	_ =	shalt  }
0x62: {  	_ =	shalt  }
0x63: {  	_ =	shalt  }
0x64: {  	_ =	shalt  }
0x65: {  	_ =	shalt  }
0x66: {  	_ =	shalt  }
0x67: {  	_ =	shalt  }
0x68: {  	_ =	shalt  }
0x69: {  	_ =	shalt  }
0x6a: {  	_ =	shalt  }
0x6b: {  	_ =	shalt  }
0x6c: {  	_ =	shalt  }
0x6d: {  	_ =	shalt  }
0x6e: {  	_ =	shalt  }
0x6f: {  	_ =	shalt  }
0x70: {  	_ =	shalt  }
0x71: {  	_ =	shalt  }
0x72: {  	_ =	shalt  }
0x73: {  	_ =	shalt  }
0x74: {  	_ =	shalt  }
0x75: {  	_ =	shalt  }
0x76: {  	_ =	shalt  }
0x77: {  	_ =	shalt  }
0x78: {  	_ =	shalt  }
0x79: {  	_ =	shalt  }
0x7a: {  	_ =	shalt  }
0x7b: {  	_ =	shalt  }
0x7c: {  	_ =	shalt  }
0x7d: {  	_ =	shalt  }
0x7e: {  	_ =	shalt  }
0x7f: {  	_ =	shalt  }
0x80: {  	_ =	shalt  }
0x81: {  	_ =	shalt  }
0x82: {  	_ =	shalt  }
0x83: {  	_ =	shalt  }
0x84: {  	_ =	shalt  }
0x85: {  	_ =	shalt  }
0x86: {  	_ =	shalt  }
0x87: {  	_ =	shalt  }
.Lfunc_end0:
.L_simem_size_0:
called_computation.2_lowered:
.L_overlay_start_0:
0x88: {  	s2 =	sld [smem:$0x3FD9]  }
0x89: {  	s3 =	sld [smem:$0x3FFE];
	_ =	sdelay $0x1  }
0x8a: {  	s1 =	srdreg.scid  }
0x8b: {  	s0 =	sand.u32 $0x1, s1  }
0x8c: {  	s16 =	sshll.u32 s0, $0xA;
	s2 =	sadd.s32 s3, s2  }
0x8d: {  	s2 =	sadd.s32 s2, s16  }
0x8e: {  	[smem:$0x3FBE] =	sst s2  }
0x8f: {  	_ = 	snop  }
0x90: {  	(tm) =	ssettm $0x1  }
0x91: {  	s17 =	sld [smem:$0x3FFB];
	_ =	sdelay $0x3  }
0x92: {  	_ =	strace s17  }
0x93: {  	s2 =	sld [smem:$0x3FFC];
	_ =	sdelay $0x3  }
0x94: {  	_ =	strace s2  }
0x95: {  	s2 =	sld [smem:$0x3FFD];
	_ =	sdelay $0x3  }
0x96: {  	_ =	strace s2  }
0x97: {  	_ =	strace $0x8FFFFFFF  }
0x98: {  	s18 =	sld [smem:$0x3FDB];
	_ =	sdelay $0x1  }
0x99: {  	s19 =	simm.s32 $_scs_section_size  }
0x9a: {  	s4 =	simm.s32 $_size__tile_overlayer_lowered;
	s5 =	simm.s32 $_tile_overlayer_lowered  }
0x9b: {  	s22 =	simm.s32 $0x1BFF;
	s21 =	sshll.u32 s5, $0x1;
	s2 =	sadd.s32 s19, s18  }
0x9c: {  	s6 =	simm.s32 $0x0;
	s20 =	sshll.u32 s4, $0x1;
	s4 =	sadd.s32 s21, s2  }
0x9d: {  	[timem:s6], [sflag:s22] =	dma.local [hbm:s4], s20  }
0x9e: {  	_ =	swait.ge [sflag:s22], s20  }
0x9f: {  	s3 =	ssub.s32 $0x0, s20;
	[sflag:s22] =	ssyncset.done $0x0  }
0xa0: {  	[sflag:s22] =	ssyncadd.s32 s3;
	_ =	sdelay $0x1  }
0xa1: {  	s23 =	simm.s32 $0x1B8B  }
0xa2: {  	_ =	swait.ge [sflag:s23], $0x1  }
0xa3: {  	[sflag:s23] =	ssyncset.done $0x0  }
0xa4: {  	s25 =	simm.s32 $0x1B8E;
	s24 =	sld [smem:$0x3FFE];
	[sflag:s23] =	ssyncadd.s32 $0xFFFFFFFF  }
0xa5: {  	s26 =	simm.s32 $execute0_lowered;
	[smem:$0x3FD2] =	sst s25  }
0xa6: {  	s4 =	sshll.u32 s26, $0x1;
	_ =	strace $0x8000004C;
	[dreg:$0x1] =	wrdreg $0xFFFFFFFF  }
0xa7: {  	s28 =	simm.s32 $_size_execute0_lowered;
	s2 =	sadd.s32 s2, s4;
	[dreg:$0x0] =	wrdreg $0x0  }
0xa8: {  	s4 =	sshll.u32 s28, $0x1;
	[dreg:$0x2] =	wrdreg s2  }
0xa9: {  	[dreg:$0x3] =	wrdreg s4  }
0xaa: {  	[dreg:$0x4] =	wrdreg $0xC0  }
0xab: {  	_ =	task [dreg:s6], $0x5FFFF  }
0xac: {  	[dreg:$0x1] =	wrdreg $0xFFFFFFFF  }
0xad: {  	[dreg:$0x0] =	wrdreg $0x60  }
0xae: {  	[dreg:$0x2] =	wrdreg s24  }
0xaf: {  	[dreg:$0x3] =	wrdreg $0x140000  }
0xb0: {  	[dreg:$0x4] =	wrdreg $0x9  }
0xb1: {  	_ =	task.clear_ibuf [dreg:s6], $0x5FFFF;
	_ =	strace $0x9000004C  }
0xb2: {  	s29 =	simm.s32 $0x9;
	_ =	strace $0x8000004E  }
0xb3: {  	_ =	swait.ge [sflag:s29], $0x1  }
0xb4: {  	[sflag:s29] =	ssyncadd.s32 $0xFFFFFFFF  }
0xb5: {  	_ =	strace $0x9000004E  }
0xb6: {  	_ =	sfence  }
0xb7: {  	s30 =	sld [smem:$0x0];
	_ =	sdelay $0x2  }
0xb8: {  	s31 =	sshll.u32 s1, $0xD;
	s1 =	sshrl.u32 s1, $0x2  }
0xb9: {  	s3 =	sand.u32 $0x4000, s31;
	s1 =	sadd.s32 s1, s30  }
0xba: {  	s0 =	sor.u32 s3, s0;
	s1 =	sshll.u32 s1, $0x11  }
0xbb: {  	s0 =	sor.u32 s1, s0  }
0xbc: {  	s0 =	sadd.s32 $0x8F2B, s0  }
0xbd: {  	[sflag:s0] =	ssyncadd.remote.s32 $0x1  }
0xbe: {  	_ =	sfence.sel $0xFFFF  }
0xbf: {  	[dreg:$0x0] =	wrdreg $0xFFFFFFFF;
	(pc) =	sbr.abs _section_cstart, $3  }
0xc0: {  	[dreg:$0x1] =	wrdreg $0xFFFFFFFF  }
0xc1: {  	_ =	task.clear_ibuf [dreg:s6], $0x2FFFF;
	_ =	strace $0x9FFFFFFF  }
0xc2: {  	(tm) =	ssettm $0x7FFFFFFF  }
0xc3: {  	_ =	shalt  }
tec
execute0_lowered:
.L_overlay_start_1:
0x0: {  	(tag) =	ssettag $0x1  }
0x1: {  	s0 =	srdreg.scid  }
0x2: {  	s8 =	stileid.u32;
	s1 =	rddreg [dreg:$0x0]  }
0x3: {  	s2 =	rddreg [dreg:$0x1];
	s3 =	simm.s32 $0x0;
	s14 =	simm.s32 $0xA000  }
0x4: {  	s15 =	simm.s32 $0x6;
	s17 =	simm.s32 $0x80;
	s18 =	simm.s32 $0xC000  }
0x5: {  	s20 =	simm.s32 $0xE000;
	s22 =	simm.s32 $0x10000;
	s5 =	smul.u32 $0x5000, s8  }
0x6: {  	s28 =	simm.s32 $0x2;
	s29 =	simm.s32 $0x3;
	s9 =	smul.u32 $0xA000, s8  }
0x7: {  	s30 =	simm.s32 $0x4;
	s0 =	sand.u32 $0x1, s0;
	s8 =	smul.u32 $0x28000, s8  }
0x8: {  	s31 =	simm.s32 $0x5;
	s21 =	simm.s32 $0x9F80;
	s4 =	smul.u32 $0x50000, s0  }
0x9: {  	[smem:$0x7FF] =	sst s3;
	s6 =	smul.u32 $0xA0000, s0;
	s0 =	ssub.s32 $0x2, s0  }
0xa: {  	_ =	strace $0x8000004D;
	s24 =	sshrl.u32 s0, $0x1;
	s25 =	sshrl.u32 s8, $0x2  }
0xb: {  	s26 =	sadd.s32 s9, s2;
	s4 =	sadd.s32 s5, s4;
	s5 =	sshrl.u32 s5, $0x3  }
0xc: {  	s6 =	sadd.s32 s9, s6;
	s0 =	ssub.s32 s0, s24;
	s24 =	simm.s32 $0x12000  }
0xd: {  	s7 =	sshrl.u32 s4, $0x3;
	s4 =	sadd.s32 $0x15600, s1;
	s10 =	sadd.s32 s5, s1  }
0xe: {  	s23 =	sshrl.u32 s6, $0x3;
	s5 =	sadd.s32 s25, s2;
	s9 =	smax.u32 s0, $0x1  }
0xf: {  	s25 =	sshrl.u32 s26, $0x3;
	s26 =	simm.s32 $0x1;
	s7 =	sadd.s32 s7, s1  }
0x10: {  	s1 =	sadd.s32 s23, s1;
	s11 =	sadd.s32 $0x4000, s5;
	s12 =	sadd.s32 $0x6000, s5  }
0x11: {  	s13 =	sadd.s32 $0x8000, s5;
	s23 =	simm.s32 $0x0;
	s6 =	sadd.s32 $0x1600, s7  }
0x12: {  	v0 =	vimm.f32 $0.0e+00;
	s7 =	sadd.s32 $0x3D600, s10;
	s8 =	sadd.s32 $0x47600, s1;
	s10 =	sadd.s32 $0x2000, s5  }
.LBB2_1:
0x13: {  	s0 =	sand.u32 $0x7F00, s3  }
0x14: {  	s1 =	sand.u32 $0x30, s3;
	s16 =	sshrl.u32 s0, $0x2  }
0x15: {  	s0 =	simm.s32 $0x40;
	s16 =	sor.u32 s1, s16;
	s1 =	simm.s32 $0x0  }
.LBB2_2:
0x16: {  	p0 =	sne.s32 s0, $0x7FC0  }
0x17: {  	[tilespmem:s16+$0xA000] =	vst v0;
	s1 =	sadd.s32 $0x10, s1;
	s16 =	smov.u32 s0;
	s0 =	sadd.s32 $0x40, s0  }
.Ltmp0:
0x18: {  	(pc) =	sbr.rel @p0 .LBB2_2-.Ltmp0, $4  }
0x19: {  	_ = 	snop  }
0x1a: {  	s16 =	sand.u32 $0x7F00, s16  }
0x1b: {  	s19 =	sand.u32 $0x30, s1;
	s16 =	sshrl.u32 s16, $0x2  }
0x1c: {  	s16 =	sor.u32 s19, s16  }
0x1d: {  	[tilespmem:s16+$0xA000] =	vst v0  }
0x1e: {  	[spmem:s5] =	stream.linear.scatter [tilespmem:s14], [sflag:$0x6], $0x2000, $0x38;
	[tilespmem:$0x1E000] =	vst v63  }
0x1f: {  	_ =	swait.ge [sflag:s15], $0x2000  }
0x20: {  	[sflag:s15] =	ssyncset.done $0x0  }
0x21: {  	[sflag:s15] =	ssyncadd.s32 $0xFFFFE000  }
0x22: {  	[spmem:s10] =	stream.linear.scatter [tilespmem:s14], [sflag:$0x6], $0x2000, $0x38;
	[tilespmem:$0x1E000] =	vst v63  }
0x23: {  	_ =	swait.ge [sflag:s15], $0x2000  }
0x24: {  	[sflag:s15] =	ssyncset.done $0x0  }
0x25: {  	[sflag:s15] =	ssyncadd.s32 $0xFFFFE000  }
0x26: {  	[spmem:s11] =	stream.linear.scatter [tilespmem:s14], [sflag:$0x6], $0x2000, $0x38;
	[tilespmem:$0x1E000] =	vst v63  }
0x27: {  	_ =	swait.ge [sflag:s15], $0x2000  }
0x28: {  	[sflag:s15] =	ssyncset.done $0x0  }
0x29: {  	[sflag:s15] =	ssyncadd.s32 $0xFFFFE000  }
0x2a: {  	[spmem:s12] =	stream.linear.scatter [tilespmem:s14], [sflag:$0x6], $0x2000, $0x38;
	[tilespmem:$0x1E000] =	vst v63  }
0x2b: {  	_ =	swait.ge [sflag:s15], $0x2000  }
0x2c: {  	[sflag:s15] =	ssyncset.done $0x0  }
0x2d: {  	[sflag:s15] =	ssyncadd.s32 $0xFFFFE000  }
0x2e: {  	[spmem:s13] =	stream.linear.scatter [tilespmem:s14], [sflag:$0x6], $0x2000, $0x38;
	[tilespmem:$0x1E000] =	vst v63  }
0x2f: {  	_ =	swait.ge [sflag:s15], $0x2000  }
0x30: {  	[sflag:s15] =	ssyncset.done $0x0  }
0x31: {  	s0 =	simm.s32 $0x0;
	[sflag:s15] =	ssyncadd.s32 $0xFFFFE000  }
0x32: {  	[tilespmem:s0], [sflag:$0x6] =	stream.linear.gather [hbm4b:s6+s0], $0x5000, $0x38;
	[tilespmem:$0x1E000] =	vst v63  }
0x33: {  	_ =	swait.ge [sflag:s15], $0x5000  }
0x34: {  	[sflag:s15] =	ssyncset.done $0x0  }
0x35: {  	s1 =	simm.s32 $0x5000;
	[sflag:s15] =	ssyncadd.s32 $0xFFFFB000  }
0x36: {  	[tilespmem:s1], [sflag:$0x6] =	stream.linear.gather [hbm4b:s7+s0], $0x5000, $0x38;
	[tilespmem:$0x1E000] =	vst v63  }
0x37: {  	_ =	swait.ge [sflag:s15], $0x5000  }
0x38: {  	[sflag:s15] =	ssyncset.done $0x0  }
0x39: {  	[sflag:s15] =	ssyncadd.s32 $0xFFFFB000  }
0x3a: {  	[bflag:$0x0] =	sbarrier.arrive $0xFFFF  }
0x3b: {  	[tilespmem:s14], [sflag:$0x1] =	stream.indirect.gather [hbm4b:s4+s17], $0x40, s0, s17, $0xb8;
	[tilespmem:$0x1E000] =	vst v63  }
0x3c: {  	_ = 	snop  }
0x3d: {  	[tilespmem:s18], [sflag:$0x2] =	stream.indirect.gather [hbm4b:s4+s17], $0x40, s17, s17, $0xb8;
	[tilespmem:$0x1E000] =	vst v63  }
0x3e: {  	s1 =	simm.s32 $0x100  }
0x3f: {  	[tilespmem:s20], [sflag:$0x3] =	stream.indirect.gather [hbm4b:s4+s17], $0x40, s1, s17, $0xb8;
	[tilespmem:$0x1E000] =	vst v63  }
0x40: {  	s16 =	simm.s32 $0x180  }
0x41: {  	[tilespmem:s22], [sflag:$0x4] =	stream.indirect.gather [hbm4b:s4+s17], $0x40, s16, s17, $0xb8;
	[tilespmem:$0x1E000] =	vst v63  }
0x42: {  	s19 =	simm.s32 $0x200  }
0x43: {  	[tilespmem:s24], [sflag:$0x5] =	stream.indirect.gather [hbm4b:s4+s17], $0x40, s19, s17, $0xb8;
	[tilespmem:$0x1E000] =	vst v63  }
0x44: {  	_ =	swait.ge [sflag:s26], $0x2000  }
0x45: {  	[sflag:s26] =	ssyncset.done $0x0  }
0x46: {  	s1 =	simm.s32 $0x5000;
	[sflag:s26] =	ssyncadd.s32 $0xFFFFE000  }
0x47: {  	[spmem:s2] =	stream.indirect.scatter.add.f32 [tilespmem:s14], [sflag:$0x6], $0x40, s1, s17, $0xb8;
	[tilespmem:$0x1E000] =	vst v63  }
0x48: {  	_ =	swait.ge [sflag:s15], $0x2000  }
0x49: {  	[sflag:s15] =	ssyncset.done $0x0  }
0x4a: {  	s16 =	simm.s32 $0x280;
	[sflag:s15] =	ssyncadd.s32 $0xFFFFE000  }
0x4b: {  	[tilespmem:s14], [sflag:$0x1] =	stream.indirect.gather [hbm4b:s4+s17], $0x40, s16, s17, $0xb8;
	[tilespmem:$0x1E000] =	vst v63  }
0x4c: {  	_ =	swait.ge [sflag:s28], $0x2000  }
0x4d: {  	[sflag:s28] =	ssyncset.done $0x0  }
0x4e: {  	s19 =	simm.s32 $0x5080;
	[sflag:s28] =	ssyncadd.s32 $0xFFFFE000  }
0x4f: {  	[spmem:s2] =	stream.indirect.scatter.add.f32 [tilespmem:s18], [sflag:$0x6], $0x40, s19, s17, $0xb8;
	[tilespmem:$0x1E000] =	vst v63  }
0x50: {  	_ =	swait.ge [sflag:s15], $0x2000  }
0x51: {  	[sflag:s15] =	ssyncset.done $0x0  }
0x52: {  	s1 =	simm.s32 $0x300;
	[sflag:s15] =	ssyncadd.s32 $0xFFFFE000  }
0x53: {  	[tilespmem:s18], [sflag:$0x2] =	stream.indirect.gather [hbm4b:s4+s17], $0x40, s1, s17, $0xb8;
	[tilespmem:$0x1E000] =	vst v63  }
0x54: {  	_ =	swait.ge [sflag:s29], $0x2000  }
0x55: {  	[sflag:s29] =	ssyncset.done $0x0  }
0x56: {  	s16 =	simm.s32 $0x5100;
	[sflag:s29] =	ssyncadd.s32 $0xFFFFE000  }
0x57: {  	[spmem:s2] =	stream.indirect.scatter.add.f32 [tilespmem:s20], [sflag:$0x6], $0x40, s16, s17, $0xb8;
	[tilespmem:$0x1E000] =	vst v63  }
0x58: {  	_ =	swait.ge [sflag:s15], $0x2000  }
0x59: {  	[sflag:s15] =	ssyncset.done $0x0  }
0x5a: {  	s19 =	simm.s32 $0x380;
	[sflag:s15] =	ssyncadd.s32 $0xFFFFE000  }
0x5b: {  	[tilespmem:s20], [sflag:$0x3] =	stream.indirect.gather [hbm4b:s4+s17], $0x40, s19, s17, $0xb8;
	[tilespmem:$0x1E000] =	vst v63  }
0x5c: {  	_ =	swait.ge [sflag:s30], $0x2000  }
0x5d: {  	[sflag:s30] =	ssyncset.done $0x0  }
0x5e: {  	s1 =	simm.s32 $0x5180;
	[sflag:s30] =	ssyncadd.s32 $0xFFFFE000  }
0x5f: {  	[spmem:s2] =	stream.indirect.scatter.add.f32 [tilespmem:s22], [sflag:$0x6], $0x40, s1, s17, $0xb8;
	[tilespmem:$0x1E000] =	vst v63  }
0x60: {  	_ =	swait.ge [sflag:s15], $0x2000  }
0x61: {  	[sflag:s15] =	ssyncset.done $0x0  }
0x62: {  	s16 =	simm.s32 $0x400;
	[sflag:s15] =	ssyncadd.s32 $0xFFFFE000  }
0x63: {  	[tilespmem:s22], [sflag:$0x4] =	stream.indirect.gather [hbm4b:s4+s17], $0x40, s16, s17, $0xb8;
	[tilespmem:$0x1E000] =	vst v63  }
0x64: {  	_ =	swait.ge [sflag:s31], $0x2000  }
0x65: {  	[sflag:s31] =	ssyncset.done $0x0  }
0x66: {  	s19 =	simm.s32 $0x5200;
	[sflag:s31] =	ssyncadd.s32 $0xFFFFE000  }
0x67: {  	[spmem:s2] =	stream.indirect.scatter.add.f32 [tilespmem:s24], [sflag:$0x6], $0x40, s19, s17, $0xb8;
	[tilespmem:$0x1E000] =	vst v63  }
0x68: {  	_ =	swait.ge [sflag:s15], $0x2000  }
0x69: {  	[sflag:s15] =	ssyncset.done $0x0  }
0x6a: {  	s0 =	simm.s32 $0x480;
	s1 =	simm.s32 $0xA00;
	[sflag:s15] =	ssyncadd.s32 $0xFFFFE000  }
.LBB2_4:
0x6b: {  	[tilespmem:s24], [sflag:$0x5] =	stream.indirect.gather [hbm4b:s4+s17], $0x40, s0, s17, $0xb8;
	[tilespmem:$0x1E000] =	vst v63  }
0x6c: {  	s0 =	smov.u32 s1  }
0x6d: {  	p0 =	sne.s32 s1, $0x12C00;
	s1 =	sadd.s32 $0xA00, s1;
	_ =	swait.ge [sflag:s26], $0x2000  }
0x6e: {  	s0 =	sshra.s32 s0, $0x2;
	[sflag:s26] =	ssyncset.done $0x0  }
0x6f: {  	s16 =	sadd.s32 $0x5000, s0;
	[sflag:s26] =	ssyncadd.s32 $0xFFFFE000  }
0x70: {  	[spmem:s2] =	stream.indirect.scatter.add.f32 [tilespmem:s14], [sflag:$0x6], $0x40, s16, s17, $0xb8;
	[tilespmem:$0x1E000] =	vst v63  }
0x71: {  	_ =	swait.ge [sflag:s15], $0x2000  }
0x72: {  	[sflag:s15] =	ssyncset.done $0x0  }
0x73: {  	s16 =	sadd.s32 $0x280, s0;
	[sflag:s15] =	ssyncadd.s32 $0xFFFFE000  }
0x74: {  	[tilespmem:s14], [sflag:$0x1] =	stream.indirect.gather [hbm4b:s4+s17], $0x40, s16, s17, $0xb8;
	[tilespmem:$0x1E000] =	vst v63  }
0x75: {  	_ =	swait.ge [sflag:s28], $0x2000  }
0x76: {  	[sflag:s28] =	ssyncset.done $0x0  }
0x77: {  	s16 =	sadd.s32 $0x5080, s0;
	[sflag:s28] =	ssyncadd.s32 $0xFFFFE000  }
0x78: {  	[spmem:s2] =	stream.indirect.scatter.add.f32 [tilespmem:s18], [sflag:$0x6], $0x40, s16, s17, $0xb8;
	[tilespmem:$0x1E000] =	vst v63  }
0x79: {  	_ =	swait.ge [sflag:s15], $0x2000  }
0x7a: {  	[sflag:s15] =	ssyncset.done $0x0  }
0x7b: {  	s16 =	sadd.s32 $0x300, s0;
	[sflag:s15] =	ssyncadd.s32 $0xFFFFE000  }
0x7c: {  	[tilespmem:s18], [sflag:$0x2] =	stream.indirect.gather [hbm4b:s4+s17], $0x40, s16, s17, $0xb8;
	[tilespmem:$0x1E000] =	vst v63  }
0x7d: {  	_ =	swait.ge [sflag:s29], $0x2000  }
0x7e: {  	[sflag:s29] =	ssyncset.done $0x0  }
0x7f: {  	s16 =	sadd.s32 $0x5100, s0;
	[sflag:s29] =	ssyncadd.s32 $0xFFFFE000  }
0x80: {  	[spmem:s2] =	stream.indirect.scatter.add.f32 [tilespmem:s20], [sflag:$0x6], $0x40, s16, s17, $0xb8;
	[tilespmem:$0x1E000] =	vst v63  }
0x81: {  	_ =	swait.ge [sflag:s15], $0x2000  }
0x82: {  	[sflag:s15] =	ssyncset.done $0x0  }
0x83: {  	s16 =	sadd.s32 $0x380, s0;
	[sflag:s15] =	ssyncadd.s32 $0xFFFFE000  }
0x84: {  	[tilespmem:s20], [sflag:$0x3] =	stream.indirect.gather [hbm4b:s4+s17], $0x40, s16, s17, $0xb8;
	[tilespmem:$0x1E000] =	vst v63  }
0x85: {  	_ =	swait.ge [sflag:s30], $0x2000  }
0x86: {  	[sflag:s30] =	ssyncset.done $0x0  }
0x87: {  	s16 =	sadd.s32 $0x5180, s0;
	[sflag:s30] =	ssyncadd.s32 $0xFFFFE000  }
0x88: {  	[spmem:s2] =	stream.indirect.scatter.add.f32 [tilespmem:s22], [sflag:$0x6], $0x40, s16, s17, $0xb8;
	[tilespmem:$0x1E000] =	vst v63  }
0x89: {  	_ =	swait.ge [sflag:s15], $0x2000  }
0x8a: {  	[sflag:s15] =	ssyncset.done $0x0  }
0x8b: {  	s16 =	sadd.s32 $0x400, s0;
	[sflag:s15] =	ssyncadd.s32 $0xFFFFE000  }
0x8c: {  	[tilespmem:s22], [sflag:$0x4] =	stream.indirect.gather [hbm4b:s4+s17], $0x40, s16, s17, $0xb8;
	[tilespmem:$0x1E000] =	vst v63  }
0x8d: {  	_ =	swait.ge [sflag:s31], $0x2000  }
0x8e: {  	[sflag:s31] =	ssyncset.done $0x0  }
.Ltmp1:
0x8f: {  	s16 =	sadd.s32 $0x5200, s0;
	[sflag:s31] =	ssyncadd.s32 $0xFFFFE000;
	(pc) =	sbr.rel @p0 .LBB2_4-.Ltmp1, $4  }
0x90: {  	[spmem:s2] =	stream.indirect.scatter.add.f32 [tilespmem:s24], [sflag:$0x6], $0x40, s16, s17, $0xb8;
	[tilespmem:$0x1E000] =	vst v63  }
0x91: {  	_ =	swait.ge [sflag:s15], $0x2000  }
0x92: {  	[sflag:s15] =	ssyncset.done $0x0  }
0x93: {  	s0 =	sadd.s32 $0x480, s0;
	[sflag:s15] =	ssyncadd.s32 $0xFFFFE000  }
0x94: {  	[tilespmem:s24], [sflag:$0x5] =	stream.indirect.gather [hbm4b:s4+s17], $0x40, s0, s17, $0xb8;
	[tilespmem:$0x1E000] =	vst v63  }
0x95: {  	_ =	swait.ge [sflag:s26], $0x2000  }
0x96: {  	[sflag:s26] =	ssyncset.done $0x0  }
0x97: {  	s16 =	simm.s32 $0x9D80;
	[sflag:s26] =	ssyncadd.s32 $0xFFFFE000  }
0x98: {  	[spmem:s2] =	stream.indirect.scatter.add.f32 [tilespmem:s14], [sflag:$0x6], $0x40, s16, s17, $0xb8;
	[tilespmem:$0x1E000] =	vst v63  }
0x99: {  	_ =	swait.ge [sflag:s15], $0x2000  }
0x9a: {  	[sflag:s15] =	ssyncset.done $0x0  }
0x9b: {  	[sflag:s15] =	ssyncadd.s32 $0xFFFFE000  }
0x9c: {  	_ =	swait.ge [sflag:s28], $0x2000  }
0x9d: {  	[sflag:s28] =	ssyncset.done $0x0  }
0x9e: {  	s19 =	simm.s32 $0x9E00;
	[sflag:s28] =	ssyncadd.s32 $0xFFFFE000  }
0x9f: {  	[spmem:s2] =	stream.indirect.scatter.add.f32 [tilespmem:s18], [sflag:$0x6], $0x40, s19, s17, $0xb8;
	[tilespmem:$0x1E000] =	vst v63  }
0xa0: {  	_ =	swait.ge [sflag:s15], $0x2000  }
0xa1: {  	[sflag:s15] =	ssyncset.done $0x0  }
0xa2: {  	[sflag:s15] =	ssyncadd.s32 $0xFFFFE000  }
0xa3: {  	_ =	swait.ge [sflag:s29], $0x2000  }
0xa4: {  	[sflag:s29] =	ssyncset.done $0x0  }
0xa5: {  	s1 =	simm.s32 $0x9E80;
	[sflag:s29] =	ssyncadd.s32 $0xFFFFE000  }
0xa6: {  	[spmem:s2] =	stream.indirect.scatter.add.f32 [tilespmem:s20], [sflag:$0x6], $0x40, s1, s17, $0xb8;
	[tilespmem:$0x1E000] =	vst v63  }
0xa7: {  	_ =	swait.ge [sflag:s15], $0x2000  }
0xa8: {  	[sflag:s15] =	ssyncset.done $0x0  }
0xa9: {  	[sflag:s15] =	ssyncadd.s32 $0xFFFFE000  }
0xaa: {  	_ =	swait.ge [sflag:s30], $0x2000  }
0xab: {  	[sflag:s30] =	ssyncset.done $0x0  }
0xac: {  	s16 =	simm.s32 $0x9F00;
	[sflag:s30] =	ssyncadd.s32 $0xFFFFE000  }
0xad: {  	[spmem:s2] =	stream.indirect.scatter.add.f32 [tilespmem:s22], [sflag:$0x6], $0x40, s16, s17, $0xb8;
	[tilespmem:$0x1E000] =	vst v63  }
0xae: {  	_ =	swait.ge [sflag:s15], $0x2000  }
0xaf: {  	[sflag:s15] =	ssyncset.done $0x0  }
0xb0: {  	[sflag:s15] =	ssyncadd.s32 $0xFFFFE000  }
0xb1: {  	_ =	swait.ge [sflag:s31], $0x2000  }
0xb2: {  	[sflag:s31] =	ssyncset.done $0x0  }
0xb3: {  	[sflag:s31] =	ssyncadd.s32 $0xFFFFE000  }
0xb4: {  	[spmem:s2] =	stream.indirect.scatter.add.f32 [tilespmem:s24], [sflag:$0x6], $0x40, s21, s17, $0xb8;
	[tilespmem:$0x1E000] =	vst v63  }
0xb5: {  	_ =	swait.ge [sflag:s15], $0x2000  }
0xb6: {  	s23 =	sadd.s32 $0x1, s23;
	s19 =	stileid.u32;
	[sflag:s15] =	ssyncset.done $0x0  }
0xb7: {  	p0 =	sne.s32 s23, s9;
	s0 =	sshll.u32 s19, $0x6;
	[sflag:s15] =	ssyncadd.s32 $0xFFFFE000  }
.Ltmp2:
0xb8: {  	s0 =	sor.u32 $0x1C06, s0;
	[bflag:$0x0] =	sbarrier.arrive $0xFFFF;
	(pc) =	sbr.rel @p0 .LBB2_1-.Ltmp2, $4  }
0xb9: {  	[hbm:s8], [sflag:s0] =	dma.local [spmem:s25], $0x1400  }
0xba: {  	_ =	swait.ge [sflag:s15], $0x1400  }
0xbb: {  	[sflag:s15] =	ssyncset.done $0x0  }
0xbc: {  	[sflag:s15] =	ssyncadd.s32 $0xFFFFEC00  }
0xbd: {  	_ =	sfence.sel $0x180000  }
0xbe: {  	[bflag:$0x0] =	sbarrier.arrive $0xFFFF  }
0xbf: {  	_ =	strace $0x9000004D  }
0xc0: {  	s0 =	stileid.u32;
	[bflag:$0x2] =	sbarrier.arrive $0xFFFF  }
0xc1: {  	p0 =	sne.s32 s0, $0x0;
	s0 =	rddreg [dreg:$0x2]  }
0xc2: {  	s0 =	sadd.s32 @!p0 $0x100000, s0  }
0xc3: {  	[sflag:s0] =	ssyncadd.tile.s32 @!p0 $0x1;
	_ =	shalt  }
.Lfunc_end2:
_tile_overlayer_lowered:
.L_overlay_start_2:
0xc4: {  	(tag) =	ssettag $0x2  }
0xc5: {  	s0 =	rddreg [dreg:$0x0];
	s2 =	stileid.u32  }
0xc6: {  	s1 =	rddreg [dreg:$0x1];
	p0 =	sne.s32 s2, $0x0  }
0xc7: {  	s3 =	rddreg [dreg:$0x2];
	[bflag:$0x3] =	sbarrier.arrive $0xFFFF;
	s2 =	simm.s32 @!p0 $0x1C06  }
0xc8: {  	[timem:s3], [sflag:s2] =	dma.local @!p0 [hbm:s0], s1  }
0xc9: {  	s0 =	simm.s32 @!p0 $0x6  }
0xca: {  	_ =	swait.ge @!p0 [sflag:s0], s1  }
0xcb: {  	s1 =	ssub.s32 @!p0 $0x0, s1;
	[sflag:s0] =	ssyncset.done @!p0 $0x0  }
0xcc: {  	[sflag:s0] =	ssyncadd.s32 @!p0 s1  }
0xcd: {  	[bflag:$0x3] =	sbarrier.arrive $0xFFFF  }
0xce: {  	_ =	shalt  }

// kernel: kernel.9.cloned.1.call-start
scs
__scs_entry_jumppad:
0x0: {  	(pc) =	sbr.rel $0x88, $3  }
0x1: {  	(tag) =	ssettag $0x0;
	lr =	simm.s32 $0x1  }
0x2: {  	[smem:$0x3F97] =	sst lr;
	_ =	strace $0xD0000000  }
0x3: {  	_ = 	snop  }
0x4: {  	_ = 	snop  }
0x5: {  	_ = 	snop  }
0x6: {  	_ = 	snop  }
0x7: {  	_ = 	snop  }
__scs_overlays_trampoline_lowered:
0x8: {  	[smem:$0x3FA6] =	sst s0  }
0x9: {  	[smem:$0x3FA7] =	sst s1  }
0xa: {  	[smem:$0x3FA8] =	sst s2  }
0xb: {  	[smem:$0x3FA9] =	sst s3  }
0xc: {  	[smem:$0x3FAA] =	sst s4  }
0xd: {  	[smem:$0x3FAB] =	sst s5  }
0xe: {  	[smem:$0x3FAC] =	sst s6  }
0xf: {  	[smem:$0x3FAD] =	sst s7  }
0x10: {  	[smem:$0x3FAE] =	sst s8  }
0x11: {  	[smem:$0x3FAF] =	sst s9;
	s0 =	simm.s32 @!p0 $0x0  }
0x12: {  	s1 =	sld [smem:$0x3F95];
	s0 =	simm.s32 @p0 $0x1  }
0x13: {  	[smem:$0x3FB0] =	sst s0;
	s0 =	simm.s32 @!p1 $0x0  }
0x14: {  	s2 =	sld [smem:$0x3F94];
	s0 =	simm.s32 @p1 $0x1  }
0x15: {  	[smem:$0x3FB1] =	sst s0;
	s0 =	simm.s32 @!p2 $0x0  }
0x16: {  	s3 =	sld [smem:$0x3FDB];
	s0 =	simm.s32 @p2 $0x1  }
0x17: {  	s4 =	simm.s32 $0x1BF5;
	[smem:$0x3FB3] =	sst s0  }
0x18: {  	s0 =	sld [smem:$0x3F96];
	_ =	swait.ge [sflag:s4], $0x0  }
0x19: {  	s7 =	sld [smem:$0x3F97]  }
0x1a: {  	s8 =	sadd.s32 $0xFFFFE003, lr  }
0x1b: {  	s9 =	sadd.s32 $0xFFFFFEF7, lr;
	s5 =	simm.s32 $0xFFFFFFFF;
	p2 =	slt.u32 s8, $0xFFFFF086  }
0x1c: {  	p1 =	slt.u32 s9, $0xF7A;
	s5 =	simm.s32 @!p2 $0x0  }
0x1d: {  	s5 =	simm.s32 @p1 $0x1;
	p0 =	seq.s32 s7, s2  }
0x1e: {  	s7 =	smul.u32 @!p0 $0xF7A, s2;
	p2 =	seq.s32 @!p0 s5, $0x0  }
0x1f: {  	s9 =	smul.u32 $0xF7A, s1;
	s8 =	simm.s32 @!p0 $0x1BF5;
	p2 =	por !p2, p0  }
0x20: {  	[sflag:s8] =	ssyncset.s32 @!p0 $0xFFFFF086;
	s6 =	sadd.s32 @!p0 s3, s7;
	s7 =	simm.s32 @!p0 $0x108  }
0x21: {  	s3 =	sadd.s32 s3, s9;
	s6 =	sadd.s32 @!p0 $0x88, s6;
	s7 =	simm.s32 @p2 $0x1082  }
0x22: {  	[simem:s7], [sflag:s8] =	dma.local @!p0 [hbm:s6], $0xF7A  }
0x23: {  	s9 =	sor.u32 $0xD0000000, s2;
	s6 =	simm.s32 $0x108;
	_ =	swait.ge @!p0 [sflag:s8], $0x0  }
0x24: {  	s3 =	sadd.s32 $0x88, s3;
	s6 =	simm.s32 @!p1 $0x1082;
	[sflag:s4] =	ssyncset.s32 $0xFFFFF086  }
0x25: {  	[simem:s6], [sflag:s4] =	dma.local [hbm:s3], $0xF7A  }
0x26: {  	[smem:$0x3F97] =	sst s1;
	(tag) =	ssettag s2;
	_ =	strace s9  }
0x27: {  	s1 =	sld [smem:$0x3FA7]  }
0x28: {  	s2 =	sld [smem:$0x3FA8]  }
0x29: {  	s4 =	sld [smem:$0x3FAA]  }
0x2a: {  	p0 =	seq.s32 s5, $0x0;
	s5 =	sld [smem:$0x3FAB]  }
0x2b: {  	s6 =	sld [smem:$0x3FAC]  }
0x2c: {  	s7 =	sld [smem:$0x3FAD]  }
0x2d: {  	s3 =	simm.s32 $0x108;
	s8 =	sld [smem:$0x3FAE]  }
0x2e: {  	s3 =	simm.s32 @!p0 $0x1082;
	s9 =	sld [smem:$0x3FAF]  }
0x2f: {  	lr =	sadd.s32 s0, s3;
	s0 =	sld [smem:$0x3FA6]  }
0x30: {  	s3 =	sld [smem:$0x3FA9]  }
0x31: {  	[smem:$0x3FB2] =	sst s10  }
0x32: {  	s10 =	sld [smem:$0x3FB0];
	_ =	sdelay $0x3  }
0x33: {  	p0 =	seq.s32 s10, $0x1;
	s10 =	sld [smem:$0x3FB2];
	_ =	sdelay $0x3  }
0x34: {  	[smem:$0x3FB2] =	sst s10  }
0x35: {  	s10 =	sld [smem:$0x3FB1];
	_ =	sdelay $0x3  }
0x36: {  	p1 =	seq.s32 s10, $0x1;
	s10 =	sld [smem:$0x3FB2];
	_ =	sdelay $0x3  }
0x37: {  	[smem:$0x3FB2] =	sst s10  }
0x38: {  	s10 =	sld [smem:$0x3FB3]  }
0x39: {  	_ = 	snop;
	(pc) =	sbr.ind lr, $3  }
0x3a: {  	_ = 	snop  }
0x3b: {  	_ = 	snop  }
0x3c: {  	p2 =	seq.s32 s10, $0x1;
	s10 =	sld [smem:$0x3FB2]  }
0x3d: {  	_ =	shalt  }
0x3e: {  	_ =	shalt  }
0x3f: {  	_ =	shalt  }
0x40: {  	_ =	shalt  }
0x41: {  	_ =	shalt  }
0x42: {  	_ =	shalt  }
0x43: {  	_ =	shalt  }
0x44: {  	_ =	shalt  }
0x45: {  	_ =	shalt  }
0x46: {  	_ =	shalt  }
0x47: {  	_ =	shalt  }
0x48: {  	_ =	shalt  }
0x49: {  	_ =	shalt  }
0x4a: {  	_ =	shalt  }
0x4b: {  	_ =	shalt  }
0x4c: {  	_ =	shalt  }
0x4d: {  	_ =	shalt  }
0x4e: {  	_ =	shalt  }
0x4f: {  	_ =	shalt  }
0x50: {  	_ =	shalt  }
0x51: {  	_ =	shalt  }
0x52: {  	_ =	shalt  }
0x53: {  	_ =	shalt  }
0x54: {  	_ =	shalt  }
0x55: {  	_ =	shalt  }
0x56: {  	_ =	shalt  }
0x57: {  	_ =	shalt  }
0x58: {  	_ =	shalt  }
0x59: {  	_ =	shalt  }
0x5a: {  	_ =	shalt  }
0x5b: {  	_ =	shalt  }
0x5c: {  	_ =	shalt  }
0x5d: {  	_ =	shalt  }
0x5e: {  	_ =	shalt  }
0x5f: {  	_ =	shalt  }
0x60: {  	_ =	shalt  }
0x61: {  	_ =	shalt  }
0x62: {  	_ =	shalt  }
0x63: {  	_ =	shalt  }
0x64: {  	_ =	shalt  }
0x65: {  	_ =	shalt  }
0x66: {  	_ =	shalt  }
0x67: {  	_ =	shalt  }
0x68: {  	_ =	shalt  }
0x69: {  	_ =	shalt  }
0x6a: {  	_ =	shalt  }
0x6b: {  	_ =	shalt  }
0x6c: {  	_ =	shalt  }
0x6d: {  	_ =	shalt  }
0x6e: {  	_ =	shalt  }
0x6f: {  	_ =	shalt  }
0x70: {  	_ =	shalt  }
0x71: {  	_ =	shalt  }
0x72: {  	_ =	shalt  }
0x73: {  	_ =	shalt  }
0x74: {  	_ =	shalt  }
0x75: {  	_ =	shalt  }
0x76: {  	_ =	shalt  }
0x77: {  	_ =	shalt  }
0x78: {  	_ =	shalt  }
0x79: {  	_ =	shalt  }
0x7a: {  	_ =	shalt  }
0x7b: {  	_ =	shalt  }
0x7c: {  	_ =	shalt  }
0x7d: {  	_ =	shalt  }
0x7e: {  	_ =	shalt  }
0x7f: {  	_ =	shalt  }
0x80: {  	_ =	shalt  }
0x81: {  	_ =	shalt  }
0x82: {  	_ =	shalt  }
0x83: {  	_ =	shalt  }
0x84: {  	_ =	shalt  }
0x85: {  	_ =	shalt  }
0x86: {  	_ =	shalt  }
0x87: {  	_ =	shalt  }
.Lfunc_end0:
.L_simem_size_0:
called_computation_lowered:
.L_overlay_start_0:
0x88: {  	s2 =	sld [smem:$0x3FD9]  }
0x89: {  	s3 =	sld [smem:$0x3FFE];
	_ =	sdelay $0x1  }
0x8a: {  	s1 =	srdreg.scid  }
0x8b: {  	s0 =	sand.u32 $0x1, s1  }
0x8c: {  	s16 =	sshll.u32 s0, $0xA;
	s2 =	sadd.s32 s3, s2  }
0x8d: {  	s2 =	sadd.s32 s2, s16  }
0x8e: {  	[smem:$0x3FBE] =	sst s2  }
0x8f: {  	_ = 	snop  }
0x90: {  	(tm) =	ssettm $0x1  }
0x91: {  	s17 =	sld [smem:$0x3FFB];
	_ =	sdelay $0x3  }
0x92: {  	_ =	strace s17  }
0x93: {  	s2 =	sld [smem:$0x3FFC];
	_ =	sdelay $0x3  }
0x94: {  	_ =	strace s2  }
0x95: {  	s2 =	sld [smem:$0x3FFD];
	_ =	sdelay $0x3  }
0x96: {  	_ =	strace s2  }
0x97: {  	_ =	strace $0x8FFFFFFF  }
0x98: {  	s18 =	sld [smem:$0x3FDB];
	_ =	sdelay $0x1  }
0x99: {  	s19 =	simm.s32 $_scs_section_size  }
0x9a: {  	s4 =	simm.s32 $_size__tile_overlayer_lowered;
	s5 =	simm.s32 $_tile_overlayer_lowered  }
0x9b: {  	s22 =	simm.s32 $0x1BFF;
	s21 =	sshll.u32 s5, $0x1;
	s2 =	sadd.s32 s19, s18  }
0x9c: {  	s6 =	simm.s32 $0x0;
	s20 =	sshll.u32 s4, $0x1;
	s4 =	sadd.s32 s21, s2  }
0x9d: {  	[timem:s6], [sflag:s22] =	dma.local [hbm:s4], s20  }
0x9e: {  	_ =	swait.ge [sflag:s22], s20  }
0x9f: {  	s3 =	ssub.s32 $0x0, s20;
	[sflag:s22] =	ssyncset.done $0x0  }
0xa0: {  	[sflag:s22] =	ssyncadd.s32 s3;
	_ =	sdelay $0x1  }
0xa1: {  	s23 =	simm.s32 $0x1B8B  }
0xa2: {  	_ =	swait.ge [sflag:s23], $0x1  }
0xa3: {  	[sflag:s23] =	ssyncset.done $0x0  }
0xa4: {  	s25 =	simm.s32 $0x1B8E;
	s24 =	sld [smem:$0x3FFE];
	[sflag:s23] =	ssyncadd.s32 $0xFFFFFFFF  }
0xa5: {  	s26 =	simm.s32 $execute0_lowered;
	[smem:$0x3FD2] =	sst s25  }
0xa6: {  	s4 =	sshll.u32 s26, $0x1;
	_ =	strace $0x80000046;
	[dreg:$0x1] =	wrdreg $0xFFFFFFFF  }
0xa7: {  	s28 =	simm.s32 $_size_execute0_lowered;
	s2 =	sadd.s32 s2, s4;
	[dreg:$0x0] =	wrdreg $0x0  }
0xa8: {  	s4 =	sshll.u32 s28, $0x1;
	[dreg:$0x2] =	wrdreg s2  }
0xa9: {  	[dreg:$0x3] =	wrdreg s4  }
0xaa: {  	[dreg:$0x4] =	wrdreg $0xC0  }
0xab: {  	_ =	task [dreg:s6], $0x5FFFF  }
0xac: {  	[dreg:$0x1] =	wrdreg $0xFFFFFFFF  }
0xad: {  	[dreg:$0x0] =	wrdreg $0x60  }
0xae: {  	[dreg:$0x2] =	wrdreg s24  }
0xaf: {  	[dreg:$0x3] =	wrdreg $0x140000  }
0xb0: {  	[dreg:$0x4] =	wrdreg $0x9  }
0xb1: {  	_ =	task.clear_ibuf [dreg:s6], $0x5FFFF;
	_ =	strace $0x90000046  }
0xb2: {  	s29 =	simm.s32 $0x9;
	_ =	strace $0x80000048  }
0xb3: {  	_ =	swait.ge [sflag:s29], $0x1  }
0xb4: {  	[sflag:s29] =	ssyncadd.s32 $0xFFFFFFFF  }
0xb5: {  	_ =	strace $0x90000048  }
0xb6: {  	_ =	sfence  }
0xb7: {  	s30 =	sld [smem:$0x0];
	_ =	sdelay $0x2  }
0xb8: {  	s31 =	sshll.u32 s1, $0xD;
	s1 =	sshrl.u32 s1, $0x2  }
0xb9: {  	s3 =	sand.u32 $0x4000, s31;
	s1 =	sadd.s32 s1, s30  }
0xba: {  	s0 =	sor.u32 s3, s0;
	s1 =	sshll.u32 s1, $0x11  }
0xbb: {  	s0 =	sor.u32 s1, s0  }
0xbc: {  	s0 =	sadd.s32 $0x8F2B, s0  }
0xbd: {  	[sflag:s0] =	ssyncadd.remote.s32 $0x1  }
0xbe: {  	_ =	sfence.sel $0xFFFF  }
0xbf: {  	[dreg:$0x0] =	wrdreg $0xFFFFFFFF;
	(pc) =	sbr.abs _section_cstart, $3  }
0xc0: {  	[dreg:$0x1] =	wrdreg $0xFFFFFFFF  }
0xc1: {  	_ =	task.clear_ibuf [dreg:s6], $0x2FFFF;
	_ =	strace $0x9FFFFFFF  }
0xc2: {  	(tm) =	ssettm $0x7FFFFFFF  }
0xc3: {  	_ =	shalt  }
tec
execute0_lowered:
.L_overlay_start_1:
0x0: {  	(tag) =	ssettag $0x1  }
0x1: {  	s0 =	srdreg.scid  }
0x2: {  	s8 =	stileid.u32;
	s1 =	rddreg [dreg:$0x0]  }
0x3: {  	s2 =	rddreg [dreg:$0x1];
	s3 =	simm.s32 $0x0;
	s14 =	simm.s32 $0xA000  }
0x4: {  	s15 =	simm.s32 $0x6;
	s17 =	simm.s32 $0x80;
	s18 =	simm.s32 $0xC000  }
0x5: {  	s20 =	simm.s32 $0xE000;
	s22 =	simm.s32 $0x10000;
	s5 =	smul.u32 $0x5000, s8  }
0x6: {  	s28 =	simm.s32 $0x2;
	s29 =	simm.s32 $0x3;
	s9 =	smul.u32 $0xA000, s8  }
0x7: {  	s30 =	simm.s32 $0x4;
	s0 =	sand.u32 $0x1, s0;
	s8 =	smul.u32 $0x28000, s8  }
0x8: {  	s31 =	simm.s32 $0x5;
	s21 =	simm.s32 $0x9F80;
	s4 =	smul.u32 $0x50000, s0  }
0x9: {  	[smem:$0x7FF] =	sst s3;
	s6 =	smul.u32 $0xA0000, s0;
	s0 =	ssub.s32 $0x2, s0  }
0xa: {  	_ =	strace $0x80000047;
	s24 =	sshrl.u32 s0, $0x1;
	s25 =	sshrl.u32 s8, $0x2  }
0xb: {  	s26 =	sadd.s32 s9, s2;
	s4 =	sadd.s32 s5, s4;
	s5 =	sshrl.u32 s5, $0x3  }
0xc: {  	s6 =	sadd.s32 s9, s6;
	s0 =	ssub.s32 s0, s24;
	s24 =	simm.s32 $0x12000  }
0xd: {  	s7 =	sshrl.u32 s4, $0x3;
	s4 =	sadd.s32 $0x15600, s1;
	s10 =	sadd.s32 s5, s1  }
0xe: {  	s23 =	sshrl.u32 s6, $0x3;
	s5 =	sadd.s32 s25, s2;
	s9 =	smax.u32 s0, $0x1  }
0xf: {  	s25 =	sshrl.u32 s26, $0x3;
	s26 =	simm.s32 $0x1;
	s7 =	sadd.s32 s7, s1  }
0x10: {  	s1 =	sadd.s32 s23, s1;
	s11 =	sadd.s32 $0x4000, s5;
	s12 =	sadd.s32 $0x6000, s5  }
0x11: {  	s13 =	sadd.s32 $0x8000, s5;
	s23 =	simm.s32 $0x0;
	s6 =	sadd.s32 $0x1600, s7  }
0x12: {  	v0 =	vimm.f32 $0.0e+00;
	s7 =	sadd.s32 $0x3D600, s10;
	s8 =	sadd.s32 $0x47600, s1;
	s10 =	sadd.s32 $0x2000, s5  }
.LBB2_1:
0x13: {  	s0 =	sand.u32 $0x7F00, s3  }
0x14: {  	s1 =	sand.u32 $0x30, s3;
	s16 =	sshrl.u32 s0, $0x2  }
0x15: {  	s0 =	simm.s32 $0x40;
	s16 =	sor.u32 s1, s16;
	s1 =	simm.s32 $0x0  }
.LBB2_2:
0x16: {  	p0 =	sne.s32 s0, $0x7FC0  }
0x17: {  	[tilespmem:s16+$0xA000] =	vst v0;
	s1 =	sadd.s32 $0x10, s1;
	s16 =	smov.u32 s0;
	s0 =	sadd.s32 $0x40, s0  }
.Ltmp0:
0x18: {  	(pc) =	sbr.rel @p0 .LBB2_2-.Ltmp0, $4  }
0x19: {  	_ = 	snop  }
0x1a: {  	s16 =	sand.u32 $0x7F00, s16  }
0x1b: {  	s19 =	sand.u32 $0x30, s1;
	s16 =	sshrl.u32 s16, $0x2  }
0x1c: {  	s16 =	sor.u32 s19, s16  }
0x1d: {  	[tilespmem:s16+$0xA000] =	vst v0  }
0x1e: {  	[spmem:s5] =	stream.linear.scatter [tilespmem:s14], [sflag:$0x6], $0x2000, $0x38;
	[tilespmem:$0x1E000] =	vst v63  }
0x1f: {  	_ =	swait.ge [sflag:s15], $0x2000  }
0x20: {  	[sflag:s15] =	ssyncset.done $0x0  }
0x21: {  	[sflag:s15] =	ssyncadd.s32 $0xFFFFE000  }
0x22: {  	[spmem:s10] =	stream.linear.scatter [tilespmem:s14], [sflag:$0x6], $0x2000, $0x38;
	[tilespmem:$0x1E000] =	vst v63  }
0x23: {  	_ =	swait.ge [sflag:s15], $0x2000  }
0x24: {  	[sflag:s15] =	ssyncset.done $0x0  }
0x25: {  	[sflag:s15] =	ssyncadd.s32 $0xFFFFE000  }
0x26: {  	[spmem:s11] =	stream.linear.scatter [tilespmem:s14], [sflag:$0x6], $0x2000, $0x38;
	[tilespmem:$0x1E000] =	vst v63  }
0x27: {  	_ =	swait.ge [sflag:s15], $0x2000  }
0x28: {  	[sflag:s15] =	ssyncset.done $0x0  }
0x29: {  	[sflag:s15] =	ssyncadd.s32 $0xFFFFE000  }
0x2a: {  	[spmem:s12] =	stream.linear.scatter [tilespmem:s14], [sflag:$0x6], $0x2000, $0x38;
	[tilespmem:$0x1E000] =	vst v63  }
0x2b: {  	_ =	swait.ge [sflag:s15], $0x2000  }
0x2c: {  	[sflag:s15] =	ssyncset.done $0x0  }
0x2d: {  	[sflag:s15] =	ssyncadd.s32 $0xFFFFE000  }
0x2e: {  	[spmem:s13] =	stream.linear.scatter [tilespmem:s14], [sflag:$0x6], $0x2000, $0x38;
	[tilespmem:$0x1E000] =	vst v63  }
0x2f: {  	_ =	swait.ge [sflag:s15], $0x2000  }
0x30: {  	[sflag:s15] =	ssyncset.done $0x0  }
0x31: {  	s0 =	simm.s32 $0x0;
	[sflag:s15] =	ssyncadd.s32 $0xFFFFE000  }
0x32: {  	[tilespmem:s0], [sflag:$0x6] =	stream.linear.gather [hbm4b:s6+s0], $0x5000, $0x38;
	[tilespmem:$0x1E000] =	vst v63  }
0x33: {  	_ =	swait.ge [sflag:s15], $0x5000  }
0x34: {  	[sflag:s15] =	ssyncset.done $0x0  }
0x35: {  	s1 =	simm.s32 $0x5000;
	[sflag:s15] =	ssyncadd.s32 $0xFFFFB000  }
0x36: {  	[tilespmem:s1], [sflag:$0x6] =	stream.linear.gather [hbm4b:s7+s0], $0x5000, $0x38;
	[tilespmem:$0x1E000] =	vst v63  }
0x37: {  	_ =	swait.ge [sflag:s15], $0x5000  }
0x38: {  	[sflag:s15] =	ssyncset.done $0x0  }
0x39: {  	[sflag:s15] =	ssyncadd.s32 $0xFFFFB000  }
0x3a: {  	[bflag:$0x0] =	sbarrier.arrive $0xFFFF  }
0x3b: {  	[tilespmem:s14], [sflag:$0x1] =	stream.indirect.gather [hbm4b:s4+s17], $0x40, s0, s17, $0xb8;
	[tilespmem:$0x1E000] =	vst v63  }
0x3c: {  	_ = 	snop  }
0x3d: {  	[tilespmem:s18], [sflag:$0x2] =	stream.indirect.gather [hbm4b:s4+s17], $0x40, s17, s17, $0xb8;
	[tilespmem:$0x1E000] =	vst v63  }
0x3e: {  	s1 =	simm.s32 $0x100  }
0x3f: {  	[tilespmem:s20], [sflag:$0x3] =	stream.indirect.gather [hbm4b:s4+s17], $0x40, s1, s17, $0xb8;
	[tilespmem:$0x1E000] =	vst v63  }
0x40: {  	s16 =	simm.s32 $0x180  }
0x41: {  	[tilespmem:s22], [sflag:$0x4] =	stream.indirect.gather [hbm4b:s4+s17], $0x40, s16, s17, $0xb8;
	[tilespmem:$0x1E000] =	vst v63  }
0x42: {  	s19 =	simm.s32 $0x200  }
0x43: {  	[tilespmem:s24], [sflag:$0x5] =	stream.indirect.gather [hbm4b:s4+s17], $0x40, s19, s17, $0xb8;
	[tilespmem:$0x1E000] =	vst v63  }
0x44: {  	_ =	swait.ge [sflag:s26], $0x2000  }
0x45: {  	[sflag:s26] =	ssyncset.done $0x0  }
0x46: {  	s1 =	simm.s32 $0x5000;
	[sflag:s26] =	ssyncadd.s32 $0xFFFFE000  }
0x47: {  	[spmem:s2] =	stream.indirect.scatter.add.f32 [tilespmem:s14], [sflag:$0x6], $0x40, s1, s17, $0xb8;
	[tilespmem:$0x1E000] =	vst v63  }
0x48: {  	_ =	swait.ge [sflag:s15], $0x2000  }
0x49: {  	[sflag:s15] =	ssyncset.done $0x0  }
0x4a: {  	s16 =	simm.s32 $0x280;
	[sflag:s15] =	ssyncadd.s32 $0xFFFFE000  }
0x4b: {  	[tilespmem:s14], [sflag:$0x1] =	stream.indirect.gather [hbm4b:s4+s17], $0x40, s16, s17, $0xb8;
	[tilespmem:$0x1E000] =	vst v63  }
0x4c: {  	_ =	swait.ge [sflag:s28], $0x2000  }
0x4d: {  	[sflag:s28] =	ssyncset.done $0x0  }
0x4e: {  	s19 =	simm.s32 $0x5080;
	[sflag:s28] =	ssyncadd.s32 $0xFFFFE000  }
0x4f: {  	[spmem:s2] =	stream.indirect.scatter.add.f32 [tilespmem:s18], [sflag:$0x6], $0x40, s19, s17, $0xb8;
	[tilespmem:$0x1E000] =	vst v63  }
0x50: {  	_ =	swait.ge [sflag:s15], $0x2000  }
0x51: {  	[sflag:s15] =	ssyncset.done $0x0  }
0x52: {  	s1 =	simm.s32 $0x300;
	[sflag:s15] =	ssyncadd.s32 $0xFFFFE000  }
0x53: {  	[tilespmem:s18], [sflag:$0x2] =	stream.indirect.gather [hbm4b:s4+s17], $0x40, s1, s17, $0xb8;
	[tilespmem:$0x1E000] =	vst v63  }
0x54: {  	_ =	swait.ge [sflag:s29], $0x2000  }
0x55: {  	[sflag:s29] =	ssyncset.done $0x0  }
0x56: {  	s16 =	simm.s32 $0x5100;
	[sflag:s29] =	ssyncadd.s32 $0xFFFFE000  }
0x57: {  	[spmem:s2] =	stream.indirect.scatter.add.f32 [tilespmem:s20], [sflag:$0x6], $0x40, s16, s17, $0xb8;
	[tilespmem:$0x1E000] =	vst v63  }
0x58: {  	_ =	swait.ge [sflag:s15], $0x2000  }
0x59: {  	[sflag:s15] =	ssyncset.done $0x0  }
0x5a: {  	s19 =	simm.s32 $0x380;
	[sflag:s15] =	ssyncadd.s32 $0xFFFFE000  }
0x5b: {  	[tilespmem:s20], [sflag:$0x3] =	stream.indirect.gather [hbm4b:s4+s17], $0x40, s19, s17, $0xb8;
	[tilespmem:$0x1E000] =	vst v63  }
0x5c: {  	_ =	swait.ge [sflag:s30], $0x2000  }
0x5d: {  	[sflag:s30] =	ssyncset.done $0x0  }
0x5e: {  	s1 =	simm.s32 $0x5180;
	[sflag:s30] =	ssyncadd.s32 $0xFFFFE000  }
0x5f: {  	[spmem:s2] =	stream.indirect.scatter.add.f32 [tilespmem:s22], [sflag:$0x6], $0x40, s1, s17, $0xb8;
	[tilespmem:$0x1E000] =	vst v63  }
0x60: {  	_ =	swait.ge [sflag:s15], $0x2000  }
0x61: {  	[sflag:s15] =	ssyncset.done $0x0  }
0x62: {  	s16 =	simm.s32 $0x400;
	[sflag:s15] =	ssyncadd.s32 $0xFFFFE000  }
0x63: {  	[tilespmem:s22], [sflag:$0x4] =	stream.indirect.gather [hbm4b:s4+s17], $0x40, s16, s17, $0xb8;
	[tilespmem:$0x1E000] =	vst v63  }
0x64: {  	_ =	swait.ge [sflag:s31], $0x2000  }
0x65: {  	[sflag:s31] =	ssyncset.done $0x0  }
0x66: {  	s19 =	simm.s32 $0x5200;
	[sflag:s31] =	ssyncadd.s32 $0xFFFFE000  }
0x67: {  	[spmem:s2] =	stream.indirect.scatter.add.f32 [tilespmem:s24], [sflag:$0x6], $0x40, s19, s17, $0xb8;
	[tilespmem:$0x1E000] =	vst v63  }
0x68: {  	_ =	swait.ge [sflag:s15], $0x2000  }
0x69: {  	[sflag:s15] =	ssyncset.done $0x0  }
0x6a: {  	s0 =	simm.s32 $0x480;
	s1 =	simm.s32 $0xA00;
	[sflag:s15] =	ssyncadd.s32 $0xFFFFE000  }
.LBB2_4:
0x6b: {  	[tilespmem:s24], [sflag:$0x5] =	stream.indirect.gather [hbm4b:s4+s17], $0x40, s0, s17, $0xb8;
	[tilespmem:$0x1E000] =	vst v63  }
0x6c: {  	s0 =	smov.u32 s1  }
0x6d: {  	p0 =	sne.s32 s1, $0x12C00;
	s1 =	sadd.s32 $0xA00, s1;
	_ =	swait.ge [sflag:s26], $0x2000  }
0x6e: {  	s0 =	sshra.s32 s0, $0x2;
	[sflag:s26] =	ssyncset.done $0x0  }
0x6f: {  	s16 =	sadd.s32 $0x5000, s0;
	[sflag:s26] =	ssyncadd.s32 $0xFFFFE000  }
0x70: {  	[spmem:s2] =	stream.indirect.scatter.add.f32 [tilespmem:s14], [sflag:$0x6], $0x40, s16, s17, $0xb8;
	[tilespmem:$0x1E000] =	vst v63  }
0x71: {  	_ =	swait.ge [sflag:s15], $0x2000  }
0x72: {  	[sflag:s15] =	ssyncset.done $0x0  }
0x73: {  	s16 =	sadd.s32 $0x280, s0;
	[sflag:s15] =	ssyncadd.s32 $0xFFFFE000  }
0x74: {  	[tilespmem:s14], [sflag:$0x1] =	stream.indirect.gather [hbm4b:s4+s17], $0x40, s16, s17, $0xb8;
	[tilespmem:$0x1E000] =	vst v63  }
0x75: {  	_ =	swait.ge [sflag:s28], $0x2000  }
0x76: {  	[sflag:s28] =	ssyncset.done $0x0  }
0x77: {  	s16 =	sadd.s32 $0x5080, s0;
	[sflag:s28] =	ssyncadd.s32 $0xFFFFE000  }
0x78: {  	[spmem:s2] =	stream.indirect.scatter.add.f32 [tilespmem:s18], [sflag:$0x6], $0x40, s16, s17, $0xb8;
	[tilespmem:$0x1E000] =	vst v63  }
0x79: {  	_ =	swait.ge [sflag:s15], $0x2000  }
0x7a: {  	[sflag:s15] =	ssyncset.done $0x0  }
0x7b: {  	s16 =	sadd.s32 $0x300, s0;
	[sflag:s15] =	ssyncadd.s32 $0xFFFFE000  }
0x7c: {  	[tilespmem:s18], [sflag:$0x2] =	stream.indirect.gather [hbm4b:s4+s17], $0x40, s16, s17, $0xb8;
	[tilespmem:$0x1E000] =	vst v63  }
0x7d: {  	_ =	swait.ge [sflag:s29], $0x2000  }
0x7e: {  	[sflag:s29] =	ssyncset.done $0x0  }
0x7f: {  	s16 =	sadd.s32 $0x5100, s0;
	[sflag:s29] =	ssyncadd.s32 $0xFFFFE000  }
0x80: {  	[spmem:s2] =	stream.indirect.scatter.add.f32 [tilespmem:s20], [sflag:$0x6], $0x40, s16, s17, $0xb8;
	[tilespmem:$0x1E000] =	vst v63  }
0x81: {  	_ =	swait.ge [sflag:s15], $0x2000  }
0x82: {  	[sflag:s15] =	ssyncset.done $0x0  }
0x83: {  	s16 =	sadd.s32 $0x380, s0;
	[sflag:s15] =	ssyncadd.s32 $0xFFFFE000  }
0x84: {  	[tilespmem:s20], [sflag:$0x3] =	stream.indirect.gather [hbm4b:s4+s17], $0x40, s16, s17, $0xb8;
	[tilespmem:$0x1E000] =	vst v63  }
0x85: {  	_ =	swait.ge [sflag:s30], $0x2000  }
0x86: {  	[sflag:s30] =	ssyncset.done $0x0  }
0x87: {  	s16 =	sadd.s32 $0x5180, s0;
	[sflag:s30] =	ssyncadd.s32 $0xFFFFE000  }
0x88: {  	[spmem:s2] =	stream.indirect.scatter.add.f32 [tilespmem:s22], [sflag:$0x6], $0x40, s16, s17, $0xb8;
	[tilespmem:$0x1E000] =	vst v63  }
0x89: {  	_ =	swait.ge [sflag:s15], $0x2000  }
0x8a: {  	[sflag:s15] =	ssyncset.done $0x0  }
0x8b: {  	s16 =	sadd.s32 $0x400, s0;
	[sflag:s15] =	ssyncadd.s32 $0xFFFFE000  }
0x8c: {  	[tilespmem:s22], [sflag:$0x4] =	stream.indirect.gather [hbm4b:s4+s17], $0x40, s16, s17, $0xb8;
	[tilespmem:$0x1E000] =	vst v63  }
0x8d: {  	_ =	swait.ge [sflag:s31], $0x2000  }
0x8e: {  	[sflag:s31] =	ssyncset.done $0x0  }
.Ltmp1:
0x8f: {  	s16 =	sadd.s32 $0x5200, s0;
	[sflag:s31] =	ssyncadd.s32 $0xFFFFE000;
	(pc) =	sbr.rel @p0 .LBB2_4-.Ltmp1, $4  }
0x90: {  	[spmem:s2] =	stream.indirect.scatter.add.f32 [tilespmem:s24], [sflag:$0x6], $0x40, s16, s17, $0xb8;
	[tilespmem:$0x1E000] =	vst v63  }
0x91: {  	_ =	swait.ge [sflag:s15], $0x2000  }
0x92: {  	[sflag:s15] =	ssyncset.done $0x0  }
0x93: {  	s0 =	sadd.s32 $0x480, s0;
	[sflag:s15] =	ssyncadd.s32 $0xFFFFE000  }
0x94: {  	[tilespmem:s24], [sflag:$0x5] =	stream.indirect.gather [hbm4b:s4+s17], $0x40, s0, s17, $0xb8;
	[tilespmem:$0x1E000] =	vst v63  }
0x95: {  	_ =	swait.ge [sflag:s26], $0x2000  }
0x96: {  	[sflag:s26] =	ssyncset.done $0x0  }
0x97: {  	s16 =	simm.s32 $0x9D80;
	[sflag:s26] =	ssyncadd.s32 $0xFFFFE000  }
0x98: {  	[spmem:s2] =	stream.indirect.scatter.add.f32 [tilespmem:s14], [sflag:$0x6], $0x40, s16, s17, $0xb8;
	[tilespmem:$0x1E000] =	vst v63  }
0x99: {  	_ =	swait.ge [sflag:s15], $0x2000  }
0x9a: {  	[sflag:s15] =	ssyncset.done $0x0  }
0x9b: {  	[sflag:s15] =	ssyncadd.s32 $0xFFFFE000  }
0x9c: {  	_ =	swait.ge [sflag:s28], $0x2000  }
0x9d: {  	[sflag:s28] =	ssyncset.done $0x0  }
0x9e: {  	s19 =	simm.s32 $0x9E00;
	[sflag:s28] =	ssyncadd.s32 $0xFFFFE000  }
0x9f: {  	[spmem:s2] =	stream.indirect.scatter.add.f32 [tilespmem:s18], [sflag:$0x6], $0x40, s19, s17, $0xb8;
	[tilespmem:$0x1E000] =	vst v63  }
0xa0: {  	_ =	swait.ge [sflag:s15], $0x2000  }
0xa1: {  	[sflag:s15] =	ssyncset.done $0x0  }
0xa2: {  	[sflag:s15] =	ssyncadd.s32 $0xFFFFE000  }
0xa3: {  	_ =	swait.ge [sflag:s29], $0x2000  }
0xa4: {  	[sflag:s29] =	ssyncset.done $0x0  }
0xa5: {  	s1 =	simm.s32 $0x9E80;
	[sflag:s29] =	ssyncadd.s32 $0xFFFFE000  }
0xa6: {  	[spmem:s2] =	stream.indirect.scatter.add.f32 [tilespmem:s20], [sflag:$0x6], $0x40, s1, s17, $0xb8;
	[tilespmem:$0x1E000] =	vst v63  }
0xa7: {  	_ =	swait.ge [sflag:s15], $0x2000  }
0xa8: {  	[sflag:s15] =	ssyncset.done $0x0  }
0xa9: {  	[sflag:s15] =	ssyncadd.s32 $0xFFFFE000  }
0xaa: {  	_ =	swait.ge [sflag:s30], $0x2000  }
0xab: {  	[sflag:s30] =	ssyncset.done $0x0  }
0xac: {  	s16 =	simm.s32 $0x9F00;
	[sflag:s30] =	ssyncadd.s32 $0xFFFFE000  }
0xad: {  	[spmem:s2] =	stream.indirect.scatter.add.f32 [tilespmem:s22], [sflag:$0x6], $0x40, s16, s17, $0xb8;
	[tilespmem:$0x1E000] =	vst v63  }
0xae: {  	_ =	swait.ge [sflag:s15], $0x2000  }
0xaf: {  	[sflag:s15] =	ssyncset.done $0x0  }
0xb0: {  	[sflag:s15] =	ssyncadd.s32 $0xFFFFE000  }
0xb1: {  	_ =	swait.ge [sflag:s31], $0x2000  }
0xb2: {  	[sflag:s31] =	ssyncset.done $0x0  }
0xb3: {  	[sflag:s31] =	ssyncadd.s32 $0xFFFFE000  }
0xb4: {  	[spmem:s2] =	stream.indirect.scatter.add.f32 [tilespmem:s24], [sflag:$0x6], $0x40, s21, s17, $0xb8;
	[tilespmem:$0x1E000] =	vst v63  }
0xb5: {  	_ =	swait.ge [sflag:s15], $0x2000  }
0xb6: {  	s23 =	sadd.s32 $0x1, s23;
	s19 =	stileid.u32;
	[sflag:s15] =	ssyncset.done $0x0  }
0xb7: {  	p0 =	sne.s32 s23, s9;
	s0 =	sshll.u32 s19, $0x6;
	[sflag:s15] =	ssyncadd.s32 $0xFFFFE000  }
.Ltmp2:
0xb8: {  	s0 =	sor.u32 $0x1C06, s0;
	[bflag:$0x0] =	sbarrier.arrive $0xFFFF;
	(pc) =	sbr.rel @p0 .LBB2_1-.Ltmp2, $4  }
0xb9: {  	[hbm:s8], [sflag:s0] =	dma.local [spmem:s25], $0x1400  }
0xba: {  	_ =	swait.ge [sflag:s15], $0x1400  }
0xbb: {  	[sflag:s15] =	ssyncset.done $0x0  }
0xbc: {  	[sflag:s15] =	ssyncadd.s32 $0xFFFFEC00  }
0xbd: {  	_ =	sfence.sel $0x180000  }
0xbe: {  	[bflag:$0x0] =	sbarrier.arrive $0xFFFF  }
0xbf: {  	_ =	strace $0x90000047  }
0xc0: {  	s0 =	stileid.u32;
	[bflag:$0x2] =	sbarrier.arrive $0xFFFF  }
0xc1: {  	p0 =	sne.s32 s0, $0x0;
	s0 =	rddreg [dreg:$0x2]  }
0xc2: {  	s0 =	sadd.s32 @!p0 $0x100000, s0  }
0xc3: {  	[sflag:s0] =	ssyncadd.tile.s32 @!p0 $0x1;
	_ =	shalt  }
.Lfunc_end2:
_tile_overlayer_lowered:
.L_overlay_start_2:
0xc4: {  	(tag) =	ssettag $0x2  }
0xc5: {  	s0 =	rddreg [dreg:$0x0];
	s2 =	stileid.u32  }
0xc6: {  	s1 =	rddreg [dreg:$0x1];
	p0 =	sne.s32 s2, $0x0  }
0xc7: {  	s3 =	rddreg [dreg:$0x2];
	[bflag:$0x3] =	sbarrier.arrive $0xFFFF;
	s2 =	simm.s32 @!p0 $0x1C06  }
0xc8: {  	[timem:s3], [sflag:s2] =	dma.local @!p0 [hbm:s0], s1  }
0xc9: {  	s0 =	simm.s32 @!p0 $0x6  }
0xca: {  	_ =	swait.ge @!p0 [sflag:s0], s1  }
0xcb: {  	s1 =	ssub.s32 @!p0 $0x0, s1;
	[sflag:s0] =	ssyncset.done @!p0 $0x0  }
0xcc: {  	[sflag:s0] =	ssyncadd.s32 @!p0 s1  }
0xcd: {  	[bflag:$0x3] =	sbarrier.arrive $0xFFFF  }
0xce: {  	_ =	shalt  }

</sc_bundles>
